<compile_context>
chip_gen: v7x
topology: tpu7x:2x2x1
jax: 0.10.2.dev20260603
libtpu: 0.0.44.dev20260713+nightly
codegen_flags: <defaults>
</compile_context>

<pallas_src>
import functools

import jax
import jax.numpy as jnp
from jax import lax
from jax.experimental import pallas as pl
from jax.experimental.pallas import tpu as pltpu
from jax.experimental.pallas import tpu_sc as plsc

D = 12


def _build(B, L, NC, NS, LN):
    NW = NC * NS
    per_w = B // NW
    CB = 128
    n_chunks = per_w // CB
    pairs = (CB // LN) * L

    mesh = plsc.VectorSubcoreMesh(core_axis_name="c", subcore_axis_name="s")

    @functools.partial(
        pl.kernel,
        mesh=mesh,
        compiler_params=pltpu.CompilerParams(needs_layout_passes=False),
        out_type=jax.ShapeDtypeStruct((D, L, B), jnp.float32),
        scratch_types=[
            pltpu.VMEM((56, CB), jnp.int32),
            pltpu.VMEM((56, CB), jnp.int32),
            pltpu.VMEM((56, CB), jnp.int32),
            pltpu.VMEM((56, CB), jnp.int32),
            pltpu.VMEM((8, 56, CB), jnp.float32),
            pltpu.VMEM((4, 56, CB), jnp.float32),
            pltpu.VMEM((112,), jnp.float32),
            pltpu.VMEM((32,), jnp.float32),
            pltpu.SemaphoreType.DMA,
            pltpu.SemaphoreType.DMA,
            pltpu.SemaphoreType.DMA,
            pltpu.SemaphoreType.DMA,
            pltpu.SemaphoreType.DMA,
            pltpu.SemaphoreType.DMA,
        ],
    )
    def run(ranks_hbm, suits_hbm, rtab_hbm, stab_hbm, out_hbm,
            rb0, rb1, sb0, sb1, oa, ob, rtab_v, stab_v,
            si0, si1, sj0, sj1, sa, sbs):
        wid = lax.axis_index("s") * NC + lax.axis_index("c")
        base = wid * per_w

        pltpu.sync_copy(rtab_hbm, rtab_v)
        pltpu.sync_copy(stab_hbm, stab_v)

        r_bufs, s_bufs = (rb0, rb1), (sb0, sb1)
        r_sems, s_sems = (si0, si1), (sj0, sj1)

        def start_r(g):
            sel = g % 2
            return pltpu.async_copy(
                ranks_hbm.at[:, pl.ds(base + g * CB, CB)],
                r_bufs[sel].at[pl.ds(0, L), :], r_sems[sel])

        def start_s(g):
            sel = g % 2
            return pltpu.async_copy(
                suits_hbm.at[:, pl.ds(base + g * CB, CB)],
                s_bufs[sel].at[pl.ds(0, L), :], s_sems[sel])

        r_fl, s_fl = start_r(0), start_s(0)
        a_fl = b_fl = None

        for g in range(n_chunks):
            sel = g % 2
            rb_c, sb_c = r_bufs[sel], s_bufs[sel]
            b0 = pl.multiple_of(base + g * CB, CB)

            r_fl.wait()
            if g + 1 < n_chunks:
                r_fl = start_r(g + 1)
            if a_fl is not None:
                a_fl.wait()

            @plsc.parallel_loop(0, pairs, unroll=2)
            def pair_a(i):
                l = i >> 3
                bj0 = (i & 7) * LN
                rv = rb_c[l, pl.ds(bj0, LN)]
                r8 = rv * 8
                vals = [plsc.load_gather(rtab_v, [r8 + d]) for d in range(8)]
                for d in range(8):
                    oa[d, l, pl.ds(bj0, LN)] = vals[d]

            a_fl = pltpu.async_copy(
                oa.at[:, pl.ds(0, L), :], out_hbm.at[pl.ds(0, 8), :, pl.ds(b0, CB)], sa)

            s_fl.wait()
            if g + 1 < n_chunks:
                s_fl = start_s(g + 1)
            if b_fl is not None:
                b_fl.wait()

            @plsc.parallel_loop(0, pairs, unroll=2)
            def pair_b(i):
                l = i >> 3
                bj0 = (i & 7) * LN
                sv = sb_c[l, pl.ds(bj0, LN)]
                s4 = sv * 4
                vals = [plsc.load_gather(stab_v, [s4 + d]) for d in range(4)]
                for d in range(4):
                    ob[d, l, pl.ds(bj0, LN)] = vals[d]

            b_fl = pltpu.async_copy(
                ob.at[:, pl.ds(0, L), :], out_hbm.at[pl.ds(8, 4), :, pl.ds(b0, CB)], sbs)

        a_fl.wait()
        b_fl.wait()

    return run


def kernel(ranks, suits, rank_table, suit_table):
    B, L = ranks.shape

    info = plsc.get_sparse_core_info()
    NC, NS, LN = info.num_cores, info.num_subcores, info.num_lanes

    ranks_t = jnp.transpose(ranks.astype(jnp.int32))
    suits_t = jnp.transpose(suits.astype(jnp.int32))
    rtab_f = rank_table.reshape(-1).astype(jnp.float32)
    stab_f = jnp.pad(suit_table.reshape(-1).astype(jnp.float32), (0, 12))

    run = _build(B, L, NC, NS, LN)
    out_t = run(ranks_t, suits_t, rtab_f, stab_f)
    return jnp.transpose(out_t, (2, 1, 0))

# --- scband reference (transcript-rebuilt; emitter-appended) ---
"""Pipeline reference for scband-card-embedding-26242250178700 (READ-ONLY COPY).

The authoritative reference and input builder live on the scoring server;
editing this copy changes nothing except your own understanding.
"""

import jax, jax.numpy as jnp
import numpy as np


def setup_inputs(seed: int = 0) -> dict:
    key = jax.random.key(seed)
    k1, k2, k3, k4 = jax.random.split(key, 4)
    ranks = jax.random.randint(k1, (16384, 50), 0, 14, dtype=jnp.int64 if jax.config.jax_enable_x64 else jnp.int32)
    suits = jax.random.randint(k2, (16384, 50), 0, 5, dtype=jnp.int64 if jax.config.jax_enable_x64 else jnp.int32)
    rank_table = jax.random.normal(k3, (14, 8), dtype=jnp.float32)
    suit_table = jax.random.normal(k4, (5, 4), dtype=jnp.float32)
    return {"ranks": ranks, "suits": suits, "rank_table": rank_table, "suit_table": suit_table}


def reference(ranks, suits, rank_table, suit_table):
    # Faithful to CardEmbedding.forward: embed ranks and suits, concat on last dim.
    rank_emb = jnp.take(rank_table, ranks, axis=0)  # [B, L, 8]
    suit_emb = jnp.take(suit_table, suits, axis=0)  # [B, L, 4]
    return jnp.concatenate([rank_emb, suit_emb], axis=-1)  # [B, L, 12]

if __name__ == "__main__":
    import jax
    _d = setup_inputs()
    print(jax.jit(kernel)(*tuple(_d.values())))

</pallas_src>

<mosaic_0001>
#map = affine_map<(d0, d1) -> (0, 0)>
#map1 = affine_map<(d0, d1) -> (0)>
#map2 = affine_map<(d0, d1) -> (0, 0, 0)>
module attributes {stable_mosaic.version = 14 : i64} {
  func.func @run(%arg0: i32, %arg1: i32, %arg2: memref<50x16384xi32, #tpu.memory_space<hbm>>, %arg3: memref<50x16384xi32, #tpu.memory_space<hbm>>, %arg4: memref<112xf32, #tpu.memory_space<hbm>>, %arg5: memref<32xf32, #tpu.memory_space<hbm>>, %arg6: memref<12x50x16384xf32, #tpu.memory_space<hbm>>, %arg7: memref<56x128xi32, #tpu.memory_space<vmem>>, %arg8: memref<56x128xi32, #tpu.memory_space<vmem>>, %arg9: memref<56x128xi32, #tpu.memory_space<vmem>>, %arg10: memref<56x128xi32, #tpu.memory_space<vmem>>, %arg11: memref<8x56x128xf32, #tpu.memory_space<vmem>>, %arg12: memref<4x56x128xf32, #tpu.memory_space<vmem>>, %arg13: memref<112xf32, #tpu.memory_space<vmem>>, %arg14: memref<32xf32, #tpu.memory_space<vmem>>, %arg15: memref<!tpu.dma_semaphore, #tpu.memory_space<semaphore_mem>>, %arg16: memref<!tpu.dma_semaphore, #tpu.memory_space<semaphore_mem>>, %arg17: memref<!tpu.dma_semaphore, #tpu.memory_space<semaphore_mem>>, %arg18: memref<!tpu.dma_semaphore, #tpu.memory_space<semaphore_mem>>, %arg19: memref<!tpu.dma_semaphore, #tpu.memory_space<semaphore_mem>>, %arg20: memref<!tpu.dma_semaphore, #tpu.memory_space<semaphore_mem>>) attributes {dimension_semantics = [#tpu.dimension_semantics<core_parallel>, #tpu.dimension_semantics<subcore_parallel>], iteration_bounds = array<i64: 2, 16>, scalar_prefetch = 0 : i64, scratch_operands = 14 : i64, tpu.core_type = #tpu.core_type<sc_vector_subcore>, window_params = [{transform_indices = #map}, {transform_indices = #map}, {transform_indices = #map1}, {transform_indices = #map1}, {transform_indices = #map2}]} {
    %mul3A = arith.constant 2 : i32
    %mul3A_0 = arith.muli %arg1, %mul3A : i32
    %add3A = arith.addi %mul3A_0, %arg0 : i32
    %mul3A_1 = arith.constant 512 : i32
    %mul3A_2 = arith.muli %add3A, %mul3A_1 : i32
    "tpu.region"() ({
      %run_scoped3A = tpu.sem_alloc : memref<!tpu.dma_semaphore, #tpu.memory_space<semaphore_mem>>
      tpu.enqueue_dma source(%arg4 : memref<112xf32, #tpu.memory_space<hbm>>) target(%arg13 : memref<112xf32, #tpu.memory_space<vmem>>) target_semaphore(%run_scoped3A : memref<!tpu.dma_semaphore, #tpu.memory_space<semaphore_mem>>)
      tpu.wait_dma2 semaphore(%run_scoped3A : memref<!tpu.dma_semaphore, #tpu.memory_space<semaphore_mem>>) src(%arg4 : memref<112xf32, #tpu.memory_space<hbm>>) dst(%arg13 : memref<112xf32, #tpu.memory_space<vmem>>)
      tpu.yield
    }) : () -> ()
    "tpu.region"() ({
      %run_scoped3A = tpu.sem_alloc : memref<!tpu.dma_semaphore, #tpu.memory_space<semaphore_mem>>
      tpu.enqueue_dma source(%arg5 : memref<32xf32, #tpu.memory_space<hbm>>) target(%arg14 : memref<32xf32, #tpu.memory_space<vmem>>) target_semaphore(%run_scoped3A : memref<!tpu.dma_semaphore, #tpu.memory_space<semaphore_mem>>)
      tpu.wait_dma2 semaphore(%run_scoped3A : memref<!tpu.dma_semaphore, #tpu.memory_space<semaphore_mem>>) src(%arg5 : memref<32xf32, #tpu.memory_space<hbm>>) dst(%arg14 : memref<32xf32, #tpu.memory_space<vmem>>)
      tpu.yield
    }) : () -> ()
    %add3A_3 = arith.constant 0 : i32
    %add3A_4 = arith.addi %mul3A_2, %add3A_3 : i32
    %dma_start3A = arith.constant 0 : i32
    %dma_start3A_5 = arith.constant 0 : i32
    %dma_start3A_6 = tpu.memref_slice %arg7[%dma_start3A, %dma_start3A_5] : memref<56x128xi32, #tpu.memory_space<vmem>> -> memref<50x128xi32, #tpu.memory_space<vmem>>
    %dma_start3A_7 = arith.constant 0 : i32
    %dma_start3A_8 = tpu.memref_slice %arg2[%dma_start3A_7, %add3A_4] : memref<50x16384xi32, #tpu.memory_space<hbm>> -> memref<50x128xi32, #tpu.memory_space<hbm>>
    %dma_start3A_9 = arith.constant 0 : i32
    %dma_start3A_10 = arith.constant 0 : i32
    %dma_start3A_11 = tpu.memref_slice %arg7[%dma_start3A_9, %dma_start3A_10] : memref<56x128xi32, #tpu.memory_space<vmem>> -> memref<50x128xi32, #tpu.memory_space<vmem>>
    %dma_start3A_12 = arith.constant 0 : i32
    %dma_start3A_13 = tpu.memref_slice %arg2[%dma_start3A_12, %add3A_4] : memref<50x16384xi32, #tpu.memory_space<hbm>> -> memref<50x128xi32, #tpu.memory_space<hbm>>
    tpu.enqueue_dma source(%dma_start3A_13 : memref<50x128xi32, #tpu.memory_space<hbm>>) target(%dma_start3A_11 : memref<50x128xi32, #tpu.memory_space<vmem>>) target_semaphore(%arg15 : memref<!tpu.dma_semaphore, #tpu.memory_space<semaphore_mem>>)
    %add3A_14 = arith.constant 0 : i32
    %add3A_15 = arith.addi %mul3A_2, %add3A_14 : i32
    %dma_start3A_16 = arith.constant 0 : i32
    %dma_start3A_17 = arith.constant 0 : i32
    %dma_start3A_18 = tpu.memref_slice %arg9[%dma_start3A_16, %dma_start3A_17] : memref<56x128xi32, #tpu.memory_space<vmem>> -> memref<50x128xi32, #tpu.memory_space<vmem>>
    %dma_start3A_19 = arith.constant 0 : i32
    %dma_start3A_20 = tpu.memref_slice %arg3[%dma_start3A_19, %add3A_15] : memref<50x16384xi32, #tpu.memory_space<hbm>> -> memref<50x128xi32, #tpu.memory_space<hbm>>
    %dma_start3A_21 = arith.constant 0 : i32
    %dma_start3A_22 = arith.constant 0 : i32
    %dma_start3A_23 = tpu.memref_slice %arg9[%dma_start3A_21, %dma_start3A_22] : memref<56x128xi32, #tpu.memory_space<vmem>> -> memref<50x128xi32, #tpu.memory_space<vmem>>
    %dma_start3A_24 = arith.constant 0 : i32
    %dma_start3A_25 = tpu.memref_slice %arg3[%dma_start3A_24, %add3A_15] : memref<50x16384xi32, #tpu.memory_space<hbm>> -> memref<50x128xi32, #tpu.memory_space<hbm>>
    tpu.enqueue_dma source(%dma_start3A_25 : memref<50x128xi32, #tpu.memory_space<hbm>>) target(%dma_start3A_23 : memref<50x128xi32, #tpu.memory_space<vmem>>) target_semaphore(%arg17 : memref<!tpu.dma_semaphore, #tpu.memory_space<semaphore_mem>>)
    %add3A_26 = arith.constant 0 : i32
    %add3A_27 = arith.addi %mul3A_2, %add3A_26 : i32
    %multiple_of3A = tpu.assume_multiple %add3A_27, 128 : i32
    %dma_wait3A = arith.constant 0 : i32
    %dma_wait3A_28 = arith.constant 0 : i32
    %dma_wait3A_29 = tpu.memref_slice %arg7[%dma_wait3A, %dma_wait3A_28] : memref<56x128xi32, #tpu.memory_space<vmem>> -> memref<50x128xi32, #tpu.memory_space<vmem>>
    %dma_wait3A_30 = arith.constant 0 : i32
    %dma_wait3A_31 = tpu.memref_slice %arg2[%dma_wait3A_30, %add3A_4] : memref<50x16384xi32, #tpu.memory_space<hbm>> -> memref<50x128xi32, #tpu.memory_space<hbm>>
    %dma_wait3A_32 = arith.constant 0 : i32
    %dma_wait3A_33 = arith.constant 0 : i32
    %dma_wait3A_34 = tpu.memref_slice %arg7[%dma_wait3A_32, %dma_wait3A_33] : memref<56x128xi32, #tpu.memory_space<vmem>> -> memref<50x128xi32, #tpu.memory_space<vmem>>
    %dma_wait3A_35 = arith.constant 0 : i32
    %dma_wait3A_36 = tpu.memref_slice %arg2[%dma_wait3A_35, %add3A_4] : memref<50x16384xi32, #tpu.memory_space<hbm>> -> memref<50x128xi32, #tpu.memory_space<hbm>>
    tpu.wait_dma2 semaphore(%arg15 : memref<!tpu.dma_semaphore, #tpu.memory_space<semaphore_mem>>) src(%dma_wait3A_36 : memref<50x128xi32, #tpu.memory_space<hbm>>) dst(%dma_wait3A_34 : memref<50x128xi32, #tpu.memory_space<vmem>>)
    %add3A_37 = arith.constant 128 : i32
    %add3A_38 = arith.addi %mul3A_2, %add3A_37 : i32
    %dma_start3A_39 = arith.constant 0 : i32
    %dma_start3A_40 = arith.constant 0 : i32
    %dma_start3A_41 = tpu.memref_slice %arg8[%dma_start3A_39, %dma_start3A_40] : memref<56x128xi32, #tpu.memory_space<vmem>> -> memref<50x128xi32, #tpu.memory_space<vmem>>
    %dma_start3A_42 = arith.constant 0 : i32
    %dma_start3A_43 = tpu.memref_slice %arg2[%dma_start3A_42, %add3A_38] : memref<50x16384xi32, #tpu.memory_space<hbm>> -> memref<50x128xi32, #tpu.memory_space<hbm>>
    %dma_start3A_44 = arith.constant 0 : i32
    %dma_start3A_45 = arith.constant 0 : i32
    %dma_start3A_46 = tpu.memref_slice %arg8[%dma_start3A_44, %dma_start3A_45] : memref<56x128xi32, #tpu.memory_space<vmem>> -> memref<50x128xi32, #tpu.memory_space<vmem>>
    %dma_start3A_47 = arith.constant 0 : i32
    %dma_start3A_48 = tpu.memref_slice %arg2[%dma_start3A_47, %add3A_38] : memref<50x16384xi32, #tpu.memory_space<hbm>> -> memref<50x128xi32, #tpu.memory_space<hbm>>
    tpu.enqueue_dma source(%dma_start3A_48 : memref<50x128xi32, #tpu.memory_space<hbm>>) target(%dma_start3A_46 : memref<50x128xi32, #tpu.memory_space<vmem>>) target_semaphore(%arg16 : memref<!tpu.dma_semaphore, #tpu.memory_space<semaphore_mem>>)
    %parallel_loop3A = arith.constant 0 : i32
    %parallel_loop3A_49 = arith.constant 400 : i32
    %parallel_loop3A_50 = arith.constant 1 : i32
    scf.for %parallel_loop3A_435 = %parallel_loop3A to %parallel_loop3A_49 step %parallel_loop3A_50  : i32 {
      %parallel_loop3A_436 = arith.constant 3 : i32
      %parallel_loop3A_437 = arith.shrsi %parallel_loop3A_435, %parallel_loop3A_436 : i32
      %parallel_loop3A_438 = arith.constant 7 : i32
      %parallel_loop3A_439 = arith.andi %parallel_loop3A_435, %parallel_loop3A_438 : i32
      %parallel_loop3A_440 = arith.constant 16 : i32
      %parallel_loop3A_441 = arith.muli %parallel_loop3A_439, %parallel_loop3A_440 : i32
      %parallel_loop3A_442 = arith.index_cast %parallel_loop3A_437 : i32 to index
      %parallel_loop3A_443 = arith.index_cast %parallel_loop3A_441 : i32 to index
      %parallel_loop3A_444 = tpu.vector_load %arg7[%parallel_loop3A_442, %parallel_loop3A_443] {strides = array<i32>} : memref<56x128xi32, #tpu.memory_space<vmem>>, vector<16xi32>,
      %parallel_loop3A_445 = arith.constant 8 : i32
      %parallel_loop3A_446 = vector.broadcast %parallel_loop3A_445 : i32 to vector<16xi32>
      %parallel_loop3A_447 = arith.muli %parallel_loop3A_444, %parallel_loop3A_446 : vector<16xi32>
      %parallel_loop3A_448 = arith.constant 0 : i32
      %parallel_loop3A_449 = vector.broadcast %parallel_loop3A_448 : i32 to vector<16xi32>
      %parallel_loop3A_450 = arith.addi %parallel_loop3A_447, %parallel_loop3A_449 : vector<16xi32>
      %parallel_loop3A_451 = tpu.vector_load_idx %arg13[%parallel_loop3A_450] : memref<112xf32, #tpu.memory_space<vmem>>[vector<16xi32>], vector<16xf32>,
      %parallel_loop3A_452 = arith.constant 1 : i32
      %parallel_loop3A_453 = vector.broadcast %parallel_loop3A_452 : i32 to vector<16xi32>
      %parallel_loop3A_454 = arith.addi %parallel_loop3A_447, %parallel_loop3A_453 : vector<16xi32>
      %parallel_loop3A_455 = tpu.vector_load_idx %arg13[%parallel_loop3A_454] : memref<112xf32, #tpu.memory_space<vmem>>[vector<16xi32>], vector<16xf32>,
      %parallel_loop3A_456 = arith.constant 2 : i32
      %parallel_loop3A_457 = vector.broadcast %parallel_loop3A_456 : i32 to vector<16xi32>
      %parallel_loop3A_458 = arith.addi %parallel_loop3A_447, %parallel_loop3A_457 : vector<16xi32>
      %parallel_loop3A_459 = tpu.vector_load_idx %arg13[%parallel_loop3A_458] : memref<112xf32, #tpu.memory_space<vmem>>[vector<16xi32>], vector<16xf32>,
      %parallel_loop3A_460 = arith.constant 3 : i32
      %parallel_loop3A_461 = vector.broadcast %parallel_loop3A_460 : i32 to vector<16xi32>
      %parallel_loop3A_462 = arith.addi %parallel_loop3A_447, %parallel_loop3A_461 : vector<16xi32>
      %parallel_loop3A_463 = tpu.vector_load_idx %arg13[%parallel_loop3A_462] : memref<112xf32, #tpu.memory_space<vmem>>[vector<16xi32>], vector<16xf32>,
      %parallel_loop3A_464 = arith.constant 4 : i32
      %parallel_loop3A_465 = vector.broadcast %parallel_loop3A_464 : i32 to vector<16xi32>
      %parallel_loop3A_466 = arith.addi %parallel_loop3A_447, %parallel_loop3A_465 : vector<16xi32>
      %parallel_loop3A_467 = tpu.vector_load_idx %arg13[%parallel_loop3A_466] : memref<112xf32, #tpu.memory_space<vmem>>[vector<16xi32>], vector<16xf32>,
      %parallel_loop3A_468 = arith.constant 5 : i32
      %parallel_loop3A_469 = vector.broadcast %parallel_loop3A_468 : i32 to vector<16xi32>
      %parallel_loop3A_470 = arith.addi %parallel_loop3A_447, %parallel_loop3A_469 : vector<16xi32>
      %parallel_loop3A_471 = tpu.vector_load_idx %arg13[%parallel_loop3A_470] : memref<112xf32, #tpu.memory_space<vmem>>[vector<16xi32>], vector<16xf32>,
      %parallel_loop3A_472 = arith.constant 6 : i32
      %parallel_loop3A_473 = vector.broadcast %parallel_loop3A_472 : i32 to vector<16xi32>
      %parallel_loop3A_474 = arith.addi %parallel_loop3A_447, %parallel_loop3A_473 : vector<16xi32>
      %parallel_loop3A_475 = tpu.vector_load_idx %arg13[%parallel_loop3A_474] : memref<112xf32, #tpu.memory_space<vmem>>[vector<16xi32>], vector<16xf32>,
      %parallel_loop3A_476 = arith.constant 7 : i32
      %parallel_loop3A_477 = vector.broadcast %parallel_loop3A_476 : i32 to vector<16xi32>
      %parallel_loop3A_478 = arith.addi %parallel_loop3A_447, %parallel_loop3A_477 : vector<16xi32>
      %parallel_loop3A_479 = tpu.vector_load_idx %arg13[%parallel_loop3A_478] : memref<112xf32, #tpu.memory_space<vmem>>[vector<16xi32>], vector<16xf32>,
      %parallel_loop3A_480 = arith.constant 0 : i32
      %parallel_loop3A_481 = arith.index_cast %parallel_loop3A_480 : i32 to index
      %parallel_loop3A_482 = arith.index_cast %parallel_loop3A_437 : i32 to index
      %parallel_loop3A_483 = arith.index_cast %parallel_loop3A_441 : i32 to index
      %parallel_loop3A_484 = tpu.vector_load %arg11[%parallel_loop3A_481, %parallel_loop3A_482, %parallel_loop3A_483] {strides = array<i32>} : memref<8x56x128xf32, #tpu.memory_space<vmem>>, vector<16xf32>,
      tpu.vector_store %arg11[%parallel_loop3A_481, %parallel_loop3A_482, %parallel_loop3A_483], %parallel_loop3A_451 {strides = array<i32>} : memref<8x56x128xf32, #tpu.memory_space<vmem>>, vector<16xf32>,
      %parallel_loop3A_485 = arith.constant 1 : i32
      %parallel_loop3A_486 = arith.index_cast %parallel_loop3A_485 : i32 to index
      %parallel_loop3A_487 = arith.index_cast %parallel_loop3A_437 : i32 to index
      %parallel_loop3A_488 = arith.index_cast %parallel_loop3A_441 : i32 to index
      %parallel_loop3A_489 = tpu.vector_load %arg11[%parallel_loop3A_486, %parallel_loop3A_487, %parallel_loop3A_488] {strides = array<i32>} : memref<8x56x128xf32, #tpu.memory_space<vmem>>, vector<16xf32>,
      tpu.vector_store %arg11[%parallel_loop3A_486, %parallel_loop3A_487, %parallel_loop3A_488], %parallel_loop3A_455 {strides = array<i32>} : memref<8x56x128xf32, #tpu.memory_space<vmem>>, vector<16xf32>,
      %parallel_loop3A_490 = arith.constant 2 : i32
      %parallel_loop3A_491 = arith.index_cast %parallel_loop3A_490 : i32 to index
      %parallel_loop3A_492 = arith.index_cast %parallel_loop3A_437 : i32 to index
      %parallel_loop3A_493 = arith.index_cast %parallel_loop3A_441 : i32 to index
      %parallel_loop3A_494 = tpu.vector_load %arg11[%parallel_loop3A_491, %parallel_loop3A_492, %parallel_loop3A_493] {strides = array<i32>} : memref<8x56x128xf32, #tpu.memory_space<vmem>>, vector<16xf32>,
      tpu.vector_store %arg11[%parallel_loop3A_491, %parallel_loop3A_492, %parallel_loop3A_493], %parallel_loop3A_459 {strides = array<i32>} : memref<8x56x128xf32, #tpu.memory_space<vmem>>, vector<16xf32>,
      %parallel_loop3A_495 = arith.constant 3 : i32
      %parallel_loop3A_496 = arith.index_cast %parallel_loop3A_495 : i32 to index
      %parallel_loop3A_497 = arith.index_cast %parallel_loop3A_437 : i32 to index
      %parallel_loop3A_498 = arith.index_cast %parallel_loop3A_441 : i32 to index
      %parallel_loop3A_499 = tpu.vector_load %arg11[%parallel_loop3A_496, %parallel_loop3A_497, %parallel_loop3A_498] {strides = array<i32>} : memref<8x56x128xf32, #tpu.memory_space<vmem>>, vector<16xf32>,
      tpu.vector_store %arg11[%parallel_loop3A_496, %parallel_loop3A_497, %parallel_loop3A_498], %parallel_loop3A_463 {strides = array<i32>} : memref<8x56x128xf32, #tpu.memory_space<vmem>>, vector<16xf32>,
      %parallel_loop3A_500 = arith.constant 4 : i32
      %parallel_loop3A_501 = arith.index_cast %parallel_loop3A_500 : i32 to index
      %parallel_loop3A_502 = arith.index_cast %parallel_loop3A_437 : i32 to index
      %parallel_loop3A_503 = arith.index_cast %parallel_loop3A_441 : i32 to index
      %parallel_loop3A_504 = tpu.vector_load %arg11[%parallel_loop3A_501, %parallel_loop3A_502, %parallel_loop3A_503] {strides = array<i32>} : memref<8x56x128xf32, #tpu.memory_space<vmem>>, vector<16xf32>,
      tpu.vector_store %arg11[%parallel_loop3A_501, %parallel_loop3A_502, %parallel_loop3A_503], %parallel_loop3A_467 {strides = array<i32>} : memref<8x56x128xf32, #tpu.memory_space<vmem>>, vector<16xf32>,
      %parallel_loop3A_505 = arith.constant 5 : i32
      %parallel_loop3A_506 = arith.index_cast %parallel_loop3A_505 : i32 to index
      %parallel_loop3A_507 = arith.index_cast %parallel_loop3A_437 : i32 to index
      %parallel_loop3A_508 = arith.index_cast %parallel_loop3A_441 : i32 to index
      %parallel_loop3A_509 = tpu.vector_load %arg11[%parallel_loop3A_506, %parallel_loop3A_507, %parallel_loop3A_508] {strides = array<i32>} : memref<8x56x128xf32, #tpu.memory_space<vmem>>, vector<16xf32>,
      tpu.vector_store %arg11[%parallel_loop3A_506, %parallel_loop3A_507, %parallel_loop3A_508], %parallel_loop3A_471 {strides = array<i32>} : memref<8x56x128xf32, #tpu.memory_space<vmem>>, vector<16xf32>,
      %parallel_loop3A_510 = arith.constant 6 : i32
      %parallel_loop3A_511 = arith.index_cast %parallel_loop3A_510 : i32 to index
      %parallel_loop3A_512 = arith.index_cast %parallel_loop3A_437 : i32 to index
      %parallel_loop3A_513 = arith.index_cast %parallel_loop3A_441 : i32 to index
      %parallel_loop3A_514 = tpu.vector_load %arg11[%parallel_loop3A_511, %parallel_loop3A_512, %parallel_loop3A_513] {strides = array<i32>} : memref<8x56x128xf32, #tpu.memory_space<vmem>>, vector<16xf32>,
      tpu.vector_store %arg11[%parallel_loop3A_511, %parallel_loop3A_512, %parallel_loop3A_513], %parallel_loop3A_475 {strides = array<i32>} : memref<8x56x128xf32, #tpu.memory_space<vmem>>, vector<16xf32>,
      %parallel_loop3A_515 = arith.constant 7 : i32
      %parallel_loop3A_516 = arith.index_cast %parallel_loop3A_515 : i32 to index
      %parallel_loop3A_517 = arith.index_cast %parallel_loop3A_437 : i32 to index
      %parallel_loop3A_518 = arith.index_cast %parallel_loop3A_441 : i32 to index
      %parallel_loop3A_519 = tpu.vector_load %arg11[%parallel_loop3A_516, %parallel_loop3A_517, %parallel_loop3A_518] {strides = array<i32>} : memref<8x56x128xf32, #tpu.memory_space<vmem>>, vector<16xf32>,
      tpu.vector_store %arg11[%parallel_loop3A_516, %parallel_loop3A_517, %parallel_loop3A_518], %parallel_loop3A_479 {strides = array<i32>} : memref<8x56x128xf32, #tpu.memory_space<vmem>>, vector<16xf32>,
    } {sc.loop_unroll_factor = 2 : i64, sc.parallel_access}
    %dma_start3A_51 = arith.constant 0 : i32
    %dma_start3A_52 = arith.constant 0 : i32
    %dma_start3A_53 = arith.constant 0 : i32
    %dma_start3A_54 = tpu.memref_slice %arg11[%dma_start3A_51, %dma_start3A_52, %dma_start3A_53] : memref<8x56x128xf32, #tpu.memory_space<vmem>> -> memref<8x50x128xf32, #tpu.memory_space<vmem>>
    %dma_start3A_55 = arith.constant 0 : i32
    %dma_start3A_56 = arith.constant 0 : i32
    %dma_start3A_57 = tpu.memref_slice %arg6[%dma_start3A_55, %dma_start3A_56, %multiple_of3A] : memref<12x50x16384xf32, #tpu.memory_space<hbm>> -> memref<8x50x128xf32, #tpu.memory_space<hbm>>
    %dma_start3A_58 = arith.constant 0 : i32
    %dma_start3A_59 = arith.constant 0 : i32
    %dma_start3A_60 = tpu.memref_slice %arg6[%dma_start3A_58, %dma_start3A_59, %multiple_of3A] : memref<12x50x16384xf32, #tpu.memory_space<hbm>> -> memref<8x50x128xf32, #tpu.memory_space<hbm>>
    %dma_start3A_61 = arith.constant 0 : i32
    %dma_start3A_62 = arith.constant 0 : i32
    %dma_start3A_63 = arith.constant 0 : i32
    %dma_start3A_64 = tpu.memref_slice %arg11[%dma_start3A_61, %dma_start3A_62, %dma_start3A_63] : memref<8x56x128xf32, #tpu.memory_space<vmem>> -> memref<8x50x128xf32, #tpu.memory_space<vmem>>
    tpu.enqueue_dma source(%dma_start3A_64 : memref<8x50x128xf32, #tpu.memory_space<vmem>>) target(%dma_start3A_60 : memref<8x50x128xf32, #tpu.memory_space<hbm>>) target_semaphore(%arg19 : memref<!tpu.dma_semaphore, #tpu.memory_space<semaphore_mem>>)
    %dma_wait3A_65 = arith.constant 0 : i32
    %dma_wait3A_66 = arith.constant 0 : i32
    %dma_wait3A_67 = tpu.memref_slice %arg9[%dma_wait3A_65, %dma_wait3A_66] : memref<56x128xi32, #tpu.memory_space<vmem>> -> memref<50x128xi32, #tpu.memory_space<vmem>>
    %dma_wait3A_68 = arith.constant 0 : i32
    %dma_wait3A_69 = tpu.memref_slice %arg3[%dma_wait3A_68, %add3A_15] : memref<50x16384xi32, #tpu.memory_space<hbm>> -> memref<50x128xi32, #tpu.memory_space<hbm>>
    %dma_wait3A_70 = arith.constant 0 : i32
    %dma_wait3A_71 = arith.constant 0 : i32
    %dma_wait3A_72 = tpu.memref_slice %arg9[%dma_wait3A_70, %dma_wait3A_71] : memref<56x128xi32, #tpu.memory_space<vmem>> -> memref<50x128xi32, #tpu.memory_space<vmem>>
    %dma_wait3A_73 = arith.constant 0 : i32
    %dma_wait3A_74 = tpu.memref_slice %arg3[%dma_wait3A_73, %add3A_15] : memref<50x16384xi32, #tpu.memory_space<hbm>> -> memref<50x128xi32, #tpu.memory_space<hbm>>
    tpu.wait_dma2 semaphore(%arg17 : memref<!tpu.dma_semaphore, #tpu.memory_space<semaphore_mem>>) src(%dma_wait3A_74 : memref<50x128xi32, #tpu.memory_space<hbm>>) dst(%dma_wait3A_72 : memref<50x128xi32, #tpu.memory_space<vmem>>)
    %add3A_75 = arith.constant 128 : i32
    %add3A_76 = arith.addi %mul3A_2, %add3A_75 : i32
    %dma_start3A_77 = arith.constant 0 : i32
    %dma_start3A_78 = arith.constant 0 : i32
    %dma_start3A_79 = tpu.memref_slice %arg10[%dma_start3A_77, %dma_start3A_78] : memref<56x128xi32, #tpu.memory_space<vmem>> -> memref<50x128xi32, #tpu.memory_space<vmem>>
    %dma_start3A_80 = arith.constant 0 : i32
    %dma_start3A_81 = tpu.memref_slice %arg3[%dma_start3A_80, %add3A_76] : memref<50x16384xi32, #tpu.memory_space<hbm>> -> memref<50x128xi32, #tpu.memory_space<hbm>>
    %dma_start3A_82 = arith.constant 0 : i32
    %dma_start3A_83 = arith.constant 0 : i32
    %dma_start3A_84 = tpu.memref_slice %arg10[%dma_start3A_82, %dma_start3A_83] : memref<56x128xi32, #tpu.memory_space<vmem>> -> memref<50x128xi32, #tpu.memory_space<vmem>>
    %dma_start3A_85 = arith.constant 0 : i32
    %dma_start3A_86 = tpu.memref_slice %arg3[%dma_start3A_85, %add3A_76] : memref<50x16384xi32, #tpu.memory_space<hbm>> -> memref<50x128xi32, #tpu.memory_space<hbm>>
    tpu.enqueue_dma source(%dma_start3A_86 : memref<50x128xi32, #tpu.memory_space<hbm>>) target(%dma_start3A_84 : memref<50x128xi32, #tpu.memory_space<vmem>>) target_semaphore(%arg18 : memref<!tpu.dma_semaphore, #tpu.memory_space<semaphore_mem>>)
    %parallel_loop3A_87 = arith.constant 0 : i32
    %parallel_loop3A_88 = arith.constant 400 : i32
    %parallel_loop3A_89 = arith.constant 1 : i32
    scf.for %parallel_loop3A_435 = %parallel_loop3A_87 to %parallel_loop3A_88 step %parallel_loop3A_89  : i32 {
      %parallel_loop3A_436 = arith.constant 3 : i32
      %parallel_loop3A_437 = arith.shrsi %parallel_loop3A_435, %parallel_loop3A_436 : i32
      %parallel_loop3A_438 = arith.constant 7 : i32
      %parallel_loop3A_439 = arith.andi %parallel_loop3A_435, %parallel_loop3A_438 : i32
      %parallel_loop3A_440 = arith.constant 16 : i32
      %parallel_loop3A_441 = arith.muli %parallel_loop3A_439, %parallel_loop3A_440 : i32
      %parallel_loop3A_442 = arith.index_cast %parallel_loop3A_437 : i32 to index
      %parallel_loop3A_443 = arith.index_cast %parallel_loop3A_441 : i32 to index
      %parallel_loop3A_444 = tpu.vector_load %arg9[%parallel_loop3A_442, %parallel_loop3A_443] {strides = array<i32>} : memref<56x128xi32, #tpu.memory_space<vmem>>, vector<16xi32>,
      %parallel_loop3A_445 = arith.constant 4 : i32
      %parallel_loop3A_446 = vector.broadcast %parallel_loop3A_445 : i32 to vector<16xi32>
      %parallel_loop3A_447 = arith.muli %parallel_loop3A_444, %parallel_loop3A_446 : vector<16xi32>
      %parallel_loop3A_448 = arith.constant 0 : i32
      %parallel_loop3A_449 = vector.broadcast %parallel_loop3A_448 : i32 to vector<16xi32>
      %parallel_loop3A_450 = arith.addi %parallel_loop3A_447, %parallel_loop3A_449 : vector<16xi32>
      %parallel_loop3A_451 = tpu.vector_load_idx %arg14[%parallel_loop3A_450] : memref<32xf32, #tpu.memory_space<vmem>>[vector<16xi32>], vector<16xf32>,
      %parallel_loop3A_452 = arith.constant 1 : i32
      %parallel_loop3A_453 = vector.broadcast %parallel_loop3A_452 : i32 to vector<16xi32>
      %parallel_loop3A_454 = arith.addi %parallel_loop3A_447, %parallel_loop3A_453 : vector<16xi32>
      %parallel_loop3A_455 = tpu.vector_load_idx %arg14[%parallel_loop3A_454] : memref<32xf32, #tpu.memory_space<vmem>>[vector<16xi32>], vector<16xf32>,
      %parallel_loop3A_456 = arith.constant 2 : i32
      %parallel_loop3A_457 = vector.broadcast %parallel_loop3A_456 : i32 to vector<16xi32>
      %parallel_loop3A_458 = arith.addi %parallel_loop3A_447, %parallel_loop3A_457 : vector<16xi32>
      %parallel_loop3A_459 = tpu.vector_load_idx %arg14[%parallel_loop3A_458] : memref<32xf32, #tpu.memory_space<vmem>>[vector<16xi32>], vector<16xf32>,
      %parallel_loop3A_460 = arith.constant 3 : i32
      %parallel_loop3A_461 = vector.broadcast %parallel_loop3A_460 : i32 to vector<16xi32>
      %parallel_loop3A_462 = arith.addi %parallel_loop3A_447, %parallel_loop3A_461 : vector<16xi32>
      %parallel_loop3A_463 = tpu.vector_load_idx %arg14[%parallel_loop3A_462] : memref<32xf32, #tpu.memory_space<vmem>>[vector<16xi32>], vector<16xf32>,
      %parallel_loop3A_464 = arith.constant 0 : i32
      %parallel_loop3A_465 = arith.index_cast %parallel_loop3A_464 : i32 to index
      %parallel_loop3A_466 = arith.index_cast %parallel_loop3A_437 : i32 to index
      %parallel_loop3A_467 = arith.index_cast %parallel_loop3A_441 : i32 to index
      %parallel_loop3A_468 = tpu.vector_load %arg12[%parallel_loop3A_465, %parallel_loop3A_466, %parallel_loop3A_467] {strides = array<i32>} : memref<4x56x128xf32, #tpu.memory_space<vmem>>, vector<16xf32>,
      tpu.vector_store %arg12[%parallel_loop3A_465, %parallel_loop3A_466, %parallel_loop3A_467], %parallel_loop3A_451 {strides = array<i32>} : memref<4x56x128xf32, #tpu.memory_space<vmem>>, vector<16xf32>,
      %parallel_loop3A_469 = arith.constant 1 : i32
      %parallel_loop3A_470 = arith.index_cast %parallel_loop3A_469 : i32 to index
      %parallel_loop3A_471 = arith.index_cast %parallel_loop3A_437 : i32 to index
      %parallel_loop3A_472 = arith.index_cast %parallel_loop3A_441 : i32 to index
      %parallel_loop3A_473 = tpu.vector_load %arg12[%parallel_loop3A_470, %parallel_loop3A_471, %parallel_loop3A_472] {strides = array<i32>} : memref<4x56x128xf32, #tpu.memory_space<vmem>>, vector<16xf32>,
      tpu.vector_store %arg12[%parallel_loop3A_470, %parallel_loop3A_471, %parallel_loop3A_472], %parallel_loop3A_455 {strides = array<i32>} : memref<4x56x128xf32, #tpu.memory_space<vmem>>, vector<16xf32>,
      %parallel_loop3A_474 = arith.constant 2 : i32
      %parallel_loop3A_475 = arith.index_cast %parallel_loop3A_474 : i32 to index
      %parallel_loop3A_476 = arith.index_cast %parallel_loop3A_437 : i32 to index
      %parallel_loop3A_477 = arith.index_cast %parallel_loop3A_441 : i32 to index
      %parallel_loop3A_478 = tpu.vector_load %arg12[%parallel_loop3A_475, %parallel_loop3A_476, %parallel_loop3A_477] {strides = array<i32>} : memref<4x56x128xf32, #tpu.memory_space<vmem>>, vector<16xf32>,
      tpu.vector_store %arg12[%parallel_loop3A_475, %parallel_loop3A_476, %parallel_loop3A_477], %parallel_loop3A_459 {strides = array<i32>} : memref<4x56x128xf32, #tpu.memory_space<vmem>>, vector<16xf32>,
      %parallel_loop3A_479 = arith.constant 3 : i32
      %parallel_loop3A_480 = arith.index_cast %parallel_loop3A_479 : i32 to index
      %parallel_loop3A_481 = arith.index_cast %parallel_loop3A_437 : i32 to index
      %parallel_loop3A_482 = arith.index_cast %parallel_loop3A_441 : i32 to index
      %parallel_loop3A_483 = tpu.vector_load %arg12[%parallel_loop3A_480, %parallel_loop3A_481, %parallel_loop3A_482] {strides = array<i32>} : memref<4x56x128xf32, #tpu.memory_space<vmem>>, vector<16xf32>,
      tpu.vector_store %arg12[%parallel_loop3A_480, %parallel_loop3A_481, %parallel_loop3A_482], %parallel_loop3A_463 {strides = array<i32>} : memref<4x56x128xf32, #tpu.memory_space<vmem>>, vector<16xf32>,
    } {sc.loop_unroll_factor = 2 : i64, sc.parallel_access}
    %dma_start3A_90 = arith.constant 0 : i32
    %dma_start3A_91 = arith.constant 0 : i32
    %dma_start3A_92 = arith.constant 0 : i32
    %dma_start3A_93 = tpu.memref_slice %arg12[%dma_start3A_90, %dma_start3A_91, %dma_start3A_92] : memref<4x56x128xf32, #tpu.memory_space<vmem>> -> memref<4x50x128xf32, #tpu.memory_space<vmem>>
    %dma_start3A_94 = arith.constant 8 : i32
    %dma_start3A_95 = arith.constant 0 : i32
    %dma_start3A_96 = tpu.memref_slice %arg6[%dma_start3A_94, %dma_start3A_95, %multiple_of3A] : memref<12x50x16384xf32, #tpu.memory_space<hbm>> -> memref<4x50x128xf32, #tpu.memory_space<hbm>>
    %dma_start3A_97 = arith.constant 8 : i32
    %dma_start3A_98 = arith.constant 0 : i32
    %dma_start3A_99 = tpu.memref_slice %arg6[%dma_start3A_97, %dma_start3A_98, %multiple_of3A] : memref<12x50x16384xf32, #tpu.memory_space<hbm>> -> memref<4x50x128xf32, #tpu.memory_space<hbm>>
    %dma_start3A_100 = arith.constant 0 : i32
    %dma_start3A_101 = arith.constant 0 : i32
    %dma_start3A_102 = arith.constant 0 : i32
    %dma_start3A_103 = tpu.memref_slice %arg12[%dma_start3A_100, %dma_start3A_101, %dma_start3A_102] : memref<4x56x128xf32, #tpu.memory_space<vmem>> -> memref<4x50x128xf32, #tpu.memory_space<vmem>>
    tpu.enqueue_dma source(%dma_start3A_103 : memref<4x50x128xf32, #tpu.memory_space<vmem>>) target(%dma_start3A_99 : memref<4x50x128xf32, #tpu.memory_space<hbm>>) target_semaphore(%arg20 : memref<!tpu.dma_semaphore, #tpu.memory_space<semaphore_mem>>)
    %add3A_104 = arith.constant 128 : i32
    %add3A_105 = arith.addi %mul3A_2, %add3A_104 : i32
    %multiple_of3A_106 = tpu.assume_multiple %add3A_105, 128 : i32
    %dma_wait3A_107 = arith.constant 0 : i32
    %dma_wait3A_108 = arith.constant 0 : i32
    %dma_wait3A_109 = tpu.memref_slice %arg8[%dma_wait3A_107, %dma_wait3A_108] : memref<56x128xi32, #tpu.memory_space<vmem>> -> memref<50x128xi32, #tpu.memory_space<vmem>>
    %dma_wait3A_110 = arith.constant 0 : i32
    %dma_wait3A_111 = tpu.memref_slice %arg2[%dma_wait3A_110, %add3A_38] : memref<50x16384xi32, #tpu.memory_space<hbm>> -> memref<50x128xi32, #tpu.memory_space<hbm>>
    %dma_wait3A_112 = arith.constant 0 : i32
    %dma_wait3A_113 = arith.constant 0 : i32
    %dma_wait3A_114 = tpu.memref_slice %arg8[%dma_wait3A_112, %dma_wait3A_113] : memref<56x128xi32, #tpu.memory_space<vmem>> -> memref<50x128xi32, #tpu.memory_space<vmem>>
    %dma_wait3A_115 = arith.constant 0 : i32
    %dma_wait3A_116 = tpu.memref_slice %arg2[%dma_wait3A_115, %add3A_38] : memref<50x16384xi32, #tpu.memory_space<hbm>> -> memref<50x128xi32, #tpu.memory_space<hbm>>
    tpu.wait_dma2 semaphore(%arg16 : memref<!tpu.dma_semaphore, #tpu.memory_space<semaphore_mem>>) src(%dma_wait3A_116 : memref<50x128xi32, #tpu.memory_space<hbm>>) dst(%dma_wait3A_114 : memref<50x128xi32, #tpu.memory_space<vmem>>)
    %add3A_117 = arith.constant 256 : i32
    %add3A_118 = arith.addi %mul3A_2, %add3A_117 : i32
    %dma_start3A_119 = arith.constant 0 : i32
    %dma_start3A_120 = arith.constant 0 : i32
    %dma_start3A_121 = tpu.memref_slice %arg7[%dma_start3A_119, %dma_start3A_120] : memref<56x128xi32, #tpu.memory_space<vmem>> -> memref<50x128xi32, #tpu.memory_space<vmem>>
    %dma_start3A_122 = arith.constant 0 : i32
    %dma_start3A_123 = tpu.memref_slice %arg2[%dma_start3A_122, %add3A_118] : memref<50x16384xi32, #tpu.memory_space<hbm>> -> memref<50x128xi32, #tpu.memory_space<hbm>>
    %dma_start3A_124 = arith.constant 0 : i32
    %dma_start3A_125 = arith.constant 0 : i32
    %dma_start3A_126 = tpu.memref_slice %arg7[%dma_start3A_124, %dma_start3A_125] : memref<56x128xi32, #tpu.memory_space<vmem>> -> memref<50x128xi32, #tpu.memory_space<vmem>>
    %dma_start3A_127 = arith.constant 0 : i32
    %dma_start3A_128 = tpu.memref_slice %arg2[%dma_start3A_127, %add3A_118] : memref<50x16384xi32, #tpu.memory_space<hbm>> -> memref<50x128xi32, #tpu.memory_space<hbm>>
    tpu.enqueue_dma source(%dma_start3A_128 : memref<50x128xi32, #tpu.memory_space<hbm>>) target(%dma_start3A_126 : memref<50x128xi32, #tpu.memory_space<vmem>>) target_semaphore(%arg15 : memref<!tpu.dma_semaphore, #tpu.memory_space<semaphore_mem>>)
    %dma_wait3A_129 = arith.constant 0 : i32
    %dma_wait3A_130 = arith.constant 0 : i32
    %dma_wait3A_131 = arith.constant 0 : i32
    %dma_wait3A_132 = tpu.memref_slice %arg11[%dma_wait3A_129, %dma_wait3A_130, %dma_wait3A_131] : memref<8x56x128xf32, #tpu.memory_space<vmem>> -> memref<8x50x128xf32, #tpu.memory_space<vmem>>
    %dma_wait3A_133 = arith.constant 0 : i32
    %dma_wait3A_134 = arith.constant 0 : i32
    %dma_wait3A_135 = tpu.memref_slice %arg6[%dma_wait3A_133, %dma_wait3A_134, %multiple_of3A] : memref<12x50x16384xf32, #tpu.memory_space<hbm>> -> memref<8x50x128xf32, #tpu.memory_space<hbm>>
    %dma_wait3A_136 = arith.constant 0 : i32
    %dma_wait3A_137 = arith.constant 0 : i32
    %dma_wait3A_138 = tpu.memref_slice %arg6[%dma_wait3A_136, %dma_wait3A_137, %multiple_of3A] : memref<12x50x16384xf32, #tpu.memory_space<hbm>> -> memref<8x50x128xf32, #tpu.memory_space<hbm>>
    %dma_wait3A_139 = arith.constant 0 : i32
    %dma_wait3A_140 = arith.constant 0 : i32
    %dma_wait3A_141 = arith.constant 0 : i32
    %dma_wait3A_142 = tpu.memref_slice %arg11[%dma_wait3A_139, %dma_wait3A_140, %dma_wait3A_141] : memref<8x56x128xf32, #tpu.memory_space<vmem>> -> memref<8x50x128xf32, #tpu.memory_space<vmem>>
    tpu.wait_dma2 semaphore(%arg19 : memref<!tpu.dma_semaphore, #tpu.memory_space<semaphore_mem>>) src(%dma_wait3A_142 : memref<8x50x128xf32, #tpu.memory_space<vmem>>) dst(%dma_wait3A_138 : memref<8x50x128xf32, #tpu.memory_space<hbm>>)
    %parallel_loop3A_143 = arith.constant 0 : i32
    %parallel_loop3A_144 = arith.constant 400 : i32
    %parallel_loop3A_145 = arith.constant 1 : i32
    scf.for %parallel_loop3A_435 = %parallel_loop3A_143 to %parallel_loop3A_144 step %parallel_loop3A_145  : i32 {
      %parallel_loop3A_436 = arith.constant 3 : i32
      %parallel_loop3A_437 = arith.shrsi %parallel_loop3A_435, %parallel_loop3A_436 : i32
      %parallel_loop3A_438 = arith.constant 7 : i32
      %parallel_loop3A_439 = arith.andi %parallel_loop3A_435, %parallel_loop3A_438 : i32
      %parallel_loop3A_440 = arith.constant 16 : i32
      %parallel_loop3A_441 = arith.muli %parallel_loop3A_439, %parallel_loop3A_440 : i32
      %parallel_loop3A_442 = arith.index_cast %parallel_loop3A_437 : i32 to index
      %parallel_loop3A_443 = arith.index_cast %parallel_loop3A_441 : i32 to index
      %parallel_loop3A_444 = tpu.vector_load %arg8[%parallel_loop3A_442, %parallel_loop3A_443] {strides = array<i32>} : memref<56x128xi32, #tpu.memory_space<vmem>>, vector<16xi32>,
      %parallel_loop3A_445 = arith.constant 8 : i32
      %parallel_loop3A_446 = vector.broadcast %parallel_loop3A_445 : i32 to vector<16xi32>
      %parallel_loop3A_447 = arith.muli %parallel_loop3A_444, %parallel_loop3A_446 : vector<16xi32>
      %parallel_loop3A_448 = arith.constant 0 : i32
      %parallel_loop3A_449 = vector.broadcast %parallel_loop3A_448 : i32 to vector<16xi32>
      %parallel_loop3A_450 = arith.addi %parallel_loop3A_447, %parallel_loop3A_449 : vector<16xi32>
      %parallel_loop3A_451 = tpu.vector_load_idx %arg13[%parallel_loop3A_450] : memref<112xf32, #tpu.memory_space<vmem>>[vector<16xi32>], vector<16xf32>,
      %parallel_loop3A_452 = arith.constant 1 : i32
      %parallel_loop3A_453 = vector.broadcast %parallel_loop3A_452 : i32 to vector<16xi32>
      %parallel_loop3A_454 = arith.addi %parallel_loop3A_447, %parallel_loop3A_453 : vector<16xi32>
      %parallel_loop3A_455 = tpu.vector_load_idx %arg13[%parallel_loop3A_454] : memref<112xf32, #tpu.memory_space<vmem>>[vector<16xi32>], vector<16xf32>,
      %parallel_loop3A_456 = arith.constant 2 : i32
      %parallel_loop3A_457 = vector.broadcast %parallel_loop3A_456 : i32 to vector<16xi32>
      %parallel_loop3A_458 = arith.addi %parallel_loop3A_447, %parallel_loop3A_457 : vector<16xi32>
      %parallel_loop3A_459 = tpu.vector_load_idx %arg13[%parallel_loop3A_458] : memref<112xf32, #tpu.memory_space<vmem>>[vector<16xi32>], vector<16xf32>,
      %parallel_loop3A_460 = arith.constant 3 : i32
      %parallel_loop3A_461 = vector.broadcast %parallel_loop3A_460 : i32 to vector<16xi32>
      %parallel_loop3A_462 = arith.addi %parallel_loop3A_447, %parallel_loop3A_461 : vector<16xi32>
      %parallel_loop3A_463 = tpu.vector_load_idx %arg13[%parallel_loop3A_462] : memref<112xf32, #tpu.memory_space<vmem>>[vector<16xi32>], vector<16xf32>,
      %parallel_loop3A_464 = arith.constant 4 : i32
      %parallel_loop3A_465 = vector.broadcast %parallel_loop3A_464 : i32 to vector<16xi32>
      %parallel_loop3A_466 = arith.addi %parallel_loop3A_447, %parallel_loop3A_465 : vector<16xi32>
      %parallel_loop3A_467 = tpu.vector_load_idx %arg13[%parallel_loop3A_466] : memref<112xf32, #tpu.memory_space<vmem>>[vector<16xi32>], vector<16xf32>,
      %parallel_loop3A_468 = arith.constant 5 : i32
      %parallel_loop3A_469 = vector.broadcast %parallel_loop3A_468 : i32 to vector<16xi32>
      %parallel_loop3A_470 = arith.addi %parallel_loop3A_447, %parallel_loop3A_469 : vector<16xi32>
      %parallel_loop3A_471 = tpu.vector_load_idx %arg13[%parallel_loop3A_470] : memref<112xf32, #tpu.memory_space<vmem>>[vector<16xi32>], vector<16xf32>,
      %parallel_loop3A_472 = arith.constant 6 : i32
      %parallel_loop3A_473 = vector.broadcast %parallel_loop3A_472 : i32 to vector<16xi32>
      %parallel_loop3A_474 = arith.addi %parallel_loop3A_447, %parallel_loop3A_473 : vector<16xi32>
      %parallel_loop3A_475 = tpu.vector_load_idx %arg13[%parallel_loop3A_474] : memref<112xf32, #tpu.memory_space<vmem>>[vector<16xi32>], vector<16xf32>,
      %parallel_loop3A_476 = arith.constant 7 : i32
      %parallel_loop3A_477 = vector.broadcast %parallel_loop3A_476 : i32 to vector<16xi32>
      %parallel_loop3A_478 = arith.addi %parallel_loop3A_447, %parallel_loop3A_477 : vector<16xi32>
      %parallel_loop3A_479 = tpu.vector_load_idx %arg13[%parallel_loop3A_478] : memref<112xf32, #tpu.memory_space<vmem>>[vector<16xi32>], vector<16xf32>,
      %parallel_loop3A_480 = arith.constant 0 : i32
      %parallel_loop3A_481 = arith.index_cast %parallel_loop3A_480 : i32 to index
      %parallel_loop3A_482 = arith.index_cast %parallel_loop3A_437 : i32 to index
      %parallel_loop3A_483 = arith.index_cast %parallel_loop3A_441 : i32 to index
      %parallel_loop3A_484 = tpu.vector_load %arg11[%parallel_loop3A_481, %parallel_loop3A_482, %parallel_loop3A_483] {strides = array<i32>} : memref<8x56x128xf32, #tpu.memory_space<vmem>>, vector<16xf32>,
      tpu.vector_store %arg11[%parallel_loop3A_481, %parallel_loop3A_482, %parallel_loop3A_483], %parallel_loop3A_451 {strides = array<i32>} : memref<8x56x128xf32, #tpu.memory_space<vmem>>, vector<16xf32>,
      %parallel_loop3A_485 = arith.constant 1 : i32
      %parallel_loop3A_486 = arith.index_cast %parallel_loop3A_485 : i32 to index
      %parallel_loop3A_487 = arith.index_cast %parallel_loop3A_437 : i32 to index
      %parallel_loop3A_488 = arith.index_cast %parallel_loop3A_441 : i32 to index
      %parallel_loop3A_489 = tpu.vector_load %arg11[%parallel_loop3A_486, %parallel_loop3A_487, %parallel_loop3A_488] {strides = array<i32>} : memref<8x56x128xf32, #tpu.memory_space<vmem>>, vector<16xf32>,
      tpu.vector_store %arg11[%parallel_loop3A_486, %parallel_loop3A_487, %parallel_loop3A_488], %parallel_loop3A_455 {strides = array<i32>} : memref<8x56x128xf32, #tpu.memory_space<vmem>>, vector<16xf32>,
      %parallel_loop3A_490 = arith.constant 2 : i32
      %parallel_loop3A_491 = arith.index_cast %parallel_loop3A_490 : i32 to index
      %parallel_loop3A_492 = arith.index_cast %parallel_loop3A_437 : i32 to index
      %parallel_loop3A_493 = arith.index_cast %parallel_loop3A_441 : i32 to index
      %parallel_loop3A_494 = tpu.vector_load %arg11[%parallel_loop3A_491, %parallel_loop3A_492, %parallel_loop3A_493] {strides = array<i32>} : memref<8x56x128xf32, #tpu.memory_space<vmem>>, vector<16xf32>,
      tpu.vector_store %arg11[%parallel_loop3A_491, %parallel_loop3A_492, %parallel_loop3A_493], %parallel_loop3A_459 {strides = array<i32>} : memref<8x56x128xf32, #tpu.memory_space<vmem>>, vector<16xf32>,
      %parallel_loop3A_495 = arith.constant 3 : i32
      %parallel_loop3A_496 = arith.index_cast %parallel_loop3A_495 : i32 to index
      %parallel_loop3A_497 = arith.index_cast %parallel_loop3A_437 : i32 to index
      %parallel_loop3A_498 = arith.index_cast %parallel_loop3A_441 : i32 to index
      %parallel_loop3A_499 = tpu.vector_load %arg11[%parallel_loop3A_496, %parallel_loop3A_497, %parallel_loop3A_498] {strides = array<i32>} : memref<8x56x128xf32, #tpu.memory_space<vmem>>, vector<16xf32>,
      tpu.vector_store %arg11[%parallel_loop3A_496, %parallel_loop3A_497, %parallel_loop3A_498], %parallel_loop3A_463 {strides = array<i32>} : memref<8x56x128xf32, #tpu.memory_space<vmem>>, vector<16xf32>,
      %parallel_loop3A_500 = arith.constant 4 : i32
      %parallel_loop3A_501 = arith.index_cast %parallel_loop3A_500 : i32 to index
      %parallel_loop3A_502 = arith.index_cast %parallel_loop3A_437 : i32 to index
      %parallel_loop3A_503 = arith.index_cast %parallel_loop3A_441 : i32 to index
      %parallel_loop3A_504 = tpu.vector_load %arg11[%parallel_loop3A_501, %parallel_loop3A_502, %parallel_loop3A_503] {strides = array<i32>} : memref<8x56x128xf32, #tpu.memory_space<vmem>>, vector<16xf32>,
      tpu.vector_store %arg11[%parallel_loop3A_501, %parallel_loop3A_502, %parallel_loop3A_503], %parallel_loop3A_467 {strides = array<i32>} : memref<8x56x128xf32, #tpu.memory_space<vmem>>, vector<16xf32>,
      %parallel_loop3A_505 = arith.constant 5 : i32
      %parallel_loop3A_506 = arith.index_cast %parallel_loop3A_505 : i32 to index
      %parallel_loop3A_507 = arith.index_cast %parallel_loop3A_437 : i32 to index
      %parallel_loop3A_508 = arith.index_cast %parallel_loop3A_441 : i32 to index
      %parallel_loop3A_509 = tpu.vector_load %arg11[%parallel_loop3A_506, %parallel_loop3A_507, %parallel_loop3A_508] {strides = array<i32>} : memref<8x56x128xf32, #tpu.memory_space<vmem>>, vector<16xf32>,
      tpu.vector_store %arg11[%parallel_loop3A_506, %parallel_loop3A_507, %parallel_loop3A_508], %parallel_loop3A_471 {strides = array<i32>} : memref<8x56x128xf32, #tpu.memory_space<vmem>>, vector<16xf32>,
      %parallel_loop3A_510 = arith.constant 6 : i32
      %parallel_loop3A_511 = arith.index_cast %parallel_loop3A_510 : i32 to index
      %parallel_loop3A_512 = arith.index_cast %parallel_loop3A_437 : i32 to index
      %parallel_loop3A_513 = arith.index_cast %parallel_loop3A_441 : i32 to index
      %parallel_loop3A_514 = tpu.vector_load %arg11[%parallel_loop3A_511, %parallel_loop3A_512, %parallel_loop3A_513] {strides = array<i32>} : memref<8x56x128xf32, #tpu.memory_space<vmem>>, vector<16xf32>,
      tpu.vector_store %arg11[%parallel_loop3A_511, %parallel_loop3A_512, %parallel_loop3A_513], %parallel_loop3A_475 {strides = array<i32>} : memref<8x56x128xf32, #tpu.memory_space<vmem>>, vector<16xf32>,
      %parallel_loop3A_515 = arith.constant 7 : i32
      %parallel_loop3A_516 = arith.index_cast %parallel_loop3A_515 : i32 to index
      %parallel_loop3A_517 = arith.index_cast %parallel_loop3A_437 : i32 to index
      %parallel_loop3A_518 = arith.index_cast %parallel_loop3A_441 : i32 to index
      %parallel_loop3A_519 = tpu.vector_load %arg11[%parallel_loop3A_516, %parallel_loop3A_517, %parallel_loop3A_518] {strides = array<i32>} : memref<8x56x128xf32, #tpu.memory_space<vmem>>, vector<16xf32>,
      tpu.vector_store %arg11[%parallel_loop3A_516, %parallel_loop3A_517, %parallel_loop3A_518], %parallel_loop3A_479 {strides = array<i32>} : memref<8x56x128xf32, #tpu.memory_space<vmem>>, vector<16xf32>,
    } {sc.loop_unroll_factor = 2 : i64, sc.parallel_access}
    %dma_start3A_146 = arith.constant 0 : i32
    %dma_start3A_147 = arith.constant 0 : i32
    %dma_start3A_148 = arith.constant 0 : i32
    %dma_start3A_149 = tpu.memref_slice %arg11[%dma_start3A_146, %dma_start3A_147, %dma_start3A_148] : memref<8x56x128xf32, #tpu.memory_space<vmem>> -> memref<8x50x128xf32, #tpu.memory_space<vmem>>
    %dma_start3A_150 = arith.constant 0 : i32
    %dma_start3A_151 = arith.constant 0 : i32
    %dma_start3A_152 = tpu.memref_slice %arg6[%dma_start3A_150, %dma_start3A_151, %multiple_of3A_106] : memref<12x50x16384xf32, #tpu.memory_space<hbm>> -> memref<8x50x128xf32, #tpu.memory_space<hbm>>
    %dma_start3A_153 = arith.constant 0 : i32
    %dma_start3A_154 = arith.constant 0 : i32
    %dma_start3A_155 = tpu.memref_slice %arg6[%dma_start3A_153, %dma_start3A_154, %multiple_of3A_106] : memref<12x50x16384xf32, #tpu.memory_space<hbm>> -> memref<8x50x128xf32, #tpu.memory_space<hbm>>
    %dma_start3A_156 = arith.constant 0 : i32
    %dma_start3A_157 = arith.constant 0 : i32
    %dma_start3A_158 = arith.constant 0 : i32
    %dma_start3A_159 = tpu.memref_slice %arg11[%dma_start3A_156, %dma_start3A_157, %dma_start3A_158] : memref<8x56x128xf32, #tpu.memory_space<vmem>> -> memref<8x50x128xf32, #tpu.memory_space<vmem>>
    tpu.enqueue_dma source(%dma_start3A_159 : memref<8x50x128xf32, #tpu.memory_space<vmem>>) target(%dma_start3A_155 : memref<8x50x128xf32, #tpu.memory_space<hbm>>) target_semaphore(%arg19 : memref<!tpu.dma_semaphore, #tpu.memory_space<semaphore_mem>>)
    %dma_wait3A_160 = arith.constant 0 : i32
    %dma_wait3A_161 = arith.constant 0 : i32
    %dma_wait3A_162 = tpu.memref_slice %arg10[%dma_wait3A_160, %dma_wait3A_161] : memref<56x128xi32, #tpu.memory_space<vmem>> -> memref<50x128xi32, #tpu.memory_space<vmem>>
    %dma_wait3A_163 = arith.constant 0 : i32
    %dma_wait3A_164 = tpu.memref_slice %arg3[%dma_wait3A_163, %add3A_76] : memref<50x16384xi32, #tpu.memory_space<hbm>> -> memref<50x128xi32, #tpu.memory_space<hbm>>
    %dma_wait3A_165 = arith.constant 0 : i32
    %dma_wait3A_166 = arith.constant 0 : i32
    %dma_wait3A_167 = tpu.memref_slice %arg10[%dma_wait3A_165, %dma_wait3A_166] : memref<56x128xi32, #tpu.memory_space<vmem>> -> memref<50x128xi32, #tpu.memory_space<vmem>>
    %dma_wait3A_168 = arith.constant 0 : i32
    %dma_wait3A_169 = tpu.memref_slice %arg3[%dma_wait3A_168, %add3A_76] : memref<50x16384xi32, #tpu.memory_space<hbm>> -> memref<50x128xi32, #tpu.memory_space<hbm>>
    tpu.wait_dma2 semaphore(%arg18 : memref<!tpu.dma_semaphore, #tpu.memory_space<semaphore_mem>>) src(%dma_wait3A_169 : memref<50x128xi32, #tpu.memory_space<hbm>>) dst(%dma_wait3A_167 : memref<50x128xi32, #tpu.memory_space<vmem>>)
    %add3A_170 = arith.constant 256 : i32
    %add3A_171 = arith.addi %mul3A_2, %add3A_170 : i32
    %dma_start3A_172 = arith.constant 0 : i32
    %dma_start3A_173 = arith.constant 0 : i32
    %dma_start3A_174 = tpu.memref_slice %arg9[%dma_start3A_172, %dma_start3A_173] : memref<56x128xi32, #tpu.memory_space<vmem>> -> memref<50x128xi32, #tpu.memory_space<vmem>>
    %dma_start3A_175 = arith.constant 0 : i32
    %dma_start3A_176 = tpu.memref_slice %arg3[%dma_start3A_175, %add3A_171] : memref<50x16384xi32, #tpu.memory_space<hbm>> -> memref<50x128xi32, #tpu.memory_space<hbm>>
    %dma_start3A_177 = arith.constant 0 : i32
    %dma_start3A_178 = arith.constant 0 : i32
    %dma_start3A_179 = tpu.memref_slice %arg9[%dma_start3A_177, %dma_start3A_178] : memref<56x128xi32, #tpu.memory_space<vmem>> -> memref<50x128xi32, #tpu.memory_space<vmem>>
    %dma_start3A_180 = arith.constant 0 : i32
    %dma_start3A_181 = tpu.memref_slice %arg3[%dma_start3A_180, %add3A_171] : memref<50x16384xi32, #tpu.memory_space<hbm>> -> memref<50x128xi32, #tpu.memory_space<hbm>>
    tpu.enqueue_dma source(%dma_start3A_181 : memref<50x128xi32, #tpu.memory_space<hbm>>) target(%dma_start3A_179 : memref<50x128xi32, #tpu.memory_space<vmem>>) target_semaphore(%arg17 : memref<!tpu.dma_semaphore, #tpu.memory_space<semaphore_mem>>)
    %dma_wait3A_182 = arith.constant 0 : i32
    %dma_wait3A_183 = arith.constant 0 : i32
    %dma_wait3A_184 = arith.constant 0 : i32
    %dma_wait3A_185 = tpu.memref_slice %arg12[%dma_wait3A_182, %dma_wait3A_183, %dma_wait3A_184] : memref<4x56x128xf32, #tpu.memory_space<vmem>> -> memref<4x50x128xf32, #tpu.memory_space<vmem>>
    %dma_wait3A_186 = arith.constant 8 : i32
    %dma_wait3A_187 = arith.constant 0 : i32
    %dma_wait3A_188 = tpu.memref_slice %arg6[%dma_wait3A_186, %dma_wait3A_187, %multiple_of3A] : memref<12x50x16384xf32, #tpu.memory_space<hbm>> -> memref<4x50x128xf32, #tpu.memory_space<hbm>>
    %dma_wait3A_189 = arith.constant 8 : i32
    %dma_wait3A_190 = arith.constant 0 : i32
    %dma_wait3A_191 = tpu.memref_slice %arg6[%dma_wait3A_189, %dma_wait3A_190, %multiple_of3A] : memref<12x50x16384xf32, #tpu.memory_space<hbm>> -> memref<4x50x128xf32, #tpu.memory_space<hbm>>
    %dma_wait3A_192 = arith.constant 0 : i32
    %dma_wait3A_193 = arith.constant 0 : i32
    %dma_wait3A_194 = arith.constant 0 : i32
    %dma_wait3A_195 = tpu.memref_slice %arg12[%dma_wait3A_192, %dma_wait3A_193, %dma_wait3A_194] : memref<4x56x128xf32, #tpu.memory_space<vmem>> -> memref<4x50x128xf32, #tpu.memory_space<vmem>>
    tpu.wait_dma2 semaphore(%arg20 : memref<!tpu.dma_semaphore, #tpu.memory_space<semaphore_mem>>) src(%dma_wait3A_195 : memref<4x50x128xf32, #tpu.memory_space<vmem>>) dst(%dma_wait3A_191 : memref<4x50x128xf32, #tpu.memory_space<hbm>>)
    %parallel_loop3A_196 = arith.constant 0 : i32
    %parallel_loop3A_197 = arith.constant 400 : i32
    %parallel_loop3A_198 = arith.constant 1 : i32
    scf.for %parallel_loop3A_435 = %parallel_loop3A_196 to %parallel_loop3A_197 step %parallel_loop3A_198  : i32 {
      %parallel_loop3A_436 = arith.constant 3 : i32
      %parallel_loop3A_437 = arith.shrsi %parallel_loop3A_435, %parallel_loop3A_436 : i32
      %parallel_loop3A_438 = arith.constant 7 : i32
      %parallel_loop3A_439 = arith.andi %parallel_loop3A_435, %parallel_loop3A_438 : i32
      %parallel_loop3A_440 = arith.constant 16 : i32
      %parallel_loop3A_441 = arith.muli %parallel_loop3A_439, %parallel_loop3A_440 : i32
      %parallel_loop3A_442 = arith.index_cast %parallel_loop3A_437 : i32 to index
      %parallel_loop3A_443 = arith.index_cast %parallel_loop3A_441 : i32 to index
      %parallel_loop3A_444 = tpu.vector_load %arg10[%parallel_loop3A_442, %parallel_loop3A_443] {strides = array<i32>} : memref<56x128xi32, #tpu.memory_space<vmem>>, vector<16xi32>,
      %parallel_loop3A_445 = arith.constant 4 : i32
      %parallel_loop3A_446 = vector.broadcast %parallel_loop3A_445 : i32 to vector<16xi32>
      %parallel_loop3A_447 = arith.muli %parallel_loop3A_444, %parallel_loop3A_446 : vector<16xi32>
      %parallel_loop3A_448 = arith.constant 0 : i32
      %parallel_loop3A_449 = vector.broadcast %parallel_loop3A_448 : i32 to vector<16xi32>
      %parallel_loop3A_450 = arith.addi %parallel_loop3A_447, %parallel_loop3A_449 : vector<16xi32>
      %parallel_loop3A_451 = tpu.vector_load_idx %arg14[%parallel_loop3A_450] : memref<32xf32, #tpu.memory_space<vmem>>[vector<16xi32>], vector<16xf32>,
      %parallel_loop3A_452 = arith.constant 1 : i32
      %parallel_loop3A_453 = vector.broadcast %parallel_loop3A_452 : i32 to vector<16xi32>
      %parallel_loop3A_454 = arith.addi %parallel_loop3A_447, %parallel_loop3A_453 : vector<16xi32>
      %parallel_loop3A_455 = tpu.vector_load_idx %arg14[%parallel_loop3A_454] : memref<32xf32, #tpu.memory_space<vmem>>[vector<16xi32>], vector<16xf32>,
      %parallel_loop3A_456 = arith.constant 2 : i32
      %parallel_loop3A_457 = vector.broadcast %parallel_loop3A_456 : i32 to vector<16xi32>
      %parallel_loop3A_458 = arith.addi %parallel_loop3A_447, %parallel_loop3A_457 : vector<16xi32>
      %parallel_loop3A_459 = tpu.vector_load_idx %arg14[%parallel_loop3A_458] : memref<32xf32, #tpu.memory_space<vmem>>[vector<16xi32>], vector<16xf32>,
      %parallel_loop3A_460 = arith.constant 3 : i32
      %parallel_loop3A_461 = vector.broadcast %parallel_loop3A_460 : i32 to vector<16xi32>
      %parallel_loop3A_462 = arith.addi %parallel_loop3A_447, %parallel_loop3A_461 : vector<16xi32>
      %parallel_loop3A_463 = tpu.vector_load_idx %arg14[%parallel_loop3A_462] : memref<32xf32, #tpu.memory_space<vmem>>[vector<16xi32>], vector<16xf32>,
      %parallel_loop3A_464 = arith.constant 0 : i32
      %parallel_loop3A_465 = arith.index_cast %parallel_loop3A_464 : i32 to index
      %parallel_loop3A_466 = arith.index_cast %parallel_loop3A_437 : i32 to index
      %parallel_loop3A_467 = arith.index_cast %parallel_loop3A_441 : i32 to index
      %parallel_loop3A_468 = tpu.vector_load %arg12[%parallel_loop3A_465, %parallel_loop3A_466, %parallel_loop3A_467] {strides = array<i32>} : memref<4x56x128xf32, #tpu.memory_space<vmem>>, vector<16xf32>,
      tpu.vector_store %arg12[%parallel_loop3A_465, %parallel_loop3A_466, %parallel_loop3A_467], %parallel_loop3A_451 {strides = array<i32>} : memref<4x56x128xf32, #tpu.memory_space<vmem>>, vector<16xf32>,
      %parallel_loop3A_469 = arith.constant 1 : i32
      %parallel_loop3A_470 = arith.index_cast %parallel_loop3A_469 : i32 to index
      %parallel_loop3A_471 = arith.index_cast %parallel_loop3A_437 : i32 to index
      %parallel_loop3A_472 = arith.index_cast %parallel_loop3A_441 : i32 to index
      %parallel_loop3A_473 = tpu.vector_load %arg12[%parallel_loop3A_470, %parallel_loop3A_471, %parallel_loop3A_472] {strides = array<i32>} : memref<4x56x128xf32, #tpu.memory_space<vmem>>, vector<16xf32>,
      tpu.vector_store %arg12[%parallel_loop3A_470, %parallel_loop3A_471, %parallel_loop3A_472], %parallel_loop3A_455 {strides = array<i32>} : memref<4x56x128xf32, #tpu.memory_space<vmem>>, vector<16xf32>,
      %parallel_loop3A_474 = arith.constant 2 : i32
      %parallel_loop3A_475 = arith.index_cast %parallel_loop3A_474 : i32 to index
      %parallel_loop3A_476 = arith.index_cast %parallel_loop3A_437 : i32 to index
      %parallel_loop3A_477 = arith.index_cast %parallel_loop3A_441 : i32 to index
      %parallel_loop3A_478 = tpu.vector_load %arg12[%parallel_loop3A_475, %parallel_loop3A_476, %parallel_loop3A_477] {strides = array<i32>} : memref<4x56x128xf32, #tpu.memory_space<vmem>>, vector<16xf32>,
      tpu.vector_store %arg12[%parallel_loop3A_475, %parallel_loop3A_476, %parallel_loop3A_477], %parallel_loop3A_459 {strides = array<i32>} : memref<4x56x128xf32, #tpu.memory_space<vmem>>, vector<16xf32>,
      %parallel_loop3A_479 = arith.constant 3 : i32
      %parallel_loop3A_480 = arith.index_cast %parallel_loop3A_479 : i32 to index
      %parallel_loop3A_481 = arith.index_cast %parallel_loop3A_437 : i32 to index
      %parallel_loop3A_482 = arith.index_cast %parallel_loop3A_441 : i32 to index
      %parallel_loop3A_483 = tpu.vector_load %arg12[%parallel_loop3A_480, %parallel_loop3A_481, %parallel_loop3A_482] {strides = array<i32>} : memref<4x56x128xf32, #tpu.memory_space<vmem>>, vector<16xf32>,
      tpu.vector_store %arg12[%parallel_loop3A_480, %parallel_loop3A_481, %parallel_loop3A_482], %parallel_loop3A_463 {strides = array<i32>} : memref<4x56x128xf32, #tpu.memory_space<vmem>>, vector<16xf32>,
    } {sc.loop_unroll_factor = 2 : i64, sc.parallel_access}
    %dma_start3A_199 = arith.constant 0 : i32
    %dma_start3A_200 = arith.constant 0 : i32
    %dma_start3A_201 = arith.constant 0 : i32
    %dma_start3A_202 = tpu.memref_slice %arg12[%dma_start3A_199, %dma_start3A_200, %dma_start3A_201] : memref<4x56x128xf32, #tpu.memory_space<vmem>> -> memref<4x50x128xf32, #tpu.memory_space<vmem>>
    %dma_start3A_203 = arith.constant 8 : i32
    %dma_start3A_204 = arith.constant 0 : i32
    %dma_start3A_205 = tpu.memref_slice %arg6[%dma_start3A_203, %dma_start3A_204, %multiple_of3A_106] : memref<12x50x16384xf32, #tpu.memory_space<hbm>> -> memref<4x50x128xf32, #tpu.memory_space<hbm>>
    %dma_start3A_206 = arith.constant 8 : i32
    %dma_start3A_207 = arith.constant 0 : i32
    %dma_start3A_208 = tpu.memref_slice %arg6[%dma_start3A_206, %dma_start3A_207, %multiple_of3A_106] : memref<12x50x16384xf32, #tpu.memory_space<hbm>> -> memref<4x50x128xf32, #tpu.memory_space<hbm>>
    %dma_start3A_209 = arith.constant 0 : i32
    %dma_start3A_210 = arith.constant 0 : i32
    %dma_start3A_211 = arith.constant 0 : i32
    %dma_start3A_212 = tpu.memref_slice %arg12[%dma_start3A_209, %dma_start3A_210, %dma_start3A_211] : memref<4x56x128xf32, #tpu.memory_space<vmem>> -> memref<4x50x128xf32, #tpu.memory_space<vmem>>
    tpu.enqueue_dma source(%dma_start3A_212 : memref<4x50x128xf32, #tpu.memory_space<vmem>>) target(%dma_start3A_208 : memref<4x50x128xf32, #tpu.memory_space<hbm>>) target_semaphore(%arg20 : memref<!tpu.dma_semaphore, #tpu.memory_space<semaphore_mem>>)
    %add3A_213 = arith.constant 256 : i32
    %add3A_214 = arith.addi %mul3A_2, %add3A_213 : i32
    %multiple_of3A_215 = tpu.assume_multiple %add3A_214, 128 : i32
    %dma_wait3A_216 = arith.constant 0 : i32
    %dma_wait3A_217 = arith.constant 0 : i32
    %dma_wait3A_218 = tpu.memref_slice %arg7[%dma_wait3A_216, %dma_wait3A_217] : memref<56x128xi32, #tpu.memory_space<vmem>> -> memref<50x128xi32, #tpu.memory_space<vmem>>
    %dma_wait3A_219 = arith.constant 0 : i32
    %dma_wait3A_220 = tpu.memref_slice %arg2[%dma_wait3A_219, %add3A_118] : memref<50x16384xi32, #tpu.memory_space<hbm>> -> memref<50x128xi32, #tpu.memory_space<hbm>>
    %dma_wait3A_221 = arith.constant 0 : i32
    %dma_wait3A_222 = arith.constant 0 : i32
    %dma_wait3A_223 = tpu.memref_slice %arg7[%dma_wait3A_221, %dma_wait3A_222] : memref<56x128xi32, #tpu.memory_space<vmem>> -> memref<50x128xi32, #tpu.memory_space<vmem>>
    %dma_wait3A_224 = arith.constant 0 : i32
    %dma_wait3A_225 = tpu.memref_slice %arg2[%dma_wait3A_224, %add3A_118] : memref<50x16384xi32, #tpu.memory_space<hbm>> -> memref<50x128xi32, #tpu.memory_space<hbm>>
    tpu.wait_dma2 semaphore(%arg15 : memref<!tpu.dma_semaphore, #tpu.memory_space<semaphore_mem>>) src(%dma_wait3A_225 : memref<50x128xi32, #tpu.memory_space<hbm>>) dst(%dma_wait3A_223 : memref<50x128xi32, #tpu.memory_space<vmem>>)
    %add3A_226 = arith.constant 384 : i32
    %add3A_227 = arith.addi %mul3A_2, %add3A_226 : i32
    %dma_start3A_228 = arith.constant 0 : i32
    %dma_start3A_229 = arith.constant 0 : i32
    %dma_start3A_230 = tpu.memref_slice %arg8[%dma_start3A_228, %dma_start3A_229] : memref<56x128xi32, #tpu.memory_space<vmem>> -> memref<50x128xi32, #tpu.memory_space<vmem>>
    %dma_start3A_231 = arith.constant 0 : i32
    %dma_start3A_232 = tpu.memref_slice %arg2[%dma_start3A_231, %add3A_227] : memref<50x16384xi32, #tpu.memory_space<hbm>> -> memref<50x128xi32, #tpu.memory_space<hbm>>
    %dma_start3A_233 = arith.constant 0 : i32
    %dma_start3A_234 = arith.constant 0 : i32
    %dma_start3A_235 = tpu.memref_slice %arg8[%dma_start3A_233, %dma_start3A_234] : memref<56x128xi32, #tpu.memory_space<vmem>> -> memref<50x128xi32, #tpu.memory_space<vmem>>
    %dma_start3A_236 = arith.constant 0 : i32
    %dma_start3A_237 = tpu.memref_slice %arg2[%dma_start3A_236, %add3A_227] : memref<50x16384xi32, #tpu.memory_space<hbm>> -> memref<50x128xi32, #tpu.memory_space<hbm>>
    tpu.enqueue_dma source(%dma_start3A_237 : memref<50x128xi32, #tpu.memory_space<hbm>>) target(%dma_start3A_235 : memref<50x128xi32, #tpu.memory_space<vmem>>) target_semaphore(%arg16 : memref<!tpu.dma_semaphore, #tpu.memory_space<semaphore_mem>>)
    %dma_wait3A_238 = arith.constant 0 : i32
    %dma_wait3A_239 = arith.constant 0 : i32
    %dma_wait3A_240 = arith.constant 0 : i32
    %dma_wait3A_241 = tpu.memref_slice %arg11[%dma_wait3A_238, %dma_wait3A_239, %dma_wait3A_240] : memref<8x56x128xf32, #tpu.memory_space<vmem>> -> memref<8x50x128xf32, #tpu.memory_space<vmem>>
    %dma_wait3A_242 = arith.constant 0 : i32
    %dma_wait3A_243 = arith.constant 0 : i32
    %dma_wait3A_244 = tpu.memref_slice %arg6[%dma_wait3A_242, %dma_wait3A_243, %multiple_of3A_106] : memref<12x50x16384xf32, #tpu.memory_space<hbm>> -> memref<8x50x128xf32, #tpu.memory_space<hbm>>
    %dma_wait3A_245 = arith.constant 0 : i32
    %dma_wait3A_246 = arith.constant 0 : i32
    %dma_wait3A_247 = tpu.memref_slice %arg6[%dma_wait3A_245, %dma_wait3A_246, %multiple_of3A_106] : memref<12x50x16384xf32, #tpu.memory_space<hbm>> -> memref<8x50x128xf32, #tpu.memory_space<hbm>>
    %dma_wait3A_248 = arith.constant 0 : i32
    %dma_wait3A_249 = arith.constant 0 : i32
    %dma_wait3A_250 = arith.constant 0 : i32
    %dma_wait3A_251 = tpu.memref_slice %arg11[%dma_wait3A_248, %dma_wait3A_249, %dma_wait3A_250] : memref<8x56x128xf32, #tpu.memory_space<vmem>> -> memref<8x50x128xf32, #tpu.memory_space<vmem>>
    tpu.wait_dma2 semaphore(%arg19 : memref<!tpu.dma_semaphore, #tpu.memory_space<semaphore_mem>>) src(%dma_wait3A_251 : memref<8x50x128xf32, #tpu.memory_space<vmem>>) dst(%dma_wait3A_247 : memref<8x50x128xf32, #tpu.memory_space<hbm>>)
    %parallel_loop3A_252 = arith.constant 0 : i32
    %parallel_loop3A_253 = arith.constant 400 : i32
    %parallel_loop3A_254 = arith.constant 1 : i32
    scf.for %parallel_loop3A_435 = %parallel_loop3A_252 to %parallel_loop3A_253 step %parallel_loop3A_254  : i32 {
      %parallel_loop3A_436 = arith.constant 3 : i32
      %parallel_loop3A_437 = arith.shrsi %parallel_loop3A_435, %parallel_loop3A_436 : i32
      %parallel_loop3A_438 = arith.constant 7 : i32
      %parallel_loop3A_439 = arith.andi %parallel_loop3A_435, %parallel_loop3A_438 : i32
      %parallel_loop3A_440 = arith.constant 16 : i32
      %parallel_loop3A_441 = arith.muli %parallel_loop3A_439, %parallel_loop3A_440 : i32
      %parallel_loop3A_442 = arith.index_cast %parallel_loop3A_437 : i32 to index
      %parallel_loop3A_443 = arith.index_cast %parallel_loop3A_441 : i32 to index
      %parallel_loop3A_444 = tpu.vector_load %arg7[%parallel_loop3A_442, %parallel_loop3A_443] {strides = array<i32>} : memref<56x128xi32, #tpu.memory_space<vmem>>, vector<16xi32>,
      %parallel_loop3A_445 = arith.constant 8 : i32
      %parallel_loop3A_446 = vector.broadcast %parallel_loop3A_445 : i32 to vector<16xi32>
      %parallel_loop3A_447 = arith.muli %parallel_loop3A_444, %parallel_loop3A_446 : vector<16xi32>
      %parallel_loop3A_448 = arith.constant 0 : i32
      %parallel_loop3A_449 = vector.broadcast %parallel_loop3A_448 : i32 to vector<16xi32>
      %parallel_loop3A_450 = arith.addi %parallel_loop3A_447, %parallel_loop3A_449 : vector<16xi32>
      %parallel_loop3A_451 = tpu.vector_load_idx %arg13[%parallel_loop3A_450] : memref<112xf32, #tpu.memory_space<vmem>>[vector<16xi32>], vector<16xf32>,
      %parallel_loop3A_452 = arith.constant 1 : i32
      %parallel_loop3A_453 = vector.broadcast %parallel_loop3A_452 : i32 to vector<16xi32>
      %parallel_loop3A_454 = arith.addi %parallel_loop3A_447, %parallel_loop3A_453 : vector<16xi32>
      %parallel_loop3A_455 = tpu.vector_load_idx %arg13[%parallel_loop3A_454] : memref<112xf32, #tpu.memory_space<vmem>>[vector<16xi32>], vector<16xf32>,
      %parallel_loop3A_456 = arith.constant 2 : i32
      %parallel_loop3A_457 = vector.broadcast %parallel_loop3A_456 : i32 to vector<16xi32>
      %parallel_loop3A_458 = arith.addi %parallel_loop3A_447, %parallel_loop3A_457 : vector<16xi32>
      %parallel_loop3A_459 = tpu.vector_load_idx %arg13[%parallel_loop3A_458] : memref<112xf32, #tpu.memory_space<vmem>>[vector<16xi32>], vector<16xf32>,
      %parallel_loop3A_460 = arith.constant 3 : i32
      %parallel_loop3A_461 = vector.broadcast %parallel_loop3A_460 : i32 to vector<16xi32>
      %parallel_loop3A_462 = arith.addi %parallel_loop3A_447, %parallel_loop3A_461 : vector<16xi32>
      %parallel_loop3A_463 = tpu.vector_load_idx %arg13[%parallel_loop3A_462] : memref<112xf32, #tpu.memory_space<vmem>>[vector<16xi32>], vector<16xf32>,
      %parallel_loop3A_464 = arith.constant 4 : i32
      %parallel_loop3A_465 = vector.broadcast %parallel_loop3A_464 : i32 to vector<16xi32>
      %parallel_loop3A_466 = arith.addi %parallel_loop3A_447, %parallel_loop3A_465 : vector<16xi32>
      %parallel_loop3A_467 = tpu.vector_load_idx %arg13[%parallel_loop3A_466] : memref<112xf32, #tpu.memory_space<vmem>>[vector<16xi32>], vector<16xf32>,
      %parallel_loop3A_468 = arith.constant 5 : i32
      %parallel_loop3A_469 = vector.broadcast %parallel_loop3A_468 : i32 to vector<16xi32>
      %parallel_loop3A_470 = arith.addi %parallel_loop3A_447, %parallel_loop3A_469 : vector<16xi32>
      %parallel_loop3A_471 = tpu.vector_load_idx %arg13[%parallel_loop3A_470] : memref<112xf32, #tpu.memory_space<vmem>>[vector<16xi32>], vector<16xf32>,
      %parallel_loop3A_472 = arith.constant 6 : i32
      %parallel_loop3A_473 = vector.broadcast %parallel_loop3A_472 : i32 to vector<16xi32>
      %parallel_loop3A_474 = arith.addi %parallel_loop3A_447, %parallel_loop3A_473 : vector<16xi32>
      %parallel_loop3A_475 = tpu.vector_load_idx %arg13[%parallel_loop3A_474] : memref<112xf32, #tpu.memory_space<vmem>>[vector<16xi32>], vector<16xf32>,
      %parallel_loop3A_476 = arith.constant 7 : i32
      %parallel_loop3A_477 = vector.broadcast %parallel_loop3A_476 : i32 to vector<16xi32>
      %parallel_loop3A_478 = arith.addi %parallel_loop3A_447, %parallel_loop3A_477 : vector<16xi32>
      %parallel_loop3A_479 = tpu.vector_load_idx %arg13[%parallel_loop3A_478] : memref<112xf32, #tpu.memory_space<vmem>>[vector<16xi32>], vector<16xf32>,
      %parallel_loop3A_480 = arith.constant 0 : i32
      %parallel_loop3A_481 = arith.index_cast %parallel_loop3A_480 : i32 to index
      %parallel_loop3A_482 = arith.index_cast %parallel_loop3A_437 : i32 to index
      %parallel_loop3A_483 = arith.index_cast %parallel_loop3A_441 : i32 to index
      %parallel_loop3A_484 = tpu.vector_load %arg11[%parallel_loop3A_481, %parallel_loop3A_482, %parallel_loop3A_483] {strides = array<i32>} : memref<8x56x128xf32, #tpu.memory_space<vmem>>, vector<16xf32>,
      tpu.vector_store %arg11[%parallel_loop3A_481, %parallel_loop3A_482, %parallel_loop3A_483], %parallel_loop3A_451 {strides = array<i32>} : memref<8x56x128xf32, #tpu.memory_space<vmem>>, vector<16xf32>,
      %parallel_loop3A_485 = arith.constant 1 : i32
      %parallel_loop3A_486 = arith.index_cast %parallel_loop3A_485 : i32 to index
      %parallel_loop3A_487 = arith.index_cast %parallel_loop3A_437 : i32 to index
      %parallel_loop3A_488 = arith.index_cast %parallel_loop3A_441 : i32 to index
      %parallel_loop3A_489 = tpu.vector_load %arg11[%parallel_loop3A_486, %parallel_loop3A_487, %parallel_loop3A_488] {strides = array<i32>} : memref<8x56x128xf32, #tpu.memory_space<vmem>>, vector<16xf32>,
      tpu.vector_store %arg11[%parallel_loop3A_486, %parallel_loop3A_487, %parallel_loop3A_488], %parallel_loop3A_455 {strides = array<i32>} : memref<8x56x128xf32, #tpu.memory_space<vmem>>, vector<16xf32>,
      %parallel_loop3A_490 = arith.constant 2 : i32
      %parallel_loop3A_491 = arith.index_cast %parallel_loop3A_490 : i32 to index
      %parallel_loop3A_492 = arith.index_cast %parallel_loop3A_437 : i32 to index
      %parallel_loop3A_493 = arith.index_cast %parallel_loop3A_441 : i32 to index
      %parallel_loop3A_494 = tpu.vector_load %arg11[%parallel_loop3A_491, %parallel_loop3A_492, %parallel_loop3A_493] {strides = array<i32>} : memref<8x56x128xf32, #tpu.memory_space<vmem>>, vector<16xf32>,
      tpu.vector_store %arg11[%parallel_loop3A_491, %parallel_loop3A_492, %parallel_loop3A_493], %parallel_loop3A_459 {strides = array<i32>} : memref<8x56x128xf32, #tpu.memory_space<vmem>>, vector<16xf32>,
      %parallel_loop3A_495 = arith.constant 3 : i32
      %parallel_loop3A_496 = arith.index_cast %parallel_loop3A_495 : i32 to index
      %parallel_loop3A_497 = arith.index_cast %parallel_loop3A_437 : i32 to index
      %parallel_loop3A_498 = arith.index_cast %parallel_loop3A_441 : i32 to index
      %parallel_loop3A_499 = tpu.vector_load %arg11[%parallel_loop3A_496, %parallel_loop3A_497, %parallel_loop3A_498] {strides = array<i32>} : memref<8x56x128xf32, #tpu.memory_space<vmem>>, vector<16xf32>,
      tpu.vector_store %arg11[%parallel_loop3A_496, %parallel_loop3A_497, %parallel_loop3A_498], %parallel_loop3A_463 {strides = array<i32>} : memref<8x56x128xf32, #tpu.memory_space<vmem>>, vector<16xf32>,
      %parallel_loop3A_500 = arith.constant 4 : i32
      %parallel_loop3A_501 = arith.index_cast %parallel_loop3A_500 : i32 to index
      %parallel_loop3A_502 = arith.index_cast %parallel_loop3A_437 : i32 to index
      %parallel_loop3A_503 = arith.index_cast %parallel_loop3A_441 : i32 to index
      %parallel_loop3A_504 = tpu.vector_load %arg11[%parallel_loop3A_501, %parallel_loop3A_502, %parallel_loop3A_503] {strides = array<i32>} : memref<8x56x128xf32, #tpu.memory_space<vmem>>, vector<16xf32>,
      tpu.vector_store %arg11[%parallel_loop3A_501, %parallel_loop3A_502, %parallel_loop3A_503], %parallel_loop3A_467 {strides = array<i32>} : memref<8x56x128xf32, #tpu.memory_space<vmem>>, vector<16xf32>,
      %parallel_loop3A_505 = arith.constant 5 : i32
      %parallel_loop3A_506 = arith.index_cast %parallel_loop3A_505 : i32 to index
      %parallel_loop3A_507 = arith.index_cast %parallel_loop3A_437 : i32 to index
      %parallel_loop3A_508 = arith.index_cast %parallel_loop3A_441 : i32 to index
      %parallel_loop3A_509 = tpu.vector_load %arg11[%parallel_loop3A_506, %parallel_loop3A_507, %parallel_loop3A_508] {strides = array<i32>} : memref<8x56x128xf32, #tpu.memory_space<vmem>>, vector<16xf32>,
      tpu.vector_store %arg11[%parallel_loop3A_506, %parallel_loop3A_507, %parallel_loop3A_508], %parallel_loop3A_471 {strides = array<i32>} : memref<8x56x128xf32, #tpu.memory_space<vmem>>, vector<16xf32>,
      %parallel_loop3A_510 = arith.constant 6 : i32
      %parallel_loop3A_511 = arith.index_cast %parallel_loop3A_510 : i32 to index
      %parallel_loop3A_512 = arith.index_cast %parallel_loop3A_437 : i32 to index
      %parallel_loop3A_513 = arith.index_cast %parallel_loop3A_441 : i32 to index
      %parallel_loop3A_514 = tpu.vector_load %arg11[%parallel_loop3A_511, %parallel_loop3A_512, %parallel_loop3A_513] {strides = array<i32>} : memref<8x56x128xf32, #tpu.memory_space<vmem>>, vector<16xf32>,
      tpu.vector_store %arg11[%parallel_loop3A_511, %parallel_loop3A_512, %parallel_loop3A_513], %parallel_loop3A_475 {strides = array<i32>} : memref<8x56x128xf32, #tpu.memory_space<vmem>>, vector<16xf32>,
      %parallel_loop3A_515 = arith.constant 7 : i32
      %parallel_loop3A_516 = arith.index_cast %parallel_loop3A_515 : i32 to index
      %parallel_loop3A_517 = arith.index_cast %parallel_loop3A_437 : i32 to index
      %parallel_loop3A_518 = arith.index_cast %parallel_loop3A_441 : i32 to index
      %parallel_loop3A_519 = tpu.vector_load %arg11[%parallel_loop3A_516, %parallel_loop3A_517, %parallel_loop3A_518] {strides = array<i32>} : memref<8x56x128xf32, #tpu.memory_space<vmem>>, vector<16xf32>,
      tpu.vector_store %arg11[%parallel_loop3A_516, %parallel_loop3A_517, %parallel_loop3A_518], %parallel_loop3A_479 {strides = array<i32>} : memref<8x56x128xf32, #tpu.memory_space<vmem>>, vector<16xf32>,
    } {sc.loop_unroll_factor = 2 : i64, sc.parallel_access}
    %dma_start3A_255 = arith.constant 0 : i32
    %dma_start3A_256 = arith.constant 0 : i32
    %dma_start3A_257 = arith.constant 0 : i32
    %dma_start3A_258 = tpu.memref_slice %arg11[%dma_start3A_255, %dma_start3A_256, %dma_start3A_257] : memref<8x56x128xf32, #tpu.memory_space<vmem>> -> memref<8x50x128xf32, #tpu.memory_space<vmem>>
    %dma_start3A_259 = arith.constant 0 : i32
    %dma_start3A_260 = arith.constant 0 : i32
    %dma_start3A_261 = tpu.memref_slice %arg6[%dma_start3A_259, %dma_start3A_260, %multiple_of3A_215] : memref<12x50x16384xf32, #tpu.memory_space<hbm>> -> memref<8x50x128xf32, #tpu.memory_space<hbm>>
    %dma_start3A_262 = arith.constant 0 : i32
    %dma_start3A_263 = arith.constant 0 : i32
    %dma_start3A_264 = tpu.memref_slice %arg6[%dma_start3A_262, %dma_start3A_263, %multiple_of3A_215] : memref<12x50x16384xf32, #tpu.memory_space<hbm>> -> memref<8x50x128xf32, #tpu.memory_space<hbm>>
    %dma_start3A_265 = arith.constant 0 : i32
    %dma_start3A_266 = arith.constant 0 : i32
    %dma_start3A_267 = arith.constant 0 : i32
    %dma_start3A_268 = tpu.memref_slice %arg11[%dma_start3A_265, %dma_start3A_266, %dma_start3A_267] : memref<8x56x128xf32, #tpu.memory_space<vmem>> -> memref<8x50x128xf32, #tpu.memory_space<vmem>>
    tpu.enqueue_dma source(%dma_start3A_268 : memref<8x50x128xf32, #tpu.memory_space<vmem>>) target(%dma_start3A_264 : memref<8x50x128xf32, #tpu.memory_space<hbm>>) target_semaphore(%arg19 : memref<!tpu.dma_semaphore, #tpu.memory_space<semaphore_mem>>)
    %dma_wait3A_269 = arith.constant 0 : i32
    %dma_wait3A_270 = arith.constant 0 : i32
    %dma_wait3A_271 = tpu.memref_slice %arg9[%dma_wait3A_269, %dma_wait3A_270] : memref<56x128xi32, #tpu.memory_space<vmem>> -> memref<50x128xi32, #tpu.memory_space<vmem>>
    %dma_wait3A_272 = arith.constant 0 : i32
    %dma_wait3A_273 = tpu.memref_slice %arg3[%dma_wait3A_272, %add3A_171] : memref<50x16384xi32, #tpu.memory_space<hbm>> -> memref<50x128xi32, #tpu.memory_space<hbm>>
    %dma_wait3A_274 = arith.constant 0 : i32
    %dma_wait3A_275 = arith.constant 0 : i32
    %dma_wait3A_276 = tpu.memref_slice %arg9[%dma_wait3A_274, %dma_wait3A_275] : memref<56x128xi32, #tpu.memory_space<vmem>> -> memref<50x128xi32, #tpu.memory_space<vmem>>
    %dma_wait3A_277 = arith.constant 0 : i32
    %dma_wait3A_278 = tpu.memref_slice %arg3[%dma_wait3A_277, %add3A_171] : memref<50x16384xi32, #tpu.memory_space<hbm>> -> memref<50x128xi32, #tpu.memory_space<hbm>>
    tpu.wait_dma2 semaphore(%arg17 : memref<!tpu.dma_semaphore, #tpu.memory_space<semaphore_mem>>) src(%dma_wait3A_278 : memref<50x128xi32, #tpu.memory_space<hbm>>) dst(%dma_wait3A_276 : memref<50x128xi32, #tpu.memory_space<vmem>>)
    %add3A_279 = arith.constant 384 : i32
    %add3A_280 = arith.addi %mul3A_2, %add3A_279 : i32
    %dma_start3A_281 = arith.constant 0 : i32
    %dma_start3A_282 = arith.constant 0 : i32
    %dma_start3A_283 = tpu.memref_slice %arg10[%dma_start3A_281, %dma_start3A_282] : memref<56x128xi32, #tpu.memory_space<vmem>> -> memref<50x128xi32, #tpu.memory_space<vmem>>
    %dma_start3A_284 = arith.constant 0 : i32
    %dma_start3A_285 = tpu.memref_slice %arg3[%dma_start3A_284, %add3A_280] : memref<50x16384xi32, #tpu.memory_space<hbm>> -> memref<50x128xi32, #tpu.memory_space<hbm>>
    %dma_start3A_286 = arith.constant 0 : i32
    %dma_start3A_287 = arith.constant 0 : i32
    %dma_start3A_288 = tpu.memref_slice %arg10[%dma_start3A_286, %dma_start3A_287] : memref<56x128xi32, #tpu.memory_space<vmem>> -> memref<50x128xi32, #tpu.memory_space<vmem>>
    %dma_start3A_289 = arith.constant 0 : i32
    %dma_start3A_290 = tpu.memref_slice %arg3[%dma_start3A_289, %add3A_280] : memref<50x16384xi32, #tpu.memory_space<hbm>> -> memref<50x128xi32, #tpu.memory_space<hbm>>
    tpu.enqueue_dma source(%dma_start3A_290 : memref<50x128xi32, #tpu.memory_space<hbm>>) target(%dma_start3A_288 : memref<50x128xi32, #tpu.memory_space<vmem>>) target_semaphore(%arg18 : memref<!tpu.dma_semaphore, #tpu.memory_space<semaphore_mem>>)
    %dma_wait3A_291 = arith.constant 0 : i32
    %dma_wait3A_292 = arith.constant 0 : i32
    %dma_wait3A_293 = arith.constant 0 : i32
    %dma_wait3A_294 = tpu.memref_slice %arg12[%dma_wait3A_291, %dma_wait3A_292, %dma_wait3A_293] : memref<4x56x128xf32, #tpu.memory_space<vmem>> -> memref<4x50x128xf32, #tpu.memory_space<vmem>>
    %dma_wait3A_295 = arith.constant 8 : i32
    %dma_wait3A_296 = arith.constant 0 : i32
    %dma_wait3A_297 = tpu.memref_slice %arg6[%dma_wait3A_295, %dma_wait3A_296, %multiple_of3A_106] : memref<12x50x16384xf32, #tpu.memory_space<hbm>> -> memref<4x50x128xf32, #tpu.memory_space<hbm>>
    %dma_wait3A_298 = arith.constant 8 : i32
    %dma_wait3A_299 = arith.constant 0 : i32
    %dma_wait3A_300 = tpu.memref_slice %arg6[%dma_wait3A_298, %dma_wait3A_299, %multiple_of3A_106] : memref<12x50x16384xf32, #tpu.memory_space<hbm>> -> memref<4x50x128xf32, #tpu.memory_space<hbm>>
    %dma_wait3A_301 = arith.constant 0 : i32
    %dma_wait3A_302 = arith.constant 0 : i32
    %dma_wait3A_303 = arith.constant 0 : i32
    %dma_wait3A_304 = tpu.memref_slice %arg12[%dma_wait3A_301, %dma_wait3A_302, %dma_wait3A_303] : memref<4x56x128xf32, #tpu.memory_space<vmem>> -> memref<4x50x128xf32, #tpu.memory_space<vmem>>
    tpu.wait_dma2 semaphore(%arg20 : memref<!tpu.dma_semaphore, #tpu.memory_space<semaphore_mem>>) src(%dma_wait3A_304 : memref<4x50x128xf32, #tpu.memory_space<vmem>>) dst(%dma_wait3A_300 : memref<4x50x128xf32, #tpu.memory_space<hbm>>)
    %parallel_loop3A_305 = arith.constant 0 : i32
    %parallel_loop3A_306 = arith.constant 400 : i32
    %parallel_loop3A_307 = arith.constant 1 : i32
    scf.for %parallel_loop3A_435 = %parallel_loop3A_305 to %parallel_loop3A_306 step %parallel_loop3A_307  : i32 {
      %parallel_loop3A_436 = arith.constant 3 : i32
      %parallel_loop3A_437 = arith.shrsi %parallel_loop3A_435, %parallel_loop3A_436 : i32
      %parallel_loop3A_438 = arith.constant 7 : i32
      %parallel_loop3A_439 = arith.andi %parallel_loop3A_435, %parallel_loop3A_438 : i32
      %parallel_loop3A_440 = arith.constant 16 : i32
      %parallel_loop3A_441 = arith.muli %parallel_loop3A_439, %parallel_loop3A_440 : i32
      %parallel_loop3A_442 = arith.index_cast %parallel_loop3A_437 : i32 to index
      %parallel_loop3A_443 = arith.index_cast %parallel_loop3A_441 : i32 to index
      %parallel_loop3A_444 = tpu.vector_load %arg9[%parallel_loop3A_442, %parallel_loop3A_443] {strides = array<i32>} : memref<56x128xi32, #tpu.memory_space<vmem>>, vector<16xi32>,
      %parallel_loop3A_445 = arith.constant 4 : i32
      %parallel_loop3A_446 = vector.broadcast %parallel_loop3A_445 : i32 to vector<16xi32>
      %parallel_loop3A_447 = arith.muli %parallel_loop3A_444, %parallel_loop3A_446 : vector<16xi32>
      %parallel_loop3A_448 = arith.constant 0 : i32
      %parallel_loop3A_449 = vector.broadcast %parallel_loop3A_448 : i32 to vector<16xi32>
      %parallel_loop3A_450 = arith.addi %parallel_loop3A_447, %parallel_loop3A_449 : vector<16xi32>
      %parallel_loop3A_451 = tpu.vector_load_idx %arg14[%parallel_loop3A_450] : memref<32xf32, #tpu.memory_space<vmem>>[vector<16xi32>], vector<16xf32>,
      %parallel_loop3A_452 = arith.constant 1 : i32
      %parallel_loop3A_453 = vector.broadcast %parallel_loop3A_452 : i32 to vector<16xi32>
      %parallel_loop3A_454 = arith.addi %parallel_loop3A_447, %parallel_loop3A_453 : vector<16xi32>
      %parallel_loop3A_455 = tpu.vector_load_idx %arg14[%parallel_loop3A_454] : memref<32xf32, #tpu.memory_space<vmem>>[vector<16xi32>], vector<16xf32>,
      %parallel_loop3A_456 = arith.constant 2 : i32
      %parallel_loop3A_457 = vector.broadcast %parallel_loop3A_456 : i32 to vector<16xi32>
      %parallel_loop3A_458 = arith.addi %parallel_loop3A_447, %parallel_loop3A_457 : vector<16xi32>
      %parallel_loop3A_459 = tpu.vector_load_idx %arg14[%parallel_loop3A_458] : memref<32xf32, #tpu.memory_space<vmem>>[vector<16xi32>], vector<16xf32>,
      %parallel_loop3A_460 = arith.constant 3 : i32
      %parallel_loop3A_461 = vector.broadcast %parallel_loop3A_460 : i32 to vector<16xi32>
      %parallel_loop3A_462 = arith.addi %parallel_loop3A_447, %parallel_loop3A_461 : vector<16xi32>
      %parallel_loop3A_463 = tpu.vector_load_idx %arg14[%parallel_loop3A_462] : memref<32xf32, #tpu.memory_space<vmem>>[vector<16xi32>], vector<16xf32>,
      %parallel_loop3A_464 = arith.constant 0 : i32
      %parallel_loop3A_465 = arith.index_cast %parallel_loop3A_464 : i32 to index
      %parallel_loop3A_466 = arith.index_cast %parallel_loop3A_437 : i32 to index
      %parallel_loop3A_467 = arith.index_cast %parallel_loop3A_441 : i32 to index
      %parallel_loop3A_468 = tpu.vector_load %arg12[%parallel_loop3A_465, %parallel_loop3A_466, %parallel_loop3A_467] {strides = array<i32>} : memref<4x56x128xf32, #tpu.memory_space<vmem>>, vector<16xf32>,
      tpu.vector_store %arg12[%parallel_loop3A_465, %parallel_loop3A_466, %parallel_loop3A_467], %parallel_loop3A_451 {strides = array<i32>} : memref<4x56x128xf32, #tpu.memory_space<vmem>>, vector<16xf32>,
      %parallel_loop3A_469 = arith.constant 1 : i32
      %parallel_loop3A_470 = arith.index_cast %parallel_loop3A_469 : i32 to index
      %parallel_loop3A_471 = arith.index_cast %parallel_loop3A_437 : i32 to index
      %parallel_loop3A_472 = arith.index_cast %parallel_loop3A_441 : i32 to index
      %parallel_loop3A_473 = tpu.vector_load %arg12[%parallel_loop3A_470, %parallel_loop3A_471, %parallel_loop3A_472] {strides = array<i32>} : memref<4x56x128xf32, #tpu.memory_space<vmem>>, vector<16xf32>,
      tpu.vector_store %arg12[%parallel_loop3A_470, %parallel_loop3A_471, %parallel_loop3A_472], %parallel_loop3A_455 {strides = array<i32>} : memref<4x56x128xf32, #tpu.memory_space<vmem>>, vector<16xf32>,
      %parallel_loop3A_474 = arith.constant 2 : i32
      %parallel_loop3A_475 = arith.index_cast %parallel_loop3A_474 : i32 to index
      %parallel_loop3A_476 = arith.index_cast %parallel_loop3A_437 : i32 to index
      %parallel_loop3A_477 = arith.index_cast %parallel_loop3A_441 : i32 to index
      %parallel_loop3A_478 = tpu.vector_load %arg12[%parallel_loop3A_475, %parallel_loop3A_476, %parallel_loop3A_477] {strides = array<i32>} : memref<4x56x128xf32, #tpu.memory_space<vmem>>, vector<16xf32>,
      tpu.vector_store %arg12[%parallel_loop3A_475, %parallel_loop3A_476, %parallel_loop3A_477], %parallel_loop3A_459 {strides = array<i32>} : memref<4x56x128xf32, #tpu.memory_space<vmem>>, vector<16xf32>,
      %parallel_loop3A_479 = arith.constant 3 : i32
      %parallel_loop3A_480 = arith.index_cast %parallel_loop3A_479 : i32 to index
      %parallel_loop3A_481 = arith.index_cast %parallel_loop3A_437 : i32 to index
      %parallel_loop3A_482 = arith.index_cast %parallel_loop3A_441 : i32 to index
      %parallel_loop3A_483 = tpu.vector_load %arg12[%parallel_loop3A_480, %parallel_loop3A_481, %parallel_loop3A_482] {strides = array<i32>} : memref<4x56x128xf32, #tpu.memory_space<vmem>>, vector<16xf32>,
      tpu.vector_store %arg12[%parallel_loop3A_480, %parallel_loop3A_481, %parallel_loop3A_482], %parallel_loop3A_463 {strides = array<i32>} : memref<4x56x128xf32, #tpu.memory_space<vmem>>, vector<16xf32>,
    } {sc.loop_unroll_factor = 2 : i64, sc.parallel_access}
    %dma_start3A_308 = arith.constant 0 : i32
    %dma_start3A_309 = arith.constant 0 : i32
    %dma_start3A_310 = arith.constant 0 : i32
    %dma_start3A_311 = tpu.memref_slice %arg12[%dma_start3A_308, %dma_start3A_309, %dma_start3A_310] : memref<4x56x128xf32, #tpu.memory_space<vmem>> -> memref<4x50x128xf32, #tpu.memory_space<vmem>>
    %dma_start3A_312 = arith.constant 8 : i32
    %dma_start3A_313 = arith.constant 0 : i32
    %dma_start3A_314 = tpu.memref_slice %arg6[%dma_start3A_312, %dma_start3A_313, %multiple_of3A_215] : memref<12x50x16384xf32, #tpu.memory_space<hbm>> -> memref<4x50x128xf32, #tpu.memory_space<hbm>>
    %dma_start3A_315 = arith.constant 8 : i32
    %dma_start3A_316 = arith.constant 0 : i32
    %dma_start3A_317 = tpu.memref_slice %arg6[%dma_start3A_315, %dma_start3A_316, %multiple_of3A_215] : memref<12x50x16384xf32, #tpu.memory_space<hbm>> -> memref<4x50x128xf32, #tpu.memory_space<hbm>>
    %dma_start3A_318 = arith.constant 0 : i32
    %dma_start3A_319 = arith.constant 0 : i32
    %dma_start3A_320 = arith.constant 0 : i32
    %dma_start3A_321 = tpu.memref_slice %arg12[%dma_start3A_318, %dma_start3A_319, %dma_start3A_320] : memref<4x56x128xf32, #tpu.memory_space<vmem>> -> memref<4x50x128xf32, #tpu.memory_space<vmem>>
    tpu.enqueue_dma source(%dma_start3A_321 : memref<4x50x128xf32, #tpu.memory_space<vmem>>) target(%dma_start3A_317 : memref<4x50x128xf32, #tpu.memory_space<hbm>>) target_semaphore(%arg20 : memref<!tpu.dma_semaphore, #tpu.memory_space<semaphore_mem>>)
    %add3A_322 = arith.constant 384 : i32
    %add3A_323 = arith.addi %mul3A_2, %add3A_322 : i32
    %multiple_of3A_324 = tpu.assume_multiple %add3A_323, 128 : i32
    %dma_wait3A_325 = arith.constant 0 : i32
    %dma_wait3A_326 = arith.constant 0 : i32
    %dma_wait3A_327 = tpu.memref_slice %arg8[%dma_wait3A_325, %dma_wait3A_326] : memref<56x128xi32, #tpu.memory_space<vmem>> -> memref<50x128xi32, #tpu.memory_space<vmem>>
    %dma_wait3A_328 = arith.constant 0 : i32
    %dma_wait3A_329 = tpu.memref_slice %arg2[%dma_wait3A_328, %add3A_227] : memref<50x16384xi32, #tpu.memory_space<hbm>> -> memref<50x128xi32, #tpu.memory_space<hbm>>
    %dma_wait3A_330 = arith.constant 0 : i32
    %dma_wait3A_331 = arith.constant 0 : i32
    %dma_wait3A_332 = tpu.memref_slice %arg8[%dma_wait3A_330, %dma_wait3A_331] : memref<56x128xi32, #tpu.memory_space<vmem>> -> memref<50x128xi32, #tpu.memory_space<vmem>>
    %dma_wait3A_333 = arith.constant 0 : i32
    %dma_wait3A_334 = tpu.memref_slice %arg2[%dma_wait3A_333, %add3A_227] : memref<50x16384xi32, #tpu.memory_space<hbm>> -> memref<50x128xi32, #tpu.memory_space<hbm>>
    tpu.wait_dma2 semaphore(%arg16 : memref<!tpu.dma_semaphore, #tpu.memory_space<semaphore_mem>>) src(%dma_wait3A_334 : memref<50x128xi32, #tpu.memory_space<hbm>>) dst(%dma_wait3A_332 : memref<50x128xi32, #tpu.memory_space<vmem>>)
    %dma_wait3A_335 = arith.constant 0 : i32
    %dma_wait3A_336 = arith.constant 0 : i32
    %dma_wait3A_337 = arith.constant 0 : i32
    %dma_wait3A_338 = tpu.memref_slice %arg11[%dma_wait3A_335, %dma_wait3A_336, %dma_wait3A_337] : memref<8x56x128xf32, #tpu.memory_space<vmem>> -> memref<8x50x128xf32, #tpu.memory_space<vmem>>
    %dma_wait3A_339 = arith.constant 0 : i32
    %dma_wait3A_340 = arith.constant 0 : i32
    %dma_wait3A_341 = tpu.memref_slice %arg6[%dma_wait3A_339, %dma_wait3A_340, %multiple_of3A_215] : memref<12x50x16384xf32, #tpu.memory_space<hbm>> -> memref<8x50x128xf32, #tpu.memory_space<hbm>>
    %dma_wait3A_342 = arith.constant 0 : i32
    %dma_wait3A_343 = arith.constant 0 : i32
    %dma_wait3A_344 = tpu.memref_slice %arg6[%dma_wait3A_342, %dma_wait3A_343, %multiple_of3A_215] : memref<12x50x16384xf32, #tpu.memory_space<hbm>> -> memref<8x50x128xf32, #tpu.memory_space<hbm>>
    %dma_wait3A_345 = arith.constant 0 : i32
    %dma_wait3A_346 = arith.constant 0 : i32
    %dma_wait3A_347 = arith.constant 0 : i32
    %dma_wait3A_348 = tpu.memref_slice %arg11[%dma_wait3A_345, %dma_wait3A_346, %dma_wait3A_347] : memref<8x56x128xf32, #tpu.memory_space<vmem>> -> memref<8x50x128xf32, #tpu.memory_space<vmem>>
    tpu.wait_dma2 semaphore(%arg19 : memref<!tpu.dma_semaphore, #tpu.memory_space<semaphore_mem>>) src(%dma_wait3A_348 : memref<8x50x128xf32, #tpu.memory_space<vmem>>) dst(%dma_wait3A_344 : memref<8x50x128xf32, #tpu.memory_space<hbm>>)
    %parallel_loop3A_349 = arith.constant 0 : i32
    %parallel_loop3A_350 = arith.constant 400 : i32
    %parallel_loop3A_351 = arith.constant 1 : i32
    scf.for %parallel_loop3A_435 = %parallel_loop3A_349 to %parallel_loop3A_350 step %parallel_loop3A_351  : i32 {
      %parallel_loop3A_436 = arith.constant 3 : i32
      %parallel_loop3A_437 = arith.shrsi %parallel_loop3A_435, %parallel_loop3A_436 : i32
      %parallel_loop3A_438 = arith.constant 7 : i32
      %parallel_loop3A_439 = arith.andi %parallel_loop3A_435, %parallel_loop3A_438 : i32
      %parallel_loop3A_440 = arith.constant 16 : i32
      %parallel_loop3A_441 = arith.muli %parallel_loop3A_439, %parallel_loop3A_440 : i32
      %parallel_loop3A_442 = arith.index_cast %parallel_loop3A_437 : i32 to index
      %parallel_loop3A_443 = arith.index_cast %parallel_loop3A_441 : i32 to index
      %parallel_loop3A_444 = tpu.vector_load %arg8[%parallel_loop3A_442, %parallel_loop3A_443] {strides = array<i32>} : memref<56x128xi32, #tpu.memory_space<vmem>>, vector<16xi32>,
      %parallel_loop3A_445 = arith.constant 8 : i32
      %parallel_loop3A_446 = vector.broadcast %parallel_loop3A_445 : i32 to vector<16xi32>
      %parallel_loop3A_447 = arith.muli %parallel_loop3A_444, %parallel_loop3A_446 : vector<16xi32>
      %parallel_loop3A_448 = arith.constant 0 : i32
      %parallel_loop3A_449 = vector.broadcast %parallel_loop3A_448 : i32 to vector<16xi32>
      %parallel_loop3A_450 = arith.addi %parallel_loop3A_447, %parallel_loop3A_449 : vector<16xi32>
      %parallel_loop3A_451 = tpu.vector_load_idx %arg13[%parallel_loop3A_450] : memref<112xf32, #tpu.memory_space<vmem>>[vector<16xi32>], vector<16xf32>,
      %parallel_loop3A_452 = arith.constant 1 : i32
      %parallel_loop3A_453 = vector.broadcast %parallel_loop3A_452 : i32 to vector<16xi32>
      %parallel_loop3A_454 = arith.addi %parallel_loop3A_447, %parallel_loop3A_453 : vector<16xi32>
      %parallel_loop3A_455 = tpu.vector_load_idx %arg13[%parallel_loop3A_454] : memref<112xf32, #tpu.memory_space<vmem>>[vector<16xi32>], vector<16xf32>,
      %parallel_loop3A_456 = arith.constant 2 : i32
      %parallel_loop3A_457 = vector.broadcast %parallel_loop3A_456 : i32 to vector<16xi32>
      %parallel_loop3A_458 = arith.addi %parallel_loop3A_447, %parallel_loop3A_457 : vector<16xi32>
      %parallel_loop3A_459 = tpu.vector_load_idx %arg13[%parallel_loop3A_458] : memref<112xf32, #tpu.memory_space<vmem>>[vector<16xi32>], vector<16xf32>,
      %parallel_loop3A_460 = arith.constant 3 : i32
      %parallel_loop3A_461 = vector.broadcast %parallel_loop3A_460 : i32 to vector<16xi32>
      %parallel_loop3A_462 = arith.addi %parallel_loop3A_447, %parallel_loop3A_461 : vector<16xi32>
      %parallel_loop3A_463 = tpu.vector_load_idx %arg13[%parallel_loop3A_462] : memref<112xf32, #tpu.memory_space<vmem>>[vector<16xi32>], vector<16xf32>,
      %parallel_loop3A_464 = arith.constant 4 : i32
      %parallel_loop3A_465 = vector.broadcast %parallel_loop3A_464 : i32 to vector<16xi32>
      %parallel_loop3A_466 = arith.addi %parallel_loop3A_447, %parallel_loop3A_465 : vector<16xi32>
      %parallel_loop3A_467 = tpu.vector_load_idx %arg13[%parallel_loop3A_466] : memref<112xf32, #tpu.memory_space<vmem>>[vector<16xi32>], vector<16xf32>,
      %parallel_loop3A_468 = arith.constant 5 : i32
      %parallel_loop3A_469 = vector.broadcast %parallel_loop3A_468 : i32 to vector<16xi32>
      %parallel_loop3A_470 = arith.addi %parallel_loop3A_447, %parallel_loop3A_469 : vector<16xi32>
      %parallel_loop3A_471 = tpu.vector_load_idx %arg13[%parallel_loop3A_470] : memref<112xf32, #tpu.memory_space<vmem>>[vector<16xi32>], vector<16xf32>,
      %parallel_loop3A_472 = arith.constant 6 : i32
      %parallel_loop3A_473 = vector.broadcast %parallel_loop3A_472 : i32 to vector<16xi32>
      %parallel_loop3A_474 = arith.addi %parallel_loop3A_447, %parallel_loop3A_473 : vector<16xi32>
      %parallel_loop3A_475 = tpu.vector_load_idx %arg13[%parallel_loop3A_474] : memref<112xf32, #tpu.memory_space<vmem>>[vector<16xi32>], vector<16xf32>,
      %parallel_loop3A_476 = arith.constant 7 : i32
      %parallel_loop3A_477 = vector.broadcast %parallel_loop3A_476 : i32 to vector<16xi32>
      %parallel_loop3A_478 = arith.addi %parallel_loop3A_447, %parallel_loop3A_477 : vector<16xi32>
      %parallel_loop3A_479 = tpu.vector_load_idx %arg13[%parallel_loop3A_478] : memref<112xf32, #tpu.memory_space<vmem>>[vector<16xi32>], vector<16xf32>,
      %parallel_loop3A_480 = arith.constant 0 : i32
      %parallel_loop3A_481 = arith.index_cast %parallel_loop3A_480 : i32 to index
      %parallel_loop3A_482 = arith.index_cast %parallel_loop3A_437 : i32 to index
      %parallel_loop3A_483 = arith.index_cast %parallel_loop3A_441 : i32 to index
      %parallel_loop3A_484 = tpu.vector_load %arg11[%parallel_loop3A_481, %parallel_loop3A_482, %parallel_loop3A_483] {strides = array<i32>} : memref<8x56x128xf32, #tpu.memory_space<vmem>>, vector<16xf32>,
      tpu.vector_store %arg11[%parallel_loop3A_481, %parallel_loop3A_482, %parallel_loop3A_483], %parallel_loop3A_451 {strides = array<i32>} : memref<8x56x128xf32, #tpu.memory_space<vmem>>, vector<16xf32>,
      %parallel_loop3A_485 = arith.constant 1 : i32
      %parallel_loop3A_486 = arith.index_cast %parallel_loop3A_485 : i32 to index
      %parallel_loop3A_487 = arith.index_cast %parallel_loop3A_437 : i32 to index
      %parallel_loop3A_488 = arith.index_cast %parallel_loop3A_441 : i32 to index
      %parallel_loop3A_489 = tpu.vector_load %arg11[%parallel_loop3A_486, %parallel_loop3A_487, %parallel_loop3A_488] {strides = array<i32>} : memref<8x56x128xf32, #tpu.memory_space<vmem>>, vector<16xf32>,
      tpu.vector_store %arg11[%parallel_loop3A_486, %parallel_loop3A_487, %parallel_loop3A_488], %parallel_loop3A_455 {strides = array<i32>} : memref<8x56x128xf32, #tpu.memory_space<vmem>>, vector<16xf32>,
      %parallel_loop3A_490 = arith.constant 2 : i32
      %parallel_loop3A_491 = arith.index_cast %parallel_loop3A_490 : i32 to index
      %parallel_loop3A_492 = arith.index_cast %parallel_loop3A_437 : i32 to index
      %parallel_loop3A_493 = arith.index_cast %parallel_loop3A_441 : i32 to index
      %parallel_loop3A_494 = tpu.vector_load %arg11[%parallel_loop3A_491, %parallel_loop3A_492, %parallel_loop3A_493] {strides = array<i32>} : memref<8x56x128xf32, #tpu.memory_space<vmem>>, vector<16xf32>,
      tpu.vector_store %arg11[%parallel_loop3A_491, %parallel_loop3A_492, %parallel_loop3A_493], %parallel_loop3A_459 {strides = array<i32>} : memref<8x56x128xf32, #tpu.memory_space<vmem>>, vector<16xf32>,
      %parallel_loop3A_495 = arith.constant 3 : i32
      %parallel_loop3A_496 = arith.index_cast %parallel_loop3A_495 : i32 to index
      %parallel_loop3A_497 = arith.index_cast %parallel_loop3A_437 : i32 to index
      %parallel_loop3A_498 = arith.index_cast %parallel_loop3A_441 : i32 to index
      %parallel_loop3A_499 = tpu.vector_load %arg11[%parallel_loop3A_496, %parallel_loop3A_497, %parallel_loop3A_498] {strides = array<i32>} : memref<8x56x128xf32, #tpu.memory_space<vmem>>, vector<16xf32>,
      tpu.vector_store %arg11[%parallel_loop3A_496, %parallel_loop3A_497, %parallel_loop3A_498], %parallel_loop3A_463 {strides = array<i32>} : memref<8x56x128xf32, #tpu.memory_space<vmem>>, vector<16xf32>,
      %parallel_loop3A_500 = arith.constant 4 : i32
      %parallel_loop3A_501 = arith.index_cast %parallel_loop3A_500 : i32 to index
      %parallel_loop3A_502 = arith.index_cast %parallel_loop3A_437 : i32 to index
      %parallel_loop3A_503 = arith.index_cast %parallel_loop3A_441 : i32 to index
      %parallel_loop3A_504 = tpu.vector_load %arg11[%parallel_loop3A_501, %parallel_loop3A_502, %parallel_loop3A_503] {strides = array<i32>} : memref<8x56x128xf32, #tpu.memory_space<vmem>>, vector<16xf32>,
      tpu.vector_store %arg11[%parallel_loop3A_501, %parallel_loop3A_502, %parallel_loop3A_503], %parallel_loop3A_467 {strides = array<i32>} : memref<8x56x128xf32, #tpu.memory_space<vmem>>, vector<16xf32>,
      %parallel_loop3A_505 = arith.constant 5 : i32
      %parallel_loop3A_506 = arith.index_cast %parallel_loop3A_505 : i32 to index
      %parallel_loop3A_507 = arith.index_cast %parallel_loop3A_437 : i32 to index
      %parallel_loop3A_508 = arith.index_cast %parallel_loop3A_441 : i32 to index
      %parallel_loop3A_509 = tpu.vector_load %arg11[%parallel_loop3A_506, %parallel_loop3A_507, %parallel_loop3A_508] {strides = array<i32>} : memref<8x56x128xf32, #tpu.memory_space<vmem>>, vector<16xf32>,
      tpu.vector_store %arg11[%parallel_loop3A_506, %parallel_loop3A_507, %parallel_loop3A_508], %parallel_loop3A_471 {strides = array<i32>} : memref<8x56x128xf32, #tpu.memory_space<vmem>>, vector<16xf32>,
      %parallel_loop3A_510 = arith.constant 6 : i32
      %parallel_loop3A_511 = arith.index_cast %parallel_loop3A_510 : i32 to index
      %parallel_loop3A_512 = arith.index_cast %parallel_loop3A_437 : i32 to index
      %parallel_loop3A_513 = arith.index_cast %parallel_loop3A_441 : i32 to index
      %parallel_loop3A_514 = tpu.vector_load %arg11[%parallel_loop3A_511, %parallel_loop3A_512, %parallel_loop3A_513] {strides = array<i32>} : memref<8x56x128xf32, #tpu.memory_space<vmem>>, vector<16xf32>,
      tpu.vector_store %arg11[%parallel_loop3A_511, %parallel_loop3A_512, %parallel_loop3A_513], %parallel_loop3A_475 {strides = array<i32>} : memref<8x56x128xf32, #tpu.memory_space<vmem>>, vector<16xf32>,
      %parallel_loop3A_515 = arith.constant 7 : i32
      %parallel_loop3A_516 = arith.index_cast %parallel_loop3A_515 : i32 to index
      %parallel_loop3A_517 = arith.index_cast %parallel_loop3A_437 : i32 to index
      %parallel_loop3A_518 = arith.index_cast %parallel_loop3A_441 : i32 to index
      %parallel_loop3A_519 = tpu.vector_load %arg11[%parallel_loop3A_516, %parallel_loop3A_517, %parallel_loop3A_518] {strides = array<i32>} : memref<8x56x128xf32, #tpu.memory_space<vmem>>, vector<16xf32>,
      tpu.vector_store %arg11[%parallel_loop3A_516, %parallel_loop3A_517, %parallel_loop3A_518], %parallel_loop3A_479 {strides = array<i32>} : memref<8x56x128xf32, #tpu.memory_space<vmem>>, vector<16xf32>,
    } {sc.loop_unroll_factor = 2 : i64, sc.parallel_access}
    %dma_start3A_352 = arith.constant 0 : i32
    %dma_start3A_353 = arith.constant 0 : i32
    %dma_start3A_354 = arith.constant 0 : i32
    %dma_start3A_355 = tpu.memref_slice %arg11[%dma_start3A_352, %dma_start3A_353, %dma_start3A_354] : memref<8x56x128xf32, #tpu.memory_space<vmem>> -> memref<8x50x128xf32, #tpu.memory_space<vmem>>
    %dma_start3A_356 = arith.constant 0 : i32
    %dma_start3A_357 = arith.constant 0 : i32
    %dma_start3A_358 = tpu.memref_slice %arg6[%dma_start3A_356, %dma_start3A_357, %multiple_of3A_324] : memref<12x50x16384xf32, #tpu.memory_space<hbm>> -> memref<8x50x128xf32, #tpu.memory_space<hbm>>
    %dma_start3A_359 = arith.constant 0 : i32
    %dma_start3A_360 = arith.constant 0 : i32
    %dma_start3A_361 = tpu.memref_slice %arg6[%dma_start3A_359, %dma_start3A_360, %multiple_of3A_324] : memref<12x50x16384xf32, #tpu.memory_space<hbm>> -> memref<8x50x128xf32, #tpu.memory_space<hbm>>
    %dma_start3A_362 = arith.constant 0 : i32
    %dma_start3A_363 = arith.constant 0 : i32
    %dma_start3A_364 = arith.constant 0 : i32
    %dma_start3A_365 = tpu.memref_slice %arg11[%dma_start3A_362, %dma_start3A_363, %dma_start3A_364] : memref<8x56x128xf32, #tpu.memory_space<vmem>> -> memref<8x50x128xf32, #tpu.memory_space<vmem>>
    tpu.enqueue_dma source(%dma_start3A_365 : memref<8x50x128xf32, #tpu.memory_space<vmem>>) target(%dma_start3A_361 : memref<8x50x128xf32, #tpu.memory_space<hbm>>) target_semaphore(%arg19 : memref<!tpu.dma_semaphore, #tpu.memory_space<semaphore_mem>>)
    %dma_wait3A_366 = arith.constant 0 : i32
    %dma_wait3A_367 = arith.constant 0 : i32
    %dma_wait3A_368 = tpu.memref_slice %arg10[%dma_wait3A_366, %dma_wait3A_367] : memref<56x128xi32, #tpu.memory_space<vmem>> -> memref<50x128xi32, #tpu.memory_space<vmem>>
    %dma_wait3A_369 = arith.constant 0 : i32
    %dma_wait3A_370 = tpu.memref_slice %arg3[%dma_wait3A_369, %add3A_280] : memref<50x16384xi32, #tpu.memory_space<hbm>> -> memref<50x128xi32, #tpu.memory_space<hbm>>
    %dma_wait3A_371 = arith.constant 0 : i32
    %dma_wait3A_372 = arith.constant 0 : i32
    %dma_wait3A_373 = tpu.memref_slice %arg10[%dma_wait3A_371, %dma_wait3A_372] : memref<56x128xi32, #tpu.memory_space<vmem>> -> memref<50x128xi32, #tpu.memory_space<vmem>>
    %dma_wait3A_374 = arith.constant 0 : i32
    %dma_wait3A_375 = tpu.memref_slice %arg3[%dma_wait3A_374, %add3A_280] : memref<50x16384xi32, #tpu.memory_space<hbm>> -> memref<50x128xi32, #tpu.memory_space<hbm>>
    tpu.wait_dma2 semaphore(%arg18 : memref<!tpu.dma_semaphore, #tpu.memory_space<semaphore_mem>>) src(%dma_wait3A_375 : memref<50x128xi32, #tpu.memory_space<hbm>>) dst(%dma_wait3A_373 : memref<50x128xi32, #tpu.memory_space<vmem>>)
    %dma_wait3A_376 = arith.constant 0 : i32
    %dma_wait3A_377 = arith.constant 0 : i32
    %dma_wait3A_378 = arith.constant 0 : i32
    %dma_wait3A_379 = tpu.memref_slice %arg12[%dma_wait3A_376, %dma_wait3A_377, %dma_wait3A_378] : memref<4x56x128xf32, #tpu.memory_space<vmem>> -> memref<4x50x128xf32, #tpu.memory_space<vmem>>
    %dma_wait3A_380 = arith.constant 8 : i32
    %dma_wait3A_381 = arith.constant 0 : i32
    %dma_wait3A_382 = tpu.memref_slice %arg6[%dma_wait3A_380, %dma_wait3A_381, %multiple_of3A_215] : memref<12x50x16384xf32, #tpu.memory_space<hbm>> -> memref<4x50x128xf32, #tpu.memory_space<hbm>>
    %dma_wait3A_383 = arith.constant 8 : i32
    %dma_wait3A_384 = arith.constant 0 : i32
    %dma_wait3A_385 = tpu.memref_slice %arg6[%dma_wait3A_383, %dma_wait3A_384, %multiple_of3A_215] : memref<12x50x16384xf32, #tpu.memory_space<hbm>> -> memref<4x50x128xf32, #tpu.memory_space<hbm>>
    %dma_wait3A_386 = arith.constant 0 : i32
    %dma_wait3A_387 = arith.constant 0 : i32
    %dma_wait3A_388 = arith.constant 0 : i32
    %dma_wait3A_389 = tpu.memref_slice %arg12[%dma_wait3A_386, %dma_wait3A_387, %dma_wait3A_388] : memref<4x56x128xf32, #tpu.memory_space<vmem>> -> memref<4x50x128xf32, #tpu.memory_space<vmem>>
    tpu.wait_dma2 semaphore(%arg20 : memref<!tpu.dma_semaphore, #tpu.memory_space<semaphore_mem>>) src(%dma_wait3A_389 : memref<4x50x128xf32, #tpu.memory_space<vmem>>) dst(%dma_wait3A_385 : memref<4x50x128xf32, #tpu.memory_space<hbm>>)
    %parallel_loop3A_390 = arith.constant 0 : i32
    %parallel_loop3A_391 = arith.constant 400 : i32
    %parallel_loop3A_392 = arith.constant 1 : i32
    scf.for %parallel_loop3A_435 = %parallel_loop3A_390 to %parallel_loop3A_391 step %parallel_loop3A_392  : i32 {
      %parallel_loop3A_436 = arith.constant 3 : i32
      %parallel_loop3A_437 = arith.shrsi %parallel_loop3A_435, %parallel_loop3A_436 : i32
      %parallel_loop3A_438 = arith.constant 7 : i32
      %parallel_loop3A_439 = arith.andi %parallel_loop3A_435, %parallel_loop3A_438 : i32
      %parallel_loop3A_440 = arith.constant 16 : i32
      %parallel_loop3A_441 = arith.muli %parallel_loop3A_439, %parallel_loop3A_440 : i32
      %parallel_loop3A_442 = arith.index_cast %parallel_loop3A_437 : i32 to index
      %parallel_loop3A_443 = arith.index_cast %parallel_loop3A_441 : i32 to index
      %parallel_loop3A_444 = tpu.vector_load %arg10[%parallel_loop3A_442, %parallel_loop3A_443] {strides = array<i32>} : memref<56x128xi32, #tpu.memory_space<vmem>>, vector<16xi32>,
      %parallel_loop3A_445 = arith.constant 4 : i32
      %parallel_loop3A_446 = vector.broadcast %parallel_loop3A_445 : i32 to vector<16xi32>
      %parallel_loop3A_447 = arith.muli %parallel_loop3A_444, %parallel_loop3A_446 : vector<16xi32>
      %parallel_loop3A_448 = arith.constant 0 : i32
      %parallel_loop3A_449 = vector.broadcast %parallel_loop3A_448 : i32 to vector<16xi32>
      %parallel_loop3A_450 = arith.addi %parallel_loop3A_447, %parallel_loop3A_449 : vector<16xi32>
      %parallel_loop3A_451 = tpu.vector_load_idx %arg14[%parallel_loop3A_450] : memref<32xf32, #tpu.memory_space<vmem>>[vector<16xi32>], vector<16xf32>,
      %parallel_loop3A_452 = arith.constant 1 : i32
      %parallel_loop3A_453 = vector.broadcast %parallel_loop3A_452 : i32 to vector<16xi32>
      %parallel_loop3A_454 = arith.addi %parallel_loop3A_447, %parallel_loop3A_453 : vector<16xi32>
      %parallel_loop3A_455 = tpu.vector_load_idx %arg14[%parallel_loop3A_454] : memref<32xf32, #tpu.memory_space<vmem>>[vector<16xi32>], vector<16xf32>,
      %parallel_loop3A_456 = arith.constant 2 : i32
      %parallel_loop3A_457 = vector.broadcast %parallel_loop3A_456 : i32 to vector<16xi32>
      %parallel_loop3A_458 = arith.addi %parallel_loop3A_447, %parallel_loop3A_457 : vector<16xi32>
      %parallel_loop3A_459 = tpu.vector_load_idx %arg14[%parallel_loop3A_458] : memref<32xf32, #tpu.memory_space<vmem>>[vector<16xi32>], vector<16xf32>,
      %parallel_loop3A_460 = arith.constant 3 : i32
      %parallel_loop3A_461 = vector.broadcast %parallel_loop3A_460 : i32 to vector<16xi32>
      %parallel_loop3A_462 = arith.addi %parallel_loop3A_447, %parallel_loop3A_461 : vector<16xi32>
      %parallel_loop3A_463 = tpu.vector_load_idx %arg14[%parallel_loop3A_462] : memref<32xf32, #tpu.memory_space<vmem>>[vector<16xi32>], vector<16xf32>,
      %parallel_loop3A_464 = arith.constant 0 : i32
      %parallel_loop3A_465 = arith.index_cast %parallel_loop3A_464 : i32 to index
      %parallel_loop3A_466 = arith.index_cast %parallel_loop3A_437 : i32 to index
      %parallel_loop3A_467 = arith.index_cast %parallel_loop3A_441 : i32 to index
      %parallel_loop3A_468 = tpu.vector_load %arg12[%parallel_loop3A_465, %parallel_loop3A_466, %parallel_loop3A_467] {strides = array<i32>} : memref<4x56x128xf32, #tpu.memory_space<vmem>>, vector<16xf32>,
      tpu.vector_store %arg12[%parallel_loop3A_465, %parallel_loop3A_466, %parallel_loop3A_467], %parallel_loop3A_451 {strides = array<i32>} : memref<4x56x128xf32, #tpu.memory_space<vmem>>, vector<16xf32>,
      %parallel_loop3A_469 = arith.constant 1 : i32
      %parallel_loop3A_470 = arith.index_cast %parallel_loop3A_469 : i32 to index
      %parallel_loop3A_471 = arith.index_cast %parallel_loop3A_437 : i32 to index
      %parallel_loop3A_472 = arith.index_cast %parallel_loop3A_441 : i32 to index
      %parallel_loop3A_473 = tpu.vector_load %arg12[%parallel_loop3A_470, %parallel_loop3A_471, %parallel_loop3A_472] {strides = array<i32>} : memref<4x56x128xf32, #tpu.memory_space<vmem>>, vector<16xf32>,
      tpu.vector_store %arg12[%parallel_loop3A_470, %parallel_loop3A_471, %parallel_loop3A_472], %parallel_loop3A_455 {strides = array<i32>} : memref<4x56x128xf32, #tpu.memory_space<vmem>>, vector<16xf32>,
      %parallel_loop3A_474 = arith.constant 2 : i32
      %parallel_loop3A_475 = arith.index_cast %parallel_loop3A_474 : i32 to index
      %parallel_loop3A_476 = arith.index_cast %parallel_loop3A_437 : i32 to index
      %parallel_loop3A_477 = arith.index_cast %parallel_loop3A_441 : i32 to index
      %parallel_loop3A_478 = tpu.vector_load %arg12[%parallel_loop3A_475, %parallel_loop3A_476, %parallel_loop3A_477] {strides = array<i32>} : memref<4x56x128xf32, #tpu.memory_space<vmem>>, vector<16xf32>,
      tpu.vector_store %arg12[%parallel_loop3A_475, %parallel_loop3A_476, %parallel_loop3A_477], %parallel_loop3A_459 {strides = array<i32>} : memref<4x56x128xf32, #tpu.memory_space<vmem>>, vector<16xf32>,
      %parallel_loop3A_479 = arith.constant 3 : i32
      %parallel_loop3A_480 = arith.index_cast %parallel_loop3A_479 : i32 to index
      %parallel_loop3A_481 = arith.index_cast %parallel_loop3A_437 : i32 to index
      %parallel_loop3A_482 = arith.index_cast %parallel_loop3A_441 : i32 to index
      %parallel_loop3A_483 = tpu.vector_load %arg12[%parallel_loop3A_480, %parallel_loop3A_481, %parallel_loop3A_482] {strides = array<i32>} : memref<4x56x128xf32, #tpu.memory_space<vmem>>, vector<16xf32>,
      tpu.vector_store %arg12[%parallel_loop3A_480, %parallel_loop3A_481, %parallel_loop3A_482], %parallel_loop3A_463 {strides = array<i32>} : memref<4x56x128xf32, #tpu.memory_space<vmem>>, vector<16xf32>,
    } {sc.loop_unroll_factor = 2 : i64, sc.parallel_access}
    %dma_start3A_393 = arith.constant 0 : i32
    %dma_start3A_394 = arith.constant 0 : i32
    %dma_start3A_395 = arith.constant 0 : i32
    %dma_start3A_396 = tpu.memref_slice %arg12[%dma_start3A_393, %dma_start3A_394, %dma_start3A_395] : memref<4x56x128xf32, #tpu.memory_space<vmem>> -> memref<4x50x128xf32, #tpu.memory_space<vmem>>
    %dma_start3A_397 = arith.constant 8 : i32
    %dma_start3A_398 = arith.constant 0 : i32
    %dma_start3A_399 = tpu.memref_slice %arg6[%dma_start3A_397, %dma_start3A_398, %multiple_of3A_324] : memref<12x50x16384xf32, #tpu.memory_space<hbm>> -> memref<4x50x128xf32, #tpu.memory_space<hbm>>
    %dma_start3A_400 = arith.constant 8 : i32
    %dma_start3A_401 = arith.constant 0 : i32
    %dma_start3A_402 = tpu.memref_slice %arg6[%dma_start3A_400, %dma_start3A_401, %multiple_of3A_324] : memref<12x50x16384xf32, #tpu.memory_space<hbm>> -> memref<4x50x128xf32, #tpu.memory_space<hbm>>
    %dma_start3A_403 = arith.constant 0 : i32
    %dma_start3A_404 = arith.constant 0 : i32
    %dma_start3A_405 = arith.constant 0 : i32
    %dma_start3A_406 = tpu.memref_slice %arg12[%dma_start3A_403, %dma_start3A_404, %dma_start3A_405] : memref<4x56x128xf32, #tpu.memory_space<vmem>> -> memref<4x50x128xf32, #tpu.memory_space<vmem>>
    tpu.enqueue_dma source(%dma_start3A_406 : memref<4x50x128xf32, #tpu.memory_space<vmem>>) target(%dma_start3A_402 : memref<4x50x128xf32, #tpu.memory_space<hbm>>) target_semaphore(%arg20 : memref<!tpu.dma_semaphore, #tpu.memory_space<semaphore_mem>>)
    %dma_wait3A_407 = arith.constant 0 : i32
    %dma_wait3A_408 = arith.constant 0 : i32
    %dma_wait3A_409 = arith.constant 0 : i32
    %dma_wait3A_410 = tpu.memref_slice %arg11[%dma_wait3A_407, %dma_wait3A_408, %dma_wait3A_409] : memref<8x56x128xf32, #tpu.memory_space<vmem>> -> memref<8x50x128xf32, #tpu.memory_space<vmem>>
    %dma_wait3A_411 = arith.constant 0 : i32
    %dma_wait3A_412 = arith.constant 0 : i32
    %dma_wait3A_413 = tpu.memref_slice %arg6[%dma_wait3A_411, %dma_wait3A_412, %multiple_of3A_324] : memref<12x50x16384xf32, #tpu.memory_space<hbm>> -> memref<8x50x128xf32, #tpu.memory_space<hbm>>
    %dma_wait3A_414 = arith.constant 0 : i32
    %dma_wait3A_415 = arith.constant 0 : i32
    %dma_wait3A_416 = tpu.memref_slice %arg6[%dma_wait3A_414, %dma_wait3A_415, %multiple_of3A_324] : memref<12x50x16384xf32, #tpu.memory_space<hbm>> -> memref<8x50x128xf32, #tpu.memory_space<hbm>>
    %dma_wait3A_417 = arith.constant 0 : i32
    %dma_wait3A_418 = arith.constant 0 : i32
    %dma_wait3A_419 = arith.constant 0 : i32
    %dma_wait3A_420 = tpu.memref_slice %arg11[%dma_wait3A_417, %dma_wait3A_418, %dma_wait3A_419] : memref<8x56x128xf32, #tpu.memory_space<vmem>> -> memref<8x50x128xf32, #tpu.memory_space<vmem>>
    tpu.wait_dma2 semaphore(%arg19 : memref<!tpu.dma_semaphore, #tpu.memory_space<semaphore_mem>>) src(%dma_wait3A_420 : memref<8x50x128xf32, #tpu.memory_space<vmem>>) dst(%dma_wait3A_416 : memref<8x50x128xf32, #tpu.memory_space<hbm>>)
    %dma_wait3A_421 = arith.constant 0 : i32
    %dma_wait3A_422 = arith.constant 0 : i32
    %dma_wait3A_423 = arith.constant 0 : i32
    %dma_wait3A_424 = tpu.memref_slice %arg12[%dma_wait3A_421, %dma_wait3A_422, %dma_wait3A_423] : memref<4x56x128xf32, #tpu.memory_space<vmem>> -> memref<4x50x128xf32, #tpu.memory_space<vmem>>
    %dma_wait3A_425 = arith.constant 8 : i32
    %dma_wait3A_426 = arith.constant 0 : i32
    %dma_wait3A_427 = tpu.memref_slice %arg6[%dma_wait3A_425, %dma_wait3A_426, %multiple_of3A_324] : memref<12x50x16384xf32, #tpu.memory_space<hbm>> -> memref<4x50x128xf32, #tpu.memory_space<hbm>>
    %dma_wait3A_428 = arith.constant 8 : i32
    %dma_wait3A_429 = arith.constant 0 : i32
    %dma_wait3A_430 = tpu.memref_slice %arg6[%dma_wait3A_428, %dma_wait3A_429, %multiple_of3A_324] : memref<12x50x16384xf32, #tpu.memory_space<hbm>> -> memref<4x50x128xf32, #tpu.memory_space<hbm>>
    %dma_wait3A_431 = arith.constant 0 : i32
    %dma_wait3A_432 = arith.constant 0 : i32
    %dma_wait3A_433 = arith.constant 0 : i32
    %dma_wait3A_434 = tpu.memref_slice %arg12[%dma_wait3A_431, %dma_wait3A_432, %dma_wait3A_433] : memref<4x56x128xf32, #tpu.memory_space<vmem>> -> memref<4x50x128xf32, #tpu.memory_space<vmem>>
    tpu.wait_dma2 semaphore(%arg20 : memref<!tpu.dma_semaphore, #tpu.memory_space<semaphore_mem>>) src(%dma_wait3A_434 : memref<4x50x128xf32, #tpu.memory_space<vmem>>) dst(%dma_wait3A_430 : memref<4x50x128xf32, #tpu.memory_space<hbm>>)
    return
  }
}

</mosaic_0001>

<sc_bundles>
// kernel: kernel.3.cloned.1.call-start
scs
__scs_entry_jumppad:
0x0: {  	(pc) =	sbr.rel $0x88, $3  }
0x1: {  	(tag) =	ssettag $0x0;
	lr =	simm.s32 $0x1  }
0x2: {  	[smem:$0x3F9D] =	sst lr;
	_ =	strace $0xD0000000  }
0x3: {  	_ = 	snop  }
0x4: {  	_ = 	snop  }
0x5: {  	_ = 	snop  }
0x6: {  	_ = 	snop  }
0x7: {  	_ = 	snop  }
__scs_overlays_trampoline_lowered:
0x8: {  	[smem:$0x3FAC] =	sst s0  }
0x9: {  	[smem:$0x3FAD] =	sst s1  }
0xa: {  	[smem:$0x3FAE] =	sst s2  }
0xb: {  	[smem:$0x3FAF] =	sst s3  }
0xc: {  	[smem:$0x3FB0] =	sst s4  }
0xd: {  	[smem:$0x3FB1] =	sst s5  }
0xe: {  	[smem:$0x3FB2] =	sst s6  }
0xf: {  	[smem:$0x3FB3] =	sst s7  }
0x10: {  	[smem:$0x3FB4] =	sst s8  }
0x11: {  	[smem:$0x3FB5] =	sst s9;
	s0 =	simm.s32 @!p0 $0x0  }
0x12: {  	s1 =	sld [smem:$0x3F9B];
	s0 =	simm.s32 @p0 $0x1  }
0x13: {  	[smem:$0x3FB6] =	sst s0;
	s0 =	simm.s32 @!p1 $0x0  }
0x14: {  	s2 =	sld [smem:$0x3F9A];
	s0 =	simm.s32 @p1 $0x1  }
0x15: {  	[smem:$0x3FB7] =	sst s0;
	s0 =	simm.s32 @!p2 $0x0  }
0x16: {  	s3 =	sld [smem:$0x3FDB];
	s0 =	simm.s32 @p2 $0x1  }
0x17: {  	s4 =	simm.s32 $0x1BF5;
	[smem:$0x3FB9] =	sst s0  }
0x18: {  	s0 =	sld [smem:$0x3F9C];
	_ =	swait.ge [sflag:s4], $0x0  }
0x19: {  	s7 =	sld [smem:$0x3F9D]  }
0x1a: {  	s8 =	sadd.s32 $0xFFFFE003, lr  }
0x1b: {  	s9 =	sadd.s32 $0xFFFFFEF7, lr;
	s5 =	simm.s32 $0xFFFFFFFF;
	p2 =	slt.u32 s8, $0xFFFFF086  }
0x1c: {  	p1 =	slt.u32 s9, $0xF7A;
	s5 =	simm.s32 @!p2 $0x0  }
0x1d: {  	s5 =	simm.s32 @p1 $0x1;
	p0 =	seq.s32 s7, s2  }
0x1e: {  	s7 =	smul.u32 @!p0 $0xF7A, s2;
	p2 =	seq.s32 @!p0 s5, $0x0  }
0x1f: {  	s9 =	smul.u32 $0xF7A, s1;
	s8 =	simm.s32 @!p0 $0x1BF5;
	p2 =	por !p2, p0  }
0x20: {  	[sflag:s8] =	ssyncset.s32 @!p0 $0xFFFFF086;
	s6 =	sadd.s32 @!p0 s3, s7;
	s7 =	simm.s32 @!p0 $0x108  }
0x21: {  	s3 =	sadd.s32 s3, s9;
	s6 =	sadd.s32 @!p0 $0x88, s6;
	s7 =	simm.s32 @p2 $0x1082  }
0x22: {  	[simem:s7], [sflag:s8] =	dma.local @!p0 [hbm:s6], $0xF7A  }
0x23: {  	s9 =	sor.u32 $0xD0000000, s2;
	s6 =	simm.s32 $0x108;
	_ =	swait.ge @!p0 [sflag:s8], $0x0  }
0x24: {  	s3 =	sadd.s32 $0x88, s3;
	s6 =	simm.s32 @!p1 $0x1082;
	[sflag:s4] =	ssyncset.s32 $0xFFFFF086  }
0x25: {  	[simem:s6], [sflag:s4] =	dma.local [hbm:s3], $0xF7A  }
0x26: {  	[smem:$0x3F9D] =	sst s1;
	(tag) =	ssettag s2;
	_ =	strace s9  }
0x27: {  	s1 =	sld [smem:$0x3FAD]  }
0x28: {  	s2 =	sld [smem:$0x3FAE]  }
0x29: {  	s4 =	sld [smem:$0x3FB0]  }
0x2a: {  	p0 =	seq.s32 s5, $0x0;
	s5 =	sld [smem:$0x3FB1]  }
0x2b: {  	s6 =	sld [smem:$0x3FB2]  }
0x2c: {  	s7 =	sld [smem:$0x3FB3]  }
0x2d: {  	s3 =	simm.s32 $0x108;
	s8 =	sld [smem:$0x3FB4]  }
0x2e: {  	s3 =	simm.s32 @!p0 $0x1082;
	s9 =	sld [smem:$0x3FB5]  }
0x2f: {  	lr =	sadd.s32 s0, s3;
	s0 =	sld [smem:$0x3FAC]  }
0x30: {  	s3 =	sld [smem:$0x3FAF]  }
0x31: {  	[smem:$0x3FB8] =	sst s10  }
0x32: {  	s10 =	sld [smem:$0x3FB6];
	_ =	sdelay $0x3  }
0x33: {  	p0 =	seq.s32 s10, $0x1;
	s10 =	sld [smem:$0x3FB8];
	_ =	sdelay $0x3  }
0x34: {  	[smem:$0x3FB8] =	sst s10  }
0x35: {  	s10 =	sld [smem:$0x3FB7];
	_ =	sdelay $0x3  }
0x36: {  	p1 =	seq.s32 s10, $0x1;
	s10 =	sld [smem:$0x3FB8];
	_ =	sdelay $0x3  }
0x37: {  	[smem:$0x3FB8] =	sst s10  }
0x38: {  	s10 =	sld [smem:$0x3FB9]  }
0x39: {  	_ = 	snop;
	(pc) =	sbr.ind lr, $3  }
0x3a: {  	_ = 	snop  }
0x3b: {  	_ = 	snop  }
0x3c: {  	p2 =	seq.s32 s10, $0x1;
	s10 =	sld [smem:$0x3FB8]  }
0x3d: {  	_ =	shalt  }
0x3e: {  	_ =	shalt  }
0x3f: {  	_ =	shalt  }
0x40: {  	_ =	shalt  }
0x41: {  	_ =	shalt  }
0x42: {  	_ =	shalt  }
0x43: {  	_ =	shalt  }
0x44: {  	_ =	shalt  }
0x45: {  	_ =	shalt  }
0x46: {  	_ =	shalt  }
0x47: {  	_ =	shalt  }
0x48: {  	_ =	shalt  }
0x49: {  	_ =	shalt  }
0x4a: {  	_ =	shalt  }
0x4b: {  	_ =	shalt  }
0x4c: {  	_ =	shalt  }
0x4d: {  	_ =	shalt  }
0x4e: {  	_ =	shalt  }
0x4f: {  	_ =	shalt  }
0x50: {  	_ =	shalt  }
0x51: {  	_ =	shalt  }
0x52: {  	_ =	shalt  }
0x53: {  	_ =	shalt  }
0x54: {  	_ =	shalt  }
0x55: {  	_ =	shalt  }
0x56: {  	_ =	shalt  }
0x57: {  	_ =	shalt  }
0x58: {  	_ =	shalt  }
0x59: {  	_ =	shalt  }
0x5a: {  	_ =	shalt  }
0x5b: {  	_ =	shalt  }
0x5c: {  	_ =	shalt  }
0x5d: {  	_ =	shalt  }
0x5e: {  	_ =	shalt  }
0x5f: {  	_ =	shalt  }
0x60: {  	_ =	shalt  }
0x61: {  	_ =	shalt  }
0x62: {  	_ =	shalt  }
0x63: {  	_ =	shalt  }
0x64: {  	_ =	shalt  }
0x65: {  	_ =	shalt  }
0x66: {  	_ =	shalt  }
0x67: {  	_ =	shalt  }
0x68: {  	_ =	shalt  }
0x69: {  	_ =	shalt  }
0x6a: {  	_ =	shalt  }
0x6b: {  	_ =	shalt  }
0x6c: {  	_ =	shalt  }
0x6d: {  	_ =	shalt  }
0x6e: {  	_ =	shalt  }
0x6f: {  	_ =	shalt  }
0x70: {  	_ =	shalt  }
0x71: {  	_ =	shalt  }
0x72: {  	_ =	shalt  }
0x73: {  	_ =	shalt  }
0x74: {  	_ =	shalt  }
0x75: {  	_ =	shalt  }
0x76: {  	_ =	shalt  }
0x77: {  	_ =	shalt  }
0x78: {  	_ =	shalt  }
0x79: {  	_ =	shalt  }
0x7a: {  	_ =	shalt  }
0x7b: {  	_ =	shalt  }
0x7c: {  	_ =	shalt  }
0x7d: {  	_ =	shalt  }
0x7e: {  	_ =	shalt  }
0x7f: {  	_ =	shalt  }
0x80: {  	_ =	shalt  }
0x81: {  	_ =	shalt  }
0x82: {  	_ =	shalt  }
0x83: {  	_ =	shalt  }
0x84: {  	_ =	shalt  }
0x85: {  	_ =	shalt  }
0x86: {  	_ =	shalt  }
0x87: {  	_ =	shalt  }
.Lfunc_end0:
.L_simem_size_0:
called_computation_lowered:
.L_overlay_start_0:
0x88: {  	s2 =	sld [smem:$0x3FD9]  }
0x89: {  	s3 =	sld [smem:$0x3FFE];
	_ =	sdelay $0x1  }
0x8a: {  	s1 =	srdreg.scid  }
0x8b: {  	s0 =	sand.u32 $0x1, s1  }
0x8c: {  	s17 =	sshll.u32 s0, $0xA;
	s2 =	sadd.s32 s3, s2  }
0x8d: {  	s2 =	sadd.s32 s2, s17  }
0x8e: {  	[smem:$0x3FC4] =	sst s2  }
0x8f: {  	_ = 	snop  }
0x90: {  	s2 =	sld [smem:$0x3FC9]  }
0x91: {  	s18 =	sld [smem:$0x3FC8]  }
0x92: {  	s4 =	sld [smem:$0x3FD0];
	(tm) =	ssettm $0x1  }
0x93: {  	s5 =	sld [smem:$0x3FFB];
	_ =	sdelay $0x3  }
0x94: {  	_ =	strace s5  }
0x95: {  	s5 =	sld [smem:$0x3FFC];
	_ =	sdelay $0x3  }
0x96: {  	_ =	strace s5  }
0x97: {  	s5 =	sld [smem:$0x3FFD];
	_ =	sdelay $0x3  }
0x98: {  	_ =	strace s5  }
0x99: {  	_ =	strace $0x8FFFFFFF  }
0x9a: {  	s19 =	sld [smem:$0x3FDB];
	_ =	sdelay $0x1  }
0x9b: {  	s6 =	simm.s32 $_scs_section_size  }
0x9c: {  	s7 =	simm.s32 $_size__tile_overlayer_lowered;
	s8 =	simm.s32 $_tile_overlayer_lowered  }
0x9d: {  	s22 =	simm.s32 $0x1BFF;
	s21 =	sshll.u32 s8, $0x1;
	s5 =	sadd.s32 s6, s19  }
0x9e: {  	s9 =	simm.s32 $0x0;
	s20 =	sshll.u32 s7, $0x1;
	s7 =	sadd.s32 s21, s5  }
0x9f: {  	[timem:s9], [sflag:s22] =	dma.local [hbm:s7], s20  }
0xa0: {  	_ =	swait.ge [sflag:s22], s20  }
0xa1: {  	s6 =	ssub.s32 $0x0, s20;
	[sflag:s22] =	ssyncset.done $0x0  }
0xa2: {  	[sflag:s22] =	ssyncadd.s32 s6;
	_ =	sdelay $0x1  }
0xa3: {  	s23 =	simm.s32 $0x1B8B  }
0xa4: {  	_ =	swait.ge [sflag:s23], $0x1  }
0xa5: {  	[sflag:s23] =	ssyncset.done $0x0  }
0xa6: {  	s25 =	simm.s32 $0x1B8E;
	s24 =	sld [smem:$0x3FFE];
	[sflag:s23] =	ssyncadd.s32 $0xFFFFFFFF  }
0xa7: {  	s26 =	simm.s32 $execute0_lowered;
	[smem:$0x3FD2] =	sst s25  }
0xa8: {  	s7 =	sshll.u32 s26, $0x1;
	_ =	strace $0x80000046;
	[dreg:$0x1] =	wrdreg $0xFFFFFFFF  }
0xa9: {  	s28 =	simm.s32 $_size_execute0_lowered;
	s5 =	sadd.s32 s5, s7;
	[dreg:$0x0] =	wrdreg $0x0  }
0xaa: {  	s7 =	sshll.u32 s28, $0x1;
	[dreg:$0x2] =	wrdreg s5  }
0xab: {  	[dreg:$0x3] =	wrdreg s7  }
0xac: {  	[dreg:$0x4] =	wrdreg $0xC0  }
0xad: {  	_ =	task [dreg:s9], $0x5FFFF  }
0xae: {  	[dreg:$0x1] =	wrdreg $0xFFFFFFFF  }
0xaf: {  	[dreg:$0x0] =	wrdreg $0x60  }
0xb0: {  	[dreg:$0x2] =	wrdreg s2  }
0xb1: {  	[dreg:$0x3] =	wrdreg s18  }
0xb2: {  	[dreg:$0x4] =	wrdreg s24  }
0xb3: {  	[dreg:$0x5] =	wrdreg s4  }
0xb4: {  	[dreg:$0x6] =	wrdreg $0x9  }
0xb5: {  	_ =	task.clear_ibuf [dreg:s9], $0x7FFFF;
	_ =	strace $0x90000046  }
0xb6: {  	s29 =	simm.s32 $0x9;
	_ =	strace $0x80000048  }
0xb7: {  	_ =	swait.ge [sflag:s29], $0x1  }
0xb8: {  	[sflag:s29] =	ssyncadd.s32 $0xFFFFFFFF  }
0xb9: {  	_ =	strace $0x90000048  }
0xba: {  	_ =	sfence  }
0xbb: {  	s30 =	sld [smem:$0x0];
	_ =	sdelay $0x2  }
0xbc: {  	s31 =	sshll.u32 s1, $0xD;
	s1 =	sshrl.u32 s1, $0x2  }
0xbd: {  	s3 =	sand.u32 $0x4000, s31;
	s1 =	sadd.s32 s1, s30  }
0xbe: {  	s0 =	sor.u32 s3, s0;
	s1 =	sshll.u32 s1, $0x11  }
0xbf: {  	s0 =	sor.u32 s1, s0  }
0xc0: {  	s0 =	sadd.s32 $0x8F2B, s0  }
0xc1: {  	[sflag:s0] =	ssyncadd.remote.s32 $0x1  }
0xc2: {  	_ =	sfence.sel $0xFFFF  }
0xc3: {  	[dreg:$0x0] =	wrdreg $0xFFFFFFFF;
	(pc) =	sbr.abs _section_cstart, $3  }
0xc4: {  	[dreg:$0x1] =	wrdreg $0xFFFFFFFF  }
0xc5: {  	_ =	task.clear_ibuf [dreg:s9], $0x2FFFF;
	_ =	strace $0x9FFFFFFF  }
0xc6: {  	(tm) =	ssettm $0x7FFFFFFF  }
0xc7: {  	_ =	shalt  }
tec
execute0_lowered:
.L_overlay_start_1:
0x0: {  	(tag) =	ssettag $0x1  }
0x1: {  	s0 =	rddreg [dreg:$0x0]  }
0x2: {  	s1 =	rddreg [dreg:$0x1]  }
0x3: {  	s2 =	rddreg [dreg:$0x2]  }
0x4: {  	s3 =	rddreg [dreg:$0x3];
	s8 =	simm.s32 $0x0;
	s4 =	srdreg.scid  }
0x5: {  	s7 =	stileid.u32;
	[smem:$0x7FF] =	sst s8  }
0x6: {  	s4 =	sand.u32 $0x1, s4;
	s5 =	sadd.s32 $0x400, s2;
	s7 =	sshll.u32 s7, $0xA  }
0x7: {  	s2 =	sadd.s32 $0x600, s2;
	s14 =	ssub.s32 $0x2, s4;
	s4 =	sshll.u32 s4, $0x9  }
0x8: {  	_ =	strace $0x80000047;
	[dreg:$0x14] =	wrdreg s5;
	s4 =	sor.u32 s4, s7  }
0x9: {  	[dreg:$0x15] =	wrdreg s2;
	s16 =	sadd.s32 s0, s4  }
0xa: {  	s17 =	sadd.s32 s1, s4;
	[dreg:$0x16] =	wrdreg s16  }
0xb: {  	s18 =	sor.u32 $0x80, s4;
	s7 =	sadd.s32 s3, s4;
	[dreg:$0x17] =	wrdreg s17  }
0xc: {  	s19 =	sadd.s32 s0, s18;
	[dreg:$0x19] =	wrdreg s7  }
0xd: {  	s9 =	sadd.s32 s1, s18;
	[dreg:$0x18] =	wrdreg s19  }
0xe: {  	s20 =	sor.u32 $0x100, s4;
	s21 =	sadd.s32 $0xE0000, s7;
	[dreg:$0x1a] =	wrdreg s9  }
0xf: {  	s22 =	sadd.s32 s0, s20;
	[dreg:$0x1b] =	wrdreg s21  }
0x10: {  	s5 =	sadd.s32 s3, s18;
	[dreg:$0x1c] =	wrdreg s22  }
0x11: {  	s23 =	sadd.s32 s1, s20;
	[dreg:$0x1d] =	wrdreg s5  }
0x12: {  	s4 =	sor.u32 $0x180, s4;
	s24 =	sadd.s32 $0xE0080, s7;
	[dreg:$0x1e] =	wrdreg s23  }
0x13: {  	s0 =	sadd.s32 s0, s4;
	[dreg:$0x1f] =	wrdreg s24  }
0x14: {  	s25 =	sadd.s32 s3, s20;
	[smem:$0x7F7] =	sst s0  }
0x15: {  	s2 =	simm.s32 $0x0;
	s26 =	sadd.s32 s1, s4;
	[smem:$0x7F8] =	sst s25  }
0x16: {  	s6 =	sshrl.u32 s14, $0x1;
	s28 =	sadd.s32 $0xE0100, s7;
	[smem:$0x7F9] =	sst s26  }
0x17: {  	s15 =	ssub.s32 s14, s6;
	s29 =	sadd.s32 s3, s4;
	[smem:$0x7FA] =	sst s28  }
0x18: {  	s30 =	sadd.s32 $0xE0180, s7;
	s31 =	smax.u32 s15, $0x1;
	[smem:$0x7FB] =	sst s29  }
0x19: {  	s18 =	simm.s32 $0x1C080;
	s20 =	simm.s32 $0x20000;
	[smem:$0x7FC] =	sst s30  }
0x1a: {  	[smem:$0x7FD] =	sst s31;
	s24 =	simm.s32 $0x1C000;
	s19 =	simm.s32 $0x400  }
.LBB2_1:
0x1b: {  	[smem:$0x7F6] =	sst s2  }
0x1c: {  	s0 =	rddreg [dreg:$0x14];
	s1 =	simm.s32 $0x7  }
0x1d: {  	[tilespmem:s24], [sflag:$0x7] =	stream.linear.gather [hbm4b:s0+s8], $0x80, $0x38;
	[tilespmem:$0x1C100] =	vst v63  }
0x1e: {  	_ =	swait.ge [sflag:s1], $0x80  }
0x1f: {  	[sflag:s1] =	ssyncset.done $0x0  }
0x20: {  	s13 =	rddreg [dreg:$0x15];
	[sflag:s1] =	ssyncadd.s32 $0xFFFFFF80  }
0x21: {  	[tilespmem:s18], [sflag:$0x7] =	stream.linear.gather [hbm4b:s13+s8], $0x80, $0x38;
	[tilespmem:$0x1C100] =	vst v63  }
0x22: {  	_ =	swait.ge [sflag:s1], $0x80  }
0x23: {  	[sflag:s1] =	ssyncset.done $0x0  }
0x24: {  	s14 =	rddreg [dreg:$0x16];
	[sflag:s1] =	ssyncadd.s32 $0xFFFFFF80  }
0x25: {  	[tilespmem:s8], [sflag:$0x1] =	stream.strided.gather [hbm4b:s14+s19], $0x1800, s20, s19, $0x38;
	[tilespmem:$0x1C100] =	vst v63  }
0x26: {  	s15 =	simm.s32 $0x1800;
	s0 =	sadd.s32 $0x18000, s14  }
0x27: {  	[tilespmem:s15], [sflag:$0x1] =	stream.linear.gather [hbm4b:s0+s8], $0x100, $0x38;
	[tilespmem:$0x1C100] =	vst v63  }
0x28: {  	s17 =	simm.s32 $0x3800;
	s16 =	rddreg [dreg:$0x17]  }
0x29: {  	[tilespmem:s17], [sflag:$0x3] =	stream.strided.gather [hbm4b:s16+s19], $0x1800, s20, s19, $0x38;
	[tilespmem:$0x1C100] =	vst v63  }
0x2a: {  	s21 =	simm.s32 $0x1;
	s18 =	simm.s32 $0x5000;
	s0 =	sadd.s32 $0x18000, s16  }
0x2b: {  	[tilespmem:s18], [sflag:$0x3] =	stream.linear.gather [hbm4b:s0+s8], $0x100, $0x38;
	[tilespmem:$0x1C100] =	vst v63  }
0x2c: {  	s23 =	simm.s32 $0x1C00;
	_ =	swait.ge [sflag:s21], $0x1900  }
0x2d: {  	s26 =	sand.u32 $0x60, s8;
	s29 =	sand.u32 $0x1F80, s8;
	[sflag:s21] =	ssyncset.done $0x0  }
0x2e: {  	s30 =	sor.u32 $0x10, s26;
	s22 =	rddreg [dreg:$0x18];
	[sflag:s21] =	ssyncadd.s32 $0xFFFFE700  }
0x2f: {  	[tilespmem:s23], [sflag:$0x2] =	stream.strided.gather [hbm4b:s22+s19], $0x1800, s20, s19, $0x38;
	[tilespmem:$0x1C100] =	vst v63  }
0x30: {  	s25 =	simm.s32 $0x3400;
	s3 =	sor.u32 s29, s30;
	s0 =	sadd.s32 $0x18000, s22  }
0x31: {  	[tilespmem:s25], [sflag:$0x2] =	stream.linear.gather [hbm4b:s0+s8], $0x100, $0x38;
	[tilespmem:$0x1C100] =	vst v63  }
0x32: {  	v0 =	vld [tilespmem:s3+$0x0];
	_ =	sdelay $0x4  }
0x33: {  	s17 =	simm.s32 $0x20;
	v0 =	vshll.u32 v0, $0x3  }
0x34: {  	s22 =	sand.u32 $0x60, s17;
	v4 =	vld [tilespmem:s8+$0x0];
	v1 =	vor.u32 $0x1, v0  }
0x35: {  	s4 =	sand.u32 $0x1F80, s17;
	s21 =	sor.u32 $0x10, s22;
	v2 =	vor.u32 $0x2, v0  }
0x36: {  	s25 =	sor.u32 s4, s21;
	v3 =	vor.u32 $0x3, v0  }
0x37: {  	v14 =	vld [tilespmem:s25+$0x0];
	v5 =	vor.u32 $0x4, v0  }
0x38: {  	v7 =	vor.u32 $0x5, v0;
	v6 =	vld.idx.msk [tilespmem:v0+s24+$0x0], $0xffff  }
0x39: {  	v4 =	vshll.u32 v4, $0x3;
	v8 =	vor.u32 $0x6, v0;
	v1 =	vld.idx.msk [tilespmem:v1+s24+$0x0], $0xffff  }
0x3a: {  	v10 =	vor.u32 $0x5, v4;
	v2 =	vld.idx.msk [tilespmem:v2+s24+$0x0], $0xffff  }
0x3b: {  	v0 =	vor.u32 $0x7, v0;
	v3 =	vld.idx.msk [tilespmem:v3+s24+$0x0], $0xffff  }
0x3c: {  	v5 =	vld.idx.msk [tilespmem:v5+s24+$0x0], $0xffff  }
0x3d: {  	v9 =	vor.u32 $0x7, v4;
	v7 =	vld.idx.msk [tilespmem:v7+s24+$0x0], $0xffff  }
0x3e: {  	v16 =	vor.u32 $0x4, v4;
	v8 =	vld.idx.msk [tilespmem:v8+s24+$0x0], $0xffff  }
0x3f: {  	s5 =	sadd.s32 $0x8C00, s29;
	v11 =	vor.u32 $0x1, v4;
	v17 =	vld.idx.msk [tilespmem:v10+s24+$0x0], $0xffff  }
0x40: {  	s31 =	simm.s32 $0x2;
	s6 =	sadd.s32 $0xA800, s29;
	s11 =	sor.u32 s30, s5;
	v13 =	vor.u32 $0x2, v4;
	v12 =	vld.idx.msk [tilespmem:v0+s24+$0x0], $0xffff;
	[tilespmem:s3+$0x7000] =	vst v6  }
0x41: {  	s7 =	sadd.s32 $0xC400, s29;
	s10 =	sor.u32 $0xE000, s29;
	s9 =	sor.u32 s30, s6;
	v15 =	vor.u32 $0x3, v4;
	v6 =	vld.idx.msk [tilespmem:v4+s24+$0x0], $0xffff;
	[tilespmem:s11+$0x0] =	vst v1  }
0x42: {  	s12 =	sor.u32 s30, s7;
	s6 =	sor.u32 s26, s6;
	s7 =	sor.u32 s26, s7;
	v0 =	vld.idx.msk [tilespmem:v9+s24+$0x0], $0xffff;
	v1 =	vor.u32 $0x6, v4;
	[tilespmem:s9+$0x0] =	vst v2  }
0x43: {  	s13 =	sadd.s32 $0x11800, s29;
	s15 =	sor.u32 s30, s10;
	v9 =	vld.idx.msk [tilespmem:v16+s24+$0x0], $0xffff;
	s11 =	sadd.s32 $0xFC00, s29;
	[tilespmem:s12+$0x0] =	vst v3  }
0x44: {  	s1 =	sadd.s32 $0x13400, s29;
	s10 =	sor.u32 s26, s10;
	s14 =	sor.u32 s30, s11;
	v2 =	vld.idx.msk [tilespmem:v11+s24+$0x0], $0xffff;
	v11 =	vshll.u32 v14, $0x3;
	[tilespmem:s15+$0x0] =	vst v5  }
0x45: {  	s16 =	sor.u32 s30, s13;
	s18 =	sor.u32 s26, s13;
	s0 =	sor.u32 s26, s5;
	v3 =	vld.idx.msk [tilespmem:v13+s24+$0x0], $0xffff;
	v4 =	vor.u32 $0x1, v11;
	[tilespmem:s14+$0x0] =	vst v7  }
0x46: {  	s20 =	sor.u32 s26, s11;
	v62 =	vor.u32 $0x3, v11;
	v7 =	vld.idx.msk [tilespmem:v15+s24+$0x0], $0xffff;
	s14 =	sor.u32 s26, s1;
	s26 =	simm.s32 $0x7000;
	[tilespmem:s16+$0x0] =	vst v8  }
0x47: {  	s2 =	sor.u32 s30, s1;
	s23 =	sadd.s32 $0xA800, s4;
	s19 =	sadd.s32 $0xC400, s4;
	v14 =	vor.u32 $0x4, v11;
	v5 =	vld.idx.msk [tilespmem:v1+s24+$0x0], $0xffff;
	[tilespmem:s26+$0x0] =	vst v6  }
0x48: {  	s13 =	sor.u32 s21, s19;
	v63 =	vld [tilespmem:s17+$0x0];
	s8 =	sor.u32 s22, s23;
	s3 =	sor.u32 s22, s19;
	v8 =	vor.u32 $0x2, v11;
	[tilespmem:s2+$0x0] =	vst v12  }
0x49: {  	s29 =	sadd.s32 $0xFC00, s4;
	s9 =	sor.u32 s21, s23;
	s30 =	sadd.s32 $0x13400, s4;
	v1 =	vld.idx.msk [tilespmem:v11+s24+$0x0], $0xffff;
	[tilespmem:s0+$0x0] =	vst v2  }
0x4a: {  	s5 =	sor.u32 s22, s29;
	s12 =	sor.u32 $0xE000, s4;
	s28 =	sor.u32 s21, s30;
	[tilespmem:s6+$0x0] =	vst v3;
	v2 =	vld.idx.msk [tilespmem:v4+s24+$0x0], $0xffff  }
0x4b: {  	s23 =	sor.u32 s22, s30;
	s15 =	sor.u32 s21, s29;
	s16 =	sadd.s32 $0x11800, s4;
	v4 =	vld.idx.msk [tilespmem:v62+s24+$0x0], $0xffff;
	[tilespmem:s7+$0x0] =	vst v7  }
0x4c: {  	v10 =	vor.u32 $0x5, v11;
	s1 =	sor.u32 s21, s12;
	s11 =	sor.u32 s21, s16;
	s16 =	sor.u32 s22, s16;
	v6 =	vld.idx.msk [tilespmem:v14+s24+$0x0], $0xffff;
	[tilespmem:s10+$0x0] =	vst v9  }
0x4d: {  	s6 =	sor.u32 s22, s12;
	v7 =	vshll.u32 v63, $0x3;
	s7 =	simm.s32 $0x7000;
	v3 =	vld.idx.msk [tilespmem:v8+s24+$0x0], $0xffff;
	v9 =	vor.u32 $0x6, v11;
	v8 =	vor.u32 $0x7, v11;
	s10 =	simm.s32 $0x40;
	[tilespmem:s20+$0x0] =	vst v17  }
.LBB2_2:
0x4e: {  	[dreg:$0x12] =	wrdreg s8  }
0x4f: {  	[dreg:$0xd] =	wrdreg s5  }
0x50: {  	[dreg:$0x9] =	wrdreg s16  }
0x51: {  	s20 =	sand.u32 $0x60, s10;
	s31 =	sadd.s32 $0x2, s31;
	v13 =	vor.u32 $0x7, v7;
	v10 =	vld.idx.msk [tilespmem:v10+s24+$0x0], $0xffff;
	s7 =	sadd.s32 $0x20, s7  }
0x52: {  	s12 =	sand.u32 $0x1F80, s10;
	v14 =	vor.u32 $0x5, v7;
	v9 =	vld.idx.msk [tilespmem:v9+s24+$0x0], $0xffff;
	s4 =	sadd.s32 $0x8C00, s4;
	s16 =	sor.u32 $0x10, s20  }
0x53: {  	v11 =	vor.u32 $0x1, v7;
	[tilespmem:s18+$0x0] =	vst v5;
	v8 =	vld.idx.msk [tilespmem:v8+s24+$0x0], $0xffff;
	s5 =	smov.u32 s6;
	s6 =	smov.u32 s3;
	s18 =	sor.u32 s12, s16  }
0x54: {  	v15 =	vor.u32 $0x3, v7;
	s3 =	simm.s32 $0x1C000;
	s17 =	sadd.s32 $0x20, s17;
	s10 =	sadd.s32 $0x20, s10;
	[tilespmem:s14+$0x0] =	vst v0;
	v16 =	vld [tilespmem:s18+$0x0]  }
0x55: {  	v12 =	vor.u32 $0x4, v7;
	p0 =	slt.u32 s31, $0x18E;
	s0 =	sadd.s32 $0xA800, s12;
	s19 =	sadd.s32 $0xC400, s12;
	[tilespmem:s25+$0x7000] =	vst v1;
	v1 =	vld.idx.msk [tilespmem:v7+s24+$0x0], $0xffff  }
0x56: {  	v5 =	vor.u32 $0x2, v7;
	s21 =	sor.u32 s21, s4;
	s30 =	sor.u32 $0xE000, s12;
	s2 =	sadd.s32 $0x11800, s12;
	v0 =	vld.idx.msk [tilespmem:v13+s3+$0x0], $0xffff  }
0x57: {  	s26 =	sor.u32 s22, s4;
	s8 =	sor.u32 s16, s0;
	s29 =	sor.u32 s16, s2;
	v7 =	vor.u32 $0x6, v7;
	v61 =	vld.idx.msk [tilespmem:v14+s3+$0x0], $0xffff  }
0x58: {  	s14 =	sor.u32 s20, s0;
	s2 =	sor.u32 s20, s2;
	s25 =	sor.u32 s16, s19;
	[tilespmem:s21+$0x0] =	vst v2;
	v2 =	vld.idx.msk [tilespmem:v11+s3+$0x0], $0xffff  }
0x59: {  	s24 =	sor.u32 s16, s30;
	s19 =	sor.u32 s20, s19;
	s21 =	sadd.s32 $0xFC00, s12;
	v11 =	vld.idx.msk [tilespmem:v15+s3+$0x0], $0xffff;
	[tilespmem:s9+$0x0] =	vst v3  }
0x5a: {  	s30 =	sor.u32 s20, s30;
	v12 =	vld.idx.msk [tilespmem:v12+s3+$0x0], $0xffff;
	s9 =	sadd.s32 $0x13400, s12;
	s22 =	sor.u32 s16, s21;
	[tilespmem:s13+$0x0] =	vst v4  }
0x5b: {  	s4 =	sor.u32 s20, s21;
	v3 =	vld.idx.msk [tilespmem:v5+s3+$0x0], $0xffff;
	s0 =	sor.u32 s16, s9;
	s21 =	sor.u32 s20, s9;
	[tilespmem:s1+$0x0] =	vst v6;
	v4 =	vshll.u32 v16, $0x3  }
0x5c: {  	s9 =	smov.u32 s8;
	s13 =	smov.u32 s25;
	s8 =	smov.u32 s14;
	[tilespmem:s15+$0x0] =	vst v10;
	v6 =	vor.u32 $0x1, v4;
	v5 =	vld.idx.msk [tilespmem:v7+s3+$0x0], $0xffff  }
0x5d: {  	s14 =	smov.u32 s23;
	s1 =	smov.u32 s24;
	s24 =	simm.s32 $0x1C000;
	v62 =	vor.u32 $0x2, v4;
	v7 =	vld [tilespmem:s17+$0x0];
	[tilespmem:s7+$0x0] =	vst v1  }
0x5e: {  	s23 =	smov.u32 s21;
	v63 =	vor.u32 $0x3, v4;
	s15 =	smov.u32 s22;
	[tilespmem:s11+$0x0] =	vst v9;
	s11 =	smov.u32 s20  }
0x5f: {  	v16 =	vor.u32 $0x4, v4;
	s3 =	smov.u32 s19;
	s20 =	smov.u32 s12;
	[tilespmem:s28+$0x0] =	vst v8;
	s22 =	smov.u32 s11  }
.Ltmp0:
0x60: {  	[tilespmem:s26+$0x0] =	vst v2;
	s11 =	smov.u32 s29;
	s29 =	rddreg [dreg:$0x12];
	v1 =	vld.idx.msk [tilespmem:v4+s24+$0x0], $0xffff;
	(pc) =	sbr.rel @p0 .LBB2_2-.Ltmp0, $4  }
0x61: {  	s12 =	smov.u32 s16;
	s16 =	smov.u32 s18;
	s26 =	rddreg [dreg:$0x9];
	[tilespmem:s29+$0x0] =	vst v3;
	v2 =	vld.idx.msk [tilespmem:v6+s24+$0x0], $0xffff  }
0x62: {  	s25 =	smov.u32 s16;
	s28 =	smov.u32 s0;
	s18 =	smov.u32 s26;
	[tilespmem:s6+$0x0] =	vst v11;
	v3 =	vld.idx.msk [tilespmem:v62+s24+$0x0], $0xffff  }
0x63: {  	v10 =	vor.u32 $0x5, v4;
	v9 =	vor.u32 $0x6, v4;
	s16 =	smov.u32 s2;
	v8 =	vor.u32 $0x7, v4;
	s6 =	smov.u32 s30;
	s30 =	rddreg [dreg:$0xd];
	v4 =	vld.idx.msk [tilespmem:v63+s24+$0x0], $0xffff;
	[tilespmem:s5+$0x0] =	vst v12  }
0x64: {  	s21 =	smov.u32 s12;
	v7 =	vshll.u32 v7, $0x3;
	v6 =	vld.idx.msk [tilespmem:v16+s24+$0x0], $0xffff;
	s5 =	smov.u32 s4;
	s4 =	smov.u32 s20;
	[tilespmem:s30+$0x0] =	vst v61  }
0x65: {  	_ =	sdelay $0x3  }
0x66: {  	v11 =	vor.u32 $0x7, v7;
	v10 =	vld.idx.msk [tilespmem:v10+s24+$0x0], $0xffff  }
0x67: {  	v12 =	vor.u32 $0x5, v7;
	[tilespmem:s18+$0x0] =	vst v5;
	v9 =	vld.idx.msk [tilespmem:v9+s24+$0x0], $0xffff  }
0x68: {  	v5 =	vor.u32 $0x1, v7;
	s0 =	sadd.s32 $0x8C00, s4;
	v8 =	vld.idx.msk [tilespmem:v8+s24+$0x0], $0xffff;
	[tilespmem:s25+$0x7000] =	vst v1  }
0x69: {  	[tilespmem:s14+$0x0] =	vst v0;
	v0 =	vor.u32 $0x2, v7;
	s2 =	sor.u32 s21, s0  }
0x6a: {  	v1 =	vor.u32 $0x3, v7;
	v13 =	vld.idx.msk [tilespmem:v7+s24+$0x0], $0xffff;
	[tilespmem:s2+$0x0] =	vst v2  }
0x6b: {  	v2 =	vor.u32 $0x4, v7;
	[tilespmem:s9+$0x0] =	vst v3;
	v11 =	vld.idx.msk [tilespmem:v11+s24+$0x0], $0xffff  }
0x6c: {  	v3 =	vor.u32 $0x6, v7;
	[tilespmem:s13+$0x0] =	vst v4;
	v7 =	vld.idx.msk [tilespmem:v12+s24+$0x0], $0xffff  }
0x6d: {  	v4 =	vld.idx.msk [tilespmem:v5+s24+$0x0], $0xffff;
	[tilespmem:s1+$0x0] =	vst v6  }
0x6e: {  	v0 =	vld.idx.msk [tilespmem:v0+s24+$0x0], $0xffff;
	[tilespmem:s15+$0x0] =	vst v10  }
0x6f: {  	v1 =	vld.idx.msk [tilespmem:v1+s24+$0x0], $0xffff;
	[tilespmem:s11+$0x0] =	vst v9  }
0x70: {  	s14 =	sadd.s32 $0x20, s7;
	v2 =	vld.idx.msk [tilespmem:v2+s24+$0x0], $0xffff;
	[tilespmem:s28+$0x0] =	vst v8  }
0x71: {  	s0 =	sor.u32 s22, s0;
	v3 =	vld.idx.msk [tilespmem:v3+s24+$0x0], $0xffff;
	[tilespmem:s14+$0x0] =	vst v13  }
0x72: {  	[tilespmem:s0+$0x0] =	vst v4  }
0x73: {  	[tilespmem:s8+$0x0] =	vst v0  }
0x74: {  	[tilespmem:s3+$0x0] =	vst v1  }
0x75: {  	[tilespmem:s6+$0x0] =	vst v2  }
0x76: {  	[tilespmem:s5+$0x0] =	vst v7  }
0x77: {  	[tilespmem:s16+$0x0] =	vst v3  }
0x78: {  	s19 =	simm.s32 $0x400;
	[tilespmem:s23+$0x0] =	vst v11  }
0x79: {  	s20 =	simm.s32 $0x20000;
	s15 =	simm.s32 $0x7000;
	s2 =	rddreg [dreg:$0x19]  }
0x7a: {  	[hbm4b:s2+s19] =	stream.strided.scatter [tilespmem:s15], [sflag:$0x5], $0x1800, s20, s19, $0x38;
	[tilespmem:$0x1C100] =	vst v63  }
0x7b: {  	s17 =	simm.s32 $0x8C00;
	s16 =	sadd.s32 $0x1C000, s2  }
0x7c: {  	[hbm4b:s16+s19] =	stream.strided.scatter [tilespmem:s17], [sflag:$0x5], $0x1800, s20, s19, $0x38;
	[tilespmem:$0x1C100] =	vst v63  }
0x7d: {  	s21 =	simm.s32 $0xA800;
	s18 =	sadd.s32 $0x38000, s2  }
0x7e: {  	[hbm4b:s18+s19] =	stream.strided.scatter [tilespmem:s21], [sflag:$0x5], $0x1800, s20, s19, $0x38;
	[tilespmem:$0x1C100] =	vst v63  }
0x7f: {  	s23 =	simm.s32 $0xC400;
	s22 =	sadd.s32 $0x54000, s2  }
0x80: {  	[hbm4b:s22+s19] =	stream.strided.scatter [tilespmem:s23], [sflag:$0x5], $0x1800, s20, s19, $0x38;
	[tilespmem:$0x1C100] =	vst v63  }
0x81: {  	s26 =	simm.s32 $0xE000;
	s25 =	sadd.s32 $0x70000, s2  }
0x82: {  	[hbm4b:s25+s19] =	stream.strided.scatter [tilespmem:s26], [sflag:$0x5], $0x1800, s20, s19, $0x38;
	[tilespmem:$0x1C100] =	vst v63  }
0x83: {  	s29 =	simm.s32 $0xFC00;
	s28 =	sadd.s32 $0x8C000, s2  }
0x84: {  	[hbm4b:s28+s19] =	stream.strided.scatter [tilespmem:s29], [sflag:$0x5], $0x1800, s20, s19, $0x38;
	[tilespmem:$0x1C100] =	vst v63  }
0x85: {  	s31 =	simm.s32 $0x11800;
	s30 =	sadd.s32 $0xA8000, s2  }
0x86: {  	[hbm4b:s30+s19] =	stream.strided.scatter [tilespmem:s31], [sflag:$0x5], $0x1800, s20, s19, $0x38;
	[tilespmem:$0x1C100] =	vst v63  }
0x87: {  	s4 =	simm.s32 $0x13400;
	s3 =	sadd.s32 $0xC4000, s2  }
0x88: {  	[hbm4b:s3+s19] =	stream.strided.scatter [tilespmem:s4], [sflag:$0x5], $0x1800, s20, s19, $0x38;
	[tilespmem:$0x1C100] =	vst v63  }
0x89: {  	s7 =	simm.s32 $0x8800;
	s6 =	simm.s32 $0x0;
	s5 =	sadd.s32 $0x18000, s2  }
0x8a: {  	[hbm4b:s5+s6] =	stream.linear.scatter [tilespmem:s7], [sflag:$0x5], $0x100, $0x38;
	[tilespmem:$0x1C100] =	vst v63  }
0x8b: {  	s9 =	simm.s32 $0xA400;
	s8 =	sadd.s32 $0x34000, s2  }
0x8c: {  	[hbm4b:s8+s6] =	stream.linear.scatter [tilespmem:s9], [sflag:$0x5], $0x100, $0x38;
	[tilespmem:$0x1C100] =	vst v63  }
0x8d: {  	s11 =	simm.s32 $0xC000;
	s10 =	sadd.s32 $0x50000, s2  }
0x8e: {  	[hbm4b:s10+s6] =	stream.linear.scatter [tilespmem:s11], [sflag:$0x5], $0x100, $0x38;
	[tilespmem:$0x1C100] =	vst v63  }
0x8f: {  	s13 =	simm.s32 $0xDC00;
	s12 =	sadd.s32 $0x6C000, s2  }
0x90: {  	[hbm4b:s12+s6] =	stream.linear.scatter [tilespmem:s13], [sflag:$0x5], $0x100, $0x38;
	[tilespmem:$0x1C100] =	vst v63  }
0x91: {  	s14 =	sadd.s32 $0x88000, s2;
	s15 =	simm.s32 $0xF800  }
0x92: {  	[hbm4b:s14+s6] =	stream.linear.scatter [tilespmem:s15], [sflag:$0x5], $0x100, $0x38;
	[tilespmem:$0x1C100] =	vst v63  }
0x93: {  	s16 =	sadd.s32 $0xA4000, s2;
	s17 =	simm.s32 $0x11400  }
0x94: {  	[hbm4b:s16+s6] =	stream.linear.scatter [tilespmem:s17], [sflag:$0x5], $0x100, $0x38;
	[tilespmem:$0x1C100] =	vst v63  }
0x95: {  	s18 =	sadd.s32 $0xC0000, s2;
	s21 =	simm.s32 $0x13000  }
0x96: {  	[hbm4b:s18+s6] =	stream.linear.scatter [tilespmem:s21], [sflag:$0x5], $0x100, $0x38;
	[tilespmem:$0x1C100] =	vst v63  }
0x97: {  	s22 =	sadd.s32 $0xDC000, s2;
	s23 =	simm.s32 $0x14C00;
	s25 =	simm.s32 $0x3  }
0x98: {  	[hbm4b:s22+s6] =	stream.linear.scatter [tilespmem:s23], [sflag:$0x5], $0x100, $0x38;
	[tilespmem:$0x1C100] =	vst v63  }
0x99: {  	_ =	swait.ge [sflag:s25], $0x1900  }
0x9a: {  	s28 =	simm.s32 $0x5400;
	[sflag:s25] =	ssyncset.done $0x0  }
0x9b: {  	s29 =	simm.s32 $0x6C00;
	s26 =	rddreg [dreg:$0x1a];
	[sflag:s25] =	ssyncadd.s32 $0xFFFFE700  }
0x9c: {  	[tilespmem:s28], [sflag:$0x4] =	stream.strided.gather [hbm4b:s26+s19], $0x1800, s20, s19, $0x38;
	[tilespmem:$0x1C100] =	vst v63  }
0x9d: {  	s30 =	simm.s32 $0x3800;
	s3 =	sand.u32 $0x60, s6;
	s0 =	sadd.s32 $0x18000, s26  }
0x9e: {  	[tilespmem:s29], [sflag:$0x4] =	stream.linear.gather [hbm4b:s0+s6], $0x100, $0x38;
	[tilespmem:$0x1C100] =	vst v63  }
0x9f: {  	s7 =	sand.u32 $0x1F80, s6;
	s6 =	sor.u32 $0x10, s3;
	v0 =	vld [tilespmem:s30+$0x0]  }
0xa0: {  	s13 =	sor.u32 s7, s6  }
0xa1: {  	v1 =	vld [tilespmem:s13+$0x3800];
	_ =	sdelay $0x2  }
0xa2: {  	s31 =	simm.s32 $0x20;
	v2 =	vshll.u32 v0, $0x2  }
0xa3: {  	s0 =	sand.u32 $0x60, s31;
	v0 =	vor.u32 $0x1, v2  }
0xa4: {  	s2 =	sand.u32 $0x1F80, s31;
	s9 =	simm.s32 $0x3820;
	s1 =	sor.u32 $0x10, s0;
	v1 =	vshll.u32 v1, $0x2  }
0xa5: {  	v4 =	vld [tilespmem:s9+$0x0];
	s4 =	sor.u32 s2, s1;
	v10 =	vor.u32 $0x3, v1  }
0xa6: {  	s18 =	simm.s32 $0x1C080;
	v8 =	vld [tilespmem:s4+$0x3800];
	v5 =	vor.u32 $0x1, v1  }
0xa7: {  	v9 =	vor.u32 $0x2, v1;
	v3 =	vld.idx.msk [tilespmem:v2+s18+$0x0], $0xffff  }
0xa8: {  	v11 =	vor.u32 $0x2, v2;
	v0 =	vld.idx.msk [tilespmem:v0+s18+$0x0], $0xffff  }
0xa9: {  	v7 =	vld.idx.msk [tilespmem:v1+s18+$0x0], $0xffff  }
0xaa: {  	v1 =	vshll.u32 v4, $0x2;
	v4 =	vld.idx.msk [tilespmem:v10+s18+$0x0], $0xffff;
	v10 =	vor.u32 $0x3, v2  }
0xab: {  	v6 =	vld.idx.msk [tilespmem:v5+s18+$0x0], $0xffff  }
0xac: {  	v5 =	vld.idx.msk [tilespmem:v9+s18+$0x0], $0xffff  }
0xad: {  	s5 =	simm.s32 $0x15000;
	s10 =	simm.s32 $0x2;
	s11 =	simm.s32 $0x40;
	v9 =	vor.u32 $0x1, v1;
	v2 =	vld.idx.msk [tilespmem:v11+s18+$0x0], $0xffff  }
.LBB2_4:
0xae: {  	s8 =	sand.u32 $0x1F80, s11  }
0xaf: {  	v11 =	vshll.u32 v8, $0x2;
	s9 =	sadd.s32 $0x20, s9;
	v12 =	vld.idx.msk [tilespmem:v10+s18+$0x0], $0xffff;
	[tilespmem:s5+$0x0] =	vst v3;
	s12 =	sadd.s32 $0x16C00, s7;
	s14 =	sand.u32 $0x60, s11  }
0xb0: {  	s15 =	sadd.s32 $0x18800, s7;
	s7 =	sadd.s32 $0x1A400, s7;
	v13 =	vld [tilespmem:s9+$0x0];
	v14 =	vor.u32 $0x1, v11;
	[tilespmem:s13+$0x15000] =	vst v7;
	s13 =	sor.u32 s6, s12  }
0xb1: {  	s10 =	sadd.s32 $0x2, s10;
	s16 =	sor.u32 $0x10, s14;
	v15 =	vor.u32 $0x2, v11;
	v3 =	vld.idx.msk [tilespmem:v1+s18+$0x0], $0xffff;
	[tilespmem:s13+$0x0] =	vst v6;
	s13 =	sor.u32 s6, s15  }
0xb2: {  	v17 =	vor.u32 $0x3, v11;
	s12 =	sor.u32 s3, s12;
	s17 =	sor.u32 s8, s16;
	s6 =	sor.u32 s6, s7;
	v16 =	vld.idx.msk [tilespmem:v9+s18+$0x0], $0xffff;
	[tilespmem:s13+$0x0] =	vst v5  }
0xb3: {  	v18 =	vor.u32 $0x2, v1;
	p0 =	slt.u32 s10, $0x18E;
	s13 =	sor.u32 s3, s15;
	s15 =	sor.u32 s3, s7;
	v8 =	vld [tilespmem:s17+$0x3800];
	[tilespmem:s6+$0x0] =	vst v4  }
.Ltmp1:
0xb4: {  	v10 =	vor.u32 $0x3, v1;
	s7 =	smov.u32 s2;
	v7 =	vld.idx.msk [tilespmem:v11+s18+$0x0], $0xffff;
	[tilespmem:s12+$0x0] =	vst v0;
	(pc) =	sbr.rel @p0 .LBB2_4-.Ltmp1, $4  }
0xb5: {  	s2 =	smov.u32 s8;
	s3 =	smov.u32 s0;
	s0 =	smov.u32 s14;
	v6 =	vld.idx.msk [tilespmem:v14+s18+$0x0], $0xffff;
	[tilespmem:s13+$0x0] =	vst v2  }
0xb6: {  	s6 =	smov.u32 s1;
	s1 =	smov.u32 s16;
	v1 =	vshll.u32 v13, $0x2;
	s13 =	smov.u32 s4;
	v5 =	vld.idx.msk [tilespmem:v15+s18+$0x0], $0xffff;
	[tilespmem:s15+$0x0] =	vst v12  }
0xb7: {  	s4 =	smov.u32 s17;
	v9 =	vor.u32 $0x1, v1;
	v4 =	vld.idx.msk [tilespmem:v17+s18+$0x0], $0xffff  }
0xb8: {  	s11 =	sadd.s32 $0x20, s11;
	s5 =	sadd.s32 $0x20, s5;
	v0 =	vmov v16;
	v2 =	vld.idx.msk [tilespmem:v18+s18+$0x0], $0xffff  }
0xb9: {  	_ =	sdelay $0x3  }
0xba: {  	v8 =	vshll.u32 v8, $0x2;
	v10 =	vld.idx.msk [tilespmem:v10+s18+$0x0], $0xffff;
	[tilespmem:s5+$0x0] =	vst v3;
	s8 =	sadd.s32 $0x16C00, s7  }
0xbb: {  	[tilespmem:s13+$0x15000] =	vst v7;
	v7 =	vld.idx.msk [tilespmem:v9+s18+$0x0], $0xffff;
	v9 =	vor.u32 $0x2, v1;
	s10 =	sor.u32 s6, s8  }
0xbc: {  	s9 =	sadd.s32 $0x18800, s7;
	v11 =	vor.u32 $0x1, v8;
	s8 =	sor.u32 s3, s8;
	[tilespmem:s10+$0x0] =	vst v6  }
0xbd: {  	v3 =	vld.idx.msk [tilespmem:v1+s18+$0x0], $0xffff;
	s17 =	sadd.s32 $0x1A400, s7;
	v1 =	vor.u32 $0x3, v1;
	s21 =	sor.u32 s6, s9;
	[tilespmem:s8+$0x0] =	vst v0  }
0xbe: {  	v12 =	vor.u32 $0x2, v8;
	s22 =	sor.u32 s6, s17;
	[tilespmem:s21+$0x0] =	vst v5  }
0xbf: {  	v13 =	vor.u32 $0x3, v8;
	s23 =	sor.u32 s3, s9;
	[tilespmem:s22+$0x0] =	vst v4;
	v6 =	vld.idx.msk [tilespmem:v8+s18+$0x0], $0xffff  }
0xc0: {  	s25 =	sor.u32 s3, s17;
	[tilespmem:s23+$0x0] =	vst v2;
	v2 =	vld.idx.msk [tilespmem:v9+s18+$0x0], $0xffff  }
0xc1: {  	s26 =	sadd.s32 $0x20, s5;
	s29 =	sadd.s32 $0x16C00, s2;
	[tilespmem:s25+$0x0] =	vst v10;
	v5 =	vld.idx.msk [tilespmem:v11+s18+$0x0], $0xffff  }
0xc2: {  	s3 =	sor.u32 s0, s29;
	v1 =	vld.idx.msk [tilespmem:v1+s18+$0x0], $0xffff;
	[tilespmem:s26+$0x0] =	vst v3  }
0xc3: {  	s30 =	sadd.s32 $0x18800, s2;
	v4 =	vld.idx.msk [tilespmem:v12+s18+$0x0], $0xffff;
	[tilespmem:s3+$0x0] =	vst v7  }
0xc4: {  	s10 =	sor.u32 s0, s30;
	v0 =	vld.idx.msk [tilespmem:v13+s18+$0x0], $0xffff;
	[tilespmem:s4+$0x15000] =	vst v6  }
0xc5: {  	s7 =	sadd.s32 $0x1A400, s2;
	s6 =	sor.u32 s1, s29;
	[tilespmem:s10+$0x0] =	vst v2  }
0xc6: {  	s11 =	sor.u32 s0, s7;
	[tilespmem:s6+$0x0] =	vst v5  }
0xc7: {  	s8 =	sor.u32 s1, s30;
	[tilespmem:s11+$0x0] =	vst v1  }
0xc8: {  	s9 =	sor.u32 s1, s7;
	[tilespmem:s8+$0x0] =	vst v4  }
0xc9: {  	[tilespmem:s9+$0x0] =	vst v0  }
0xca: {  	s12 =	simm.s32 $0x15000;
	s1 =	rddreg [dreg:$0x1b]  }
0xcb: {  	[hbm4b:s1+s19] =	stream.strided.scatter [tilespmem:s12], [sflag:$0x6], $0x1800, s20, s19, $0x38;
	[tilespmem:$0x1C100] =	vst v63  }
0xcc: {  	s14 =	simm.s32 $0x16C00;
	s13 =	sadd.s32 $0x1C000, s1  }
0xcd: {  	[hbm4b:s13+s19] =	stream.strided.scatter [tilespmem:s14], [sflag:$0x6], $0x1800, s20, s19, $0x38;
	[tilespmem:$0x1C100] =	vst v63  }
0xce: {  	s16 =	simm.s32 $0x18800;
	s15 =	sadd.s32 $0x38000, s1  }
0xcf: {  	[hbm4b:s15+s19] =	stream.strided.scatter [tilespmem:s16], [sflag:$0x6], $0x1800, s20, s19, $0x38;
	[tilespmem:$0x1C100] =	vst v63  }
0xd0: {  	s18 =	simm.s32 $0x1A400;
	s17 =	sadd.s32 $0x54000, s1  }
0xd1: {  	[hbm4b:s17+s19] =	stream.strided.scatter [tilespmem:s18], [sflag:$0x6], $0x1800, s20, s19, $0x38;
	[tilespmem:$0x1C100] =	vst v63  }
0xd2: {  	s22 =	simm.s32 $0x0;
	s23 =	simm.s32 $0x16800;
	s21 =	sadd.s32 $0x18000, s1  }
0xd3: {  	[hbm4b:s21+s22] =	stream.linear.scatter [tilespmem:s23], [sflag:$0x6], $0x100, $0x38;
	[tilespmem:$0x1C100] =	vst v63  }
0xd4: {  	s26 =	simm.s32 $0x18400;
	s25 =	sadd.s32 $0x34000, s1  }
0xd5: {  	[hbm4b:s25+s22] =	stream.linear.scatter [tilespmem:s26], [sflag:$0x6], $0x100, $0x38;
	[tilespmem:$0x1C100] =	vst v63  }
0xd6: {  	s30 =	simm.s32 $0x1A000;
	s29 =	sadd.s32 $0x50000, s1  }
0xd7: {  	[hbm4b:s29+s22] =	stream.linear.scatter [tilespmem:s30], [sflag:$0x6], $0x100, $0x38;
	[tilespmem:$0x1C100] =	vst v63  }
0xd8: {  	s3 =	simm.s32 $0x1BC00;
	s4 =	simm.s32 $0x2;
	s1 =	sadd.s32 $0x6C000, s1  }
0xd9: {  	[hbm4b:s1+s22] =	stream.linear.scatter [tilespmem:s3], [sflag:$0x6], $0x100, $0x38;
	[tilespmem:$0x1C100] =	vst v63  }
0xda: {  	_ =	swait.ge [sflag:s4], $0x1900  }
0xdb: {  	[sflag:s4] =	ssyncset.done $0x0  }
0xdc: {  	s5 =	rddreg [dreg:$0x1c];
	[sflag:s4] =	ssyncadd.s32 $0xFFFFE700  }
0xdd: {  	[tilespmem:s22], [sflag:$0x1] =	stream.strided.gather [hbm4b:s5+s19], $0x1800, s20, s19, $0x38;
	[tilespmem:$0x1C100] =	vst v63  }
0xde: {  	s7 =	simm.s32 $0x5;
	s6 =	simm.s32 $0x1800;
	s0 =	sadd.s32 $0x18000, s5  }
0xdf: {  	[tilespmem:s6], [sflag:$0x1] =	stream.linear.gather [hbm4b:s0+s22], $0x100, $0x38;
	[tilespmem:$0x1C100] =	vst v63  }
0xe0: {  	s1 =	sand.u32 $0x60, s22;
	_ =	swait.ge [sflag:s7], $0xC800  }
0xe1: {  	s8 =	sand.u32 $0x1F80, s22;
	s10 =	sor.u32 $0x10, s1;
	[sflag:s7] =	ssyncset.done $0x0  }
0xe2: {  	s16 =	sor.u32 s8, s10;
	[sflag:s7] =	ssyncadd.s32 $0xFFFF3800  }
0xe3: {  	v0 =	vld [tilespmem:s16+$0x1C00];
	_ =	sdelay $0x4  }
0xe4: {  	s18 =	simm.s32 $0x1C00;
	s19 =	simm.s32 $0x20;
	v0 =	vshll.u32 v0, $0x3  }
0xe5: {  	s21 =	sand.u32 $0x60, s19;
	v4 =	vld [tilespmem:s18+$0x0];
	v1 =	vor.u32 $0x1, v0  }
0xe6: {  	s0 =	sand.u32 $0x1F80, s19;
	s22 =	sor.u32 $0x10, s21;
	v2 =	vor.u32 $0x2, v0  }
0xe7: {  	s25 =	sor.u32 s0, s22;
	v3 =	vor.u32 $0x3, v0  }
0xe8: {  	v14 =	vld [tilespmem:s25+$0x1C00];
	v5 =	vor.u32 $0x4, v0  }
0xe9: {  	v7 =	vor.u32 $0x5, v0;
	v6 =	vld.idx.msk [tilespmem:v0+s24+$0x0], $0xffff  }
0xea: {  	v4 =	vshll.u32 v4, $0x3;
	v8 =	vor.u32 $0x6, v0;
	v1 =	vld.idx.msk [tilespmem:v1+s24+$0x0], $0xffff  }
0xeb: {  	v10 =	vor.u32 $0x5, v4;
	v2 =	vld.idx.msk [tilespmem:v2+s24+$0x0], $0xffff  }
0xec: {  	v0 =	vor.u32 $0x7, v0;
	v3 =	vld.idx.msk [tilespmem:v3+s24+$0x0], $0xffff  }
0xed: {  	v5 =	vld.idx.msk [tilespmem:v5+s24+$0x0], $0xffff  }
0xee: {  	v9 =	vor.u32 $0x7, v4;
	v7 =	vld.idx.msk [tilespmem:v7+s24+$0x0], $0xffff  }
0xef: {  	v16 =	vor.u32 $0x4, v4;
	v8 =	vld.idx.msk [tilespmem:v8+s24+$0x0], $0xffff  }
0xf0: {  	s6 =	sadd.s32 $0x8C00, s8;
	v11 =	vor.u32 $0x1, v4;
	v17 =	vld.idx.msk [tilespmem:v10+s24+$0x0], $0xffff  }
0xf1: {  	s31 =	simm.s32 $0x2;
	s20 =	sadd.s32 $0xA800, s8;
	s23 =	sor.u32 s10, s6;
	v61 =	vor.u32 $0x2, v4;
	v60 =	vld.idx.msk [tilespmem:v0+s24+$0x0], $0xffff;
	[tilespmem:s16+$0x7000] =	vst v6  }
0xf2: {  	s28 =	simm.s32 $0x1C20;
	s26 =	sadd.s32 $0xC400, s8;
	s29 =	sor.u32 s10, s20;
	v15 =	vor.u32 $0x3, v4;
	v6 =	vld.idx.msk [tilespmem:v4+s24+$0x0], $0xffff;
	[tilespmem:s23+$0x0] =	vst v1  }
0xf3: {  	s11 =	sadd.s32 $0xFC00, s8;
	s30 =	sor.u32 $0xE000, s8;
	s4 =	sor.u32 s10, s26;
	v0 =	vld.idx.msk [tilespmem:v9+s24+$0x0], $0xffff;
	v1 =	vor.u32 $0x6, v4;
	[tilespmem:s29+$0x0] =	vst v2  }
0xf4: {  	s12 =	sadd.s32 $0x11800, s8;
	s17 =	simm.s32 $0x7000;
	s13 =	sor.u32 s10, s30;
	v9 =	vld.idx.msk [tilespmem:v16+s24+$0x0], $0xffff;
	[tilespmem:s4+$0x0] =	vst v3  }
0xf5: {  	s3 =	sadd.s32 $0x13400, s8;
	s14 =	sor.u32 s10, s11;
	s15 =	sor.u32 s10, s12;
	v2 =	vld.idx.msk [tilespmem:v11+s24+$0x0], $0xffff;
	v11 =	vshll.u32 v14, $0x3;
	[tilespmem:s13+$0x0] =	vst v5  }
0xf6: {  	s2 =	sor.u32 s10, s3;
	s8 =	sor.u32 s1, s26;
	s10 =	sor.u32 s1, s30;
	v3 =	vld.idx.msk [tilespmem:v61+s24+$0x0], $0xffff;
	v14 =	vor.u32 $0x4, v11;
	[tilespmem:s14+$0x0] =	vst v7  }
0xf7: {  	s19 =	sadd.s32 $0xA800, s0;
	s26 =	sadd.s32 $0xFC00, s0;
	s30 =	sadd.s32 $0x13400, s0;
	v5 =	vor.u32 $0x1, v11;
	v7 =	vld.idx.msk [tilespmem:v15+s24+$0x0], $0xffff;
	[tilespmem:s15+$0x0] =	vst v8  }
0xf8: {  	s7 =	sor.u32 s1, s20;
	s20 =	sadd.s32 $0xC400, s0;
	s18 =	sor.u32 s1, s12;
	v62 =	vor.u32 $0x3, v11;
	v4 =	vld.idx.msk [tilespmem:v1+s24+$0x0], $0xffff;
	[tilespmem:s17+$0x0] =	vst v6  }
0xf9: {  	v63 =	vld [tilespmem:s28+$0x0];
	s16 =	sor.u32 s1, s11;
	s14 =	sor.u32 s1, s3;
	s1 =	sor.u32 s1, s6;
	v8 =	vor.u32 $0x2, v11;
	[tilespmem:s2+$0x0] =	vst v60  }
0xfa: {  	s11 =	sor.u32 s22, s19;
	s23 =	sor.u32 $0xE000, s0;
	s29 =	sadd.s32 $0x11800, s0;
	v1 =	vld.idx.msk [tilespmem:v11+s24+$0x0], $0xffff;
	[tilespmem:s1+$0x0] =	vst v2  }
0xfb: {  	s9 =	sor.u32 s22, s29;
	s4 =	sor.u32 s21, s20;
	s12 =	sor.u32 s21, s29;
	[tilespmem:s7+$0x0] =	vst v3;
	v6 =	vld.idx.msk [tilespmem:v14+s24+$0x0], $0xffff  }
0xfc: {  	s13 =	sor.u32 s22, s23;
	s23 =	sor.u32 s21, s23;
	s3 =	sor.u32 s21, s19;
	v2 =	vld.idx.msk [tilespmem:v5+s24+$0x0], $0xffff;
	[tilespmem:s8+$0x0] =	vst v7  }
0xfd: {  	v10 =	vor.u32 $0x5, v11;
	s6 =	sor.u32 s21, s26;
	s19 =	sor.u32 s21, s30;
	s15 =	sor.u32 s22, s20;
	v5 =	vld.idx.msk [tilespmem:v62+s24+$0x0], $0xffff;
	[tilespmem:s10+$0x0] =	vst v9  }
0xfe: {  	s1 =	sor.u32 s22, s26;
	s7 =	sor.u32 s22, s30;
	v7 =	vshll.u32 v63, $0x3;
	v3 =	vld.idx.msk [tilespmem:v8+s24+$0x0], $0xffff;
	v9 =	vor.u32 $0x6, v11;
	v8 =	vor.u32 $0x7, v11;
	s10 =	simm.s32 $0x40;
	[tilespmem:s16+$0x0] =	vst v17  }
.LBB2_6:
0xff: {  	[dreg:$0xe] =	wrdreg s19  }
0x100: {  	[dreg:$0xa] =	wrdreg s12  }
0x101: {  	[dreg:$0x8] =	wrdreg s6  }
0x102: {  	[dreg:$0x6] =	wrdreg s4;
	s20 =	sand.u32 $0x60, s10;
	s31 =	sadd.s32 $0x2, s31;
	v13 =	vor.u32 $0x7, v7;
	v10 =	vld.idx.msk [tilespmem:v10+s24+$0x0], $0xffff  }
0x103: {  	s17 =	sadd.s32 $0x20, s17;
	s8 =	sand.u32 $0x1F80, s10;
	v14 =	vor.u32 $0x5, v7;
	v9 =	vld.idx.msk [tilespmem:v9+s24+$0x0], $0xffff;
	s12 =	sor.u32 $0x10, s20  }
0x104: {  	v11 =	vor.u32 $0x1, v7;
	[tilespmem:s18+$0x0] =	vst v4;
	s30 =	sadd.s32 $0x8C00, s0;
	v8 =	vld.idx.msk [tilespmem:v8+s24+$0x0], $0xffff;
	s6 =	smov.u32 s3;
	s16 =	sor.u32 s8, s12  }
0x105: {  	v15 =	vor.u32 $0x3, v7;
	s3 =	simm.s32 $0x1C000;
	s28 =	sadd.s32 $0x20, s28;
	s10 =	sadd.s32 $0x20, s10;
	[tilespmem:s14+$0x0] =	vst v0;
	v16 =	vld [tilespmem:s16+$0x1C00]  }
0x106: {  	v12 =	vor.u32 $0x4, v7;
	p0 =	slt.u32 s31, $0x18E;
	s18 =	sadd.s32 $0xA800, s8;
	s2 =	sadd.s32 $0xC400, s8;
	[tilespmem:s25+$0x7000] =	vst v1;
	v1 =	vld.idx.msk [tilespmem:v7+s3+$0x0], $0xffff  }
0x107: {  	v4 =	vor.u32 $0x2, v7;
	s0 =	sor.u32 s22, s30;
	s22 =	sor.u32 $0xE000, s8;
	s4 =	sadd.s32 $0xFC00, s8;
	v0 =	vld.idx.msk [tilespmem:v13+s3+$0x0], $0xffff  }
0x108: {  	s5 =	sadd.s32 $0x13400, s8;
	s19 =	sor.u32 s12, s18;
	s24 =	sor.u32 s12, s2;
	v7 =	vor.u32 $0x6, v7;
	v61 =	vld.idx.msk [tilespmem:v14+s3+$0x0], $0xffff  }
0x109: {  	s26 =	sor.u32 s12, s22;
	s29 =	sor.u32 s12, s4;
	s14 =	sor.u32 s20, s18;
	[tilespmem:s0+$0x0] =	vst v2;
	v2 =	vld.idx.msk [tilespmem:v11+s3+$0x0], $0xffff  }
0x10a: {  	s2 =	sor.u32 s20, s2;
	s18 =	sor.u32 s12, s5;
	s22 =	sor.u32 s20, s22;
	v11 =	vld.idx.msk [tilespmem:v15+s3+$0x0], $0xffff;
	[tilespmem:s11+$0x0] =	vst v3  }
0x10b: {  	s5 =	sor.u32 s20, s5;
	s25 =	sor.u32 s21, s30;
	s21 =	sadd.s32 $0x11800, s8;
	v12 =	vld.idx.msk [tilespmem:v12+s3+$0x0], $0xffff;
	[tilespmem:s15+$0x0] =	vst v5  }
0x10c: {  	s30 =	sor.u32 s12, s21;
	s0 =	sor.u32 s20, s4;
	s4 =	sor.u32 s20, s21;
	v3 =	vld.idx.msk [tilespmem:v4+s3+$0x0], $0xffff;
	[tilespmem:s13+$0x0] =	vst v6;
	v5 =	vshll.u32 v16, $0x3  }
0x10d: {  	s21 =	smov.u32 s20;
	s20 =	smov.u32 s8;
	s8 =	smov.u32 s12;
	[tilespmem:s1+$0x0] =	vst v10;
	v6 =	vor.u32 $0x1, v5;
	v4 =	vld.idx.msk [tilespmem:v7+s3+$0x0], $0xffff  }
0x10e: {  	s12 =	smov.u32 s16;
	s11 =	smov.u32 s19;
	s19 =	rddreg [dreg:$0xa];
	v62 =	vor.u32 $0x2, v5;
	v7 =	vld [tilespmem:s28+$0x0];
	[tilespmem:s17+$0x0] =	vst v1  }
0x10f: {  	s15 =	smov.u32 s24;
	s24 =	simm.s32 $0x1C000;
	s13 =	smov.u32 s26;
	v63 =	vor.u32 $0x3, v5;
	[tilespmem:s9+$0x0] =	vst v9  }
0x110: {  	s26 =	rddreg [dreg:$0xe];
	v16 =	vor.u32 $0x4, v5;
	s1 =	smov.u32 s29;
	s3 =	smov.u32 s14;
	[tilespmem:s7+$0x0] =	vst v8  }
.Ltmp2:
0x111: {  	s14 =	smov.u32 s26;
	s29 =	rddreg [dreg:$0x6];
	[tilespmem:s25+$0x0] =	vst v2;
	v1 =	vld.idx.msk [tilespmem:v5+s24+$0x0], $0xffff;
	(pc) =	sbr.rel @p0 .LBB2_6-.Ltmp2, $4  }
0x112: {  	s9 =	smov.u32 s30;
	s25 =	smov.u32 s12;
	s12 =	smov.u32 s4;
	[tilespmem:s6+$0x0] =	vst v3;
	v2 =	vld.idx.msk [tilespmem:v6+s24+$0x0], $0xffff  }
0x113: {  	s4 =	smov.u32 s2;
	s30 =	rddreg [dreg:$0x8];
	s7 =	smov.u32 s18;
	[tilespmem:s29+$0x0] =	vst v11;
	v3 =	vld.idx.msk [tilespmem:v62+s24+$0x0], $0xffff  }
0x114: {  	v10 =	vor.u32 $0x5, v5;
	v9 =	vor.u32 $0x6, v5;
	s18 =	smov.u32 s19;
	s19 =	smov.u32 s5;
	v8 =	vor.u32 $0x7, v5;
	s6 =	smov.u32 s0;
	[tilespmem:s23+$0x0] =	vst v12;
	v5 =	vld.idx.msk [tilespmem:v63+s24+$0x0], $0xffff  }
0x115: {  	s0 =	smov.u32 s20;
	s23 =	smov.u32 s22;
	s22 =	smov.u32 s8;
	v7 =	vshll.u32 v7, $0x3;
	v6 =	vld.idx.msk [tilespmem:v16+s24+$0x0], $0xffff;
	[tilespmem:s30+$0x0] =	vst v61  }
0x116: {  	_ =	sdelay $0x3  }
0x117: {  	v11 =	vor.u32 $0x7, v7;
	v10 =	vld.idx.msk [tilespmem:v10+s24+$0x0], $0xffff  }
0x118: {  	v12 =	vor.u32 $0x5, v7;
	[tilespmem:s18+$0x0] =	vst v4;
	v9 =	vld.idx.msk [tilespmem:v9+s24+$0x0], $0xffff  }
0x119: {  	v4 =	vor.u32 $0x1, v7;
	s0 =	sadd.s32 $0x8C00, s0;
	v8 =	vld.idx.msk [tilespmem:v8+s24+$0x0], $0xffff;
	[tilespmem:s25+$0x7000] =	vst v1  }
0x11a: {  	[tilespmem:s14+$0x0] =	vst v0;
	v0 =	vor.u32 $0x2, v7;
	s2 =	sor.u32 s22, s0  }
0x11b: {  	v1 =	vor.u32 $0x3, v7;
	v13 =	vld.idx.msk [tilespmem:v7+s24+$0x0], $0xffff;
	[tilespmem:s2+$0x0] =	vst v2  }
0x11c: {  	v2 =	vor.u32 $0x4, v7;
	[tilespmem:s11+$0x0] =	vst v3;
	v11 =	vld.idx.msk [tilespmem:v11+s24+$0x0], $0xffff  }
0x11d: {  	v3 =	vor.u32 $0x6, v7;
	[tilespmem:s15+$0x0] =	vst v5;
	v7 =	vld.idx.msk [tilespmem:v12+s24+$0x0], $0xffff  }
0x11e: {  	v4 =	vld.idx.msk [tilespmem:v4+s24+$0x0], $0xffff;
	[tilespmem:s13+$0x0] =	vst v6  }
0x11f: {  	v0 =	vld.idx.msk [tilespmem:v0+s24+$0x0], $0xffff;
	[tilespmem:s1+$0x0] =	vst v10  }
0x120: {  	v1 =	vld.idx.msk [tilespmem:v1+s24+$0x0], $0xffff;
	[tilespmem:s9+$0x0] =	vst v9  }
0x121: {  	s14 =	sadd.s32 $0x20, s17;
	v2 =	vld.idx.msk [tilespmem:v2+s24+$0x0], $0xffff;
	[tilespmem:s7+$0x0] =	vst v8  }
0x122: {  	s0 =	sor.u32 s21, s0;
	v3 =	vld.idx.msk [tilespmem:v3+s24+$0x0], $0xffff;
	[tilespmem:s14+$0x0] =	vst v13  }
0x123: {  	[tilespmem:s0+$0x0] =	vst v4  }
0x124: {  	[tilespmem:s3+$0x0] =	vst v0  }
0x125: {  	[tilespmem:s4+$0x0] =	vst v1  }
0x126: {  	[tilespmem:s23+$0x0] =	vst v2  }
0x127: {  	[tilespmem:s6+$0x0] =	vst v7  }
0x128: {  	[tilespmem:s12+$0x0] =	vst v3  }
0x129: {  	s20 =	simm.s32 $0x20000;
	[tilespmem:s19+$0x0] =	vst v11  }
0x12a: {  	s15 =	simm.s32 $0x7000;
	s19 =	simm.s32 $0x400;
	s2 =	rddreg [dreg:$0x1d]  }
0x12b: {  	[hbm4b:s2+s19] =	stream.strided.scatter [tilespmem:s15], [sflag:$0x5], $0x1800, s20, s19, $0x38;
	[tilespmem:$0x1C100] =	vst v63  }
0x12c: {  	s17 =	simm.s32 $0x8C00;
	s16 =	sadd.s32 $0x1C000, s2  }
0x12d: {  	[hbm4b:s16+s19] =	stream.strided.scatter [tilespmem:s17], [sflag:$0x5], $0x1800, s20, s19, $0x38;
	[tilespmem:$0x1C100] =	vst v63  }
0x12e: {  	s21 =	simm.s32 $0xA800;
	s18 =	sadd.s32 $0x38000, s2  }
0x12f: {  	[hbm4b:s18+s19] =	stream.strided.scatter [tilespmem:s21], [sflag:$0x5], $0x1800, s20, s19, $0x38;
	[tilespmem:$0x1C100] =	vst v63  }
0x130: {  	s23 =	simm.s32 $0xC400;
	s22 =	sadd.s32 $0x54000, s2  }
0x131: {  	[hbm4b:s22+s19] =	stream.strided.scatter [tilespmem:s23], [sflag:$0x5], $0x1800, s20, s19, $0x38;
	[tilespmem:$0x1C100] =	vst v63  }
0x132: {  	s26 =	simm.s32 $0xE000;
	s25 =	sadd.s32 $0x70000, s2  }
0x133: {  	[hbm4b:s25+s19] =	stream.strided.scatter [tilespmem:s26], [sflag:$0x5], $0x1800, s20, s19, $0x38;
	[tilespmem:$0x1C100] =	vst v63  }
0x134: {  	s29 =	simm.s32 $0xFC00;
	s28 =	sadd.s32 $0x8C000, s2  }
0x135: {  	[hbm4b:s28+s19] =	stream.strided.scatter [tilespmem:s29], [sflag:$0x5], $0x1800, s20, s19, $0x38;
	[tilespmem:$0x1C100] =	vst v63  }
0x136: {  	s31 =	simm.s32 $0x11800;
	s30 =	sadd.s32 $0xA8000, s2  }
0x137: {  	[hbm4b:s30+s19] =	stream.strided.scatter [tilespmem:s31], [sflag:$0x5], $0x1800, s20, s19, $0x38;
	[tilespmem:$0x1C100] =	vst v63  }
0x138: {  	s3 =	simm.s32 $0x13400;
	s1 =	sadd.s32 $0xC4000, s2  }
0x139: {  	[hbm4b:s1+s19] =	stream.strided.scatter [tilespmem:s3], [sflag:$0x5], $0x1800, s20, s19, $0x38;
	[tilespmem:$0x1C100] =	vst v63  }
0x13a: {  	s5 =	simm.s32 $0x0;
	s6 =	simm.s32 $0x8800;
	s4 =	sadd.s32 $0x18000, s2  }
0x13b: {  	[hbm4b:s4+s5] =	stream.linear.scatter [tilespmem:s6], [sflag:$0x5], $0x100, $0x38;
	[tilespmem:$0x1C100] =	vst v63  }
0x13c: {  	s8 =	simm.s32 $0xA400;
	s7 =	sadd.s32 $0x34000, s2  }
0x13d: {  	[hbm4b:s7+s5] =	stream.linear.scatter [tilespmem:s8], [sflag:$0x5], $0x100, $0x38;
	[tilespmem:$0x1C100] =	vst v63  }
0x13e: {  	s10 =	simm.s32 $0xC000;
	s9 =	sadd.s32 $0x50000, s2  }
0x13f: {  	[hbm4b:s9+s5] =	stream.linear.scatter [tilespmem:s10], [sflag:$0x5], $0x100, $0x38;
	[tilespmem:$0x1C100] =	vst v63  }
0x140: {  	s12 =	simm.s32 $0xDC00;
	s11 =	sadd.s32 $0x6C000, s2  }
0x141: {  	[hbm4b:s11+s5] =	stream.linear.scatter [tilespmem:s12], [sflag:$0x5], $0x100, $0x38;
	[tilespmem:$0x1C100] =	vst v63  }
0x142: {  	s14 =	simm.s32 $0xF800;
	s13 =	sadd.s32 $0x88000, s2  }
0x143: {  	[hbm4b:s13+s5] =	stream.linear.scatter [tilespmem:s14], [sflag:$0x5], $0x100, $0x38;
	[tilespmem:$0x1C100] =	vst v63  }
0x144: {  	s15 =	sadd.s32 $0xA4000, s2;
	s16 =	simm.s32 $0x11400  }
0x145: {  	[hbm4b:s15+s5] =	stream.linear.scatter [tilespmem:s16], [sflag:$0x5], $0x100, $0x38;
	[tilespmem:$0x1C100] =	vst v63  }
0x146: {  	s17 =	sadd.s32 $0xC0000, s2;
	s18 =	simm.s32 $0x13000  }
0x147: {  	[hbm4b:s17+s5] =	stream.linear.scatter [tilespmem:s18], [sflag:$0x5], $0x100, $0x38;
	[tilespmem:$0x1C100] =	vst v63  }
0x148: {  	s21 =	sadd.s32 $0xDC000, s2;
	s22 =	simm.s32 $0x14C00;
	s23 =	simm.s32 $0x4  }
0x149: {  	[hbm4b:s21+s5] =	stream.linear.scatter [tilespmem:s22], [sflag:$0x5], $0x100, $0x38;
	[tilespmem:$0x1C100] =	vst v63  }
0x14a: {  	_ =	swait.ge [sflag:s23], $0x1900  }
0x14b: {  	[sflag:s23] =	ssyncset.done $0x0  }
0x14c: {  	s26 =	simm.s32 $0x3800;
	s25 =	rddreg [dreg:$0x1e];
	[sflag:s23] =	ssyncadd.s32 $0xFFFFE700  }
0x14d: {  	[tilespmem:s26], [sflag:$0x3] =	stream.strided.gather [hbm4b:s25+s19], $0x1800, s20, s19, $0x38;
	[tilespmem:$0x1C100] =	vst v63  }
0x14e: {  	s28 =	simm.s32 $0x5000;
	s29 =	simm.s32 $0x6;
	s0 =	sadd.s32 $0x18000, s25  }
0x14f: {  	[tilespmem:s28], [sflag:$0x3] =	stream.linear.gather [hbm4b:s0+s5], $0x100, $0x38;
	[tilespmem:$0x1C100] =	vst v63  }
0x150: {  	_ =	swait.ge [sflag:s29], $0x6400  }
0x151: {  	s30 =	simm.s32 $0x5400;
	s3 =	sand.u32 $0x60, s5;
	[sflag:s29] =	ssyncset.done $0x0  }
0x152: {  	s6 =	sor.u32 $0x10, s3;
	s7 =	sand.u32 $0x1F80, s5;
	[sflag:s29] =	ssyncadd.s32 $0xFFFF9C00  }
0x153: {  	s13 =	sor.u32 s7, s6;
	v0 =	vld [tilespmem:s30+$0x0]  }
0x154: {  	v1 =	vld [tilespmem:s13+$0x5400];
	_ =	sdelay $0x3  }
0x155: {  	s31 =	simm.s32 $0x20;
	v2 =	vshll.u32 v0, $0x2  }
0x156: {  	s0 =	sand.u32 $0x60, s31;
	v1 =	vshll.u32 v1, $0x2  }
0x157: {  	s2 =	sand.u32 $0x1F80, s31;
	s9 =	simm.s32 $0x5420;
	s1 =	sor.u32 $0x10, s0;
	v0 =	vor.u32 $0x1, v2  }
0x158: {  	s4 =	sor.u32 s2, s1;
	v4 =	vld [tilespmem:s9+$0x0];
	v10 =	vor.u32 $0x3, v1  }
0x159: {  	s18 =	simm.s32 $0x1C080;
	v8 =	vld [tilespmem:s4+$0x5400];
	v5 =	vor.u32 $0x1, v1  }
0x15a: {  	v9 =	vor.u32 $0x2, v1;
	v3 =	vld.idx.msk [tilespmem:v2+s18+$0x0], $0xffff  }
0x15b: {  	v11 =	vor.u32 $0x2, v2;
	v7 =	vld.idx.msk [tilespmem:v1+s18+$0x0], $0xffff  }
0x15c: {  	v0 =	vld.idx.msk [tilespmem:v0+s18+$0x0], $0xffff  }
0x15d: {  	v1 =	vshll.u32 v4, $0x2;
	v4 =	vld.idx.msk [tilespmem:v10+s18+$0x0], $0xffff;
	v10 =	vor.u32 $0x3, v2  }
0x15e: {  	v6 =	vld.idx.msk [tilespmem:v5+s18+$0x0], $0xffff  }
0x15f: {  	v5 =	vld.idx.msk [tilespmem:v9+s18+$0x0], $0xffff  }
0x160: {  	s10 =	simm.s32 $0x2;
	s11 =	simm.s32 $0x40;
	s5 =	simm.s32 $0x15000;
	v9 =	vor.u32 $0x1, v1;
	v2 =	vld.idx.msk [tilespmem:v11+s18+$0x0], $0xffff  }
.LBB2_8:
0x161: {  	s8 =	sand.u32 $0x1F80, s11  }
0x162: {  	v11 =	vshll.u32 v8, $0x2;
	s9 =	sadd.s32 $0x20, s9;
	v12 =	vld.idx.msk [tilespmem:v10+s18+$0x0], $0xffff;
	[tilespmem:s5+$0x0] =	vst v3;
	s12 =	sadd.s32 $0x16C00, s7;
	s14 =	sand.u32 $0x60, s11  }
0x163: {  	s15 =	sadd.s32 $0x18800, s7;
	s7 =	sadd.s32 $0x1A400, s7;
	v13 =	vld [tilespmem:s9+$0x0];
	v14 =	vor.u32 $0x1, v11;
	[tilespmem:s13+$0x15000] =	vst v7;
	s13 =	sor.u32 s6, s12  }
0x164: {  	s10 =	sadd.s32 $0x2, s10;
	s16 =	sor.u32 $0x10, s14;
	v15 =	vor.u32 $0x2, v11;
	v3 =	vld.idx.msk [tilespmem:v1+s18+$0x0], $0xffff;
	[tilespmem:s13+$0x0] =	vst v6;
	s13 =	sor.u32 s6, s15  }
0x165: {  	v17 =	vor.u32 $0x3, v11;
	s12 =	sor.u32 s3, s12;
	s17 =	sor.u32 s8, s16;
	s6 =	sor.u32 s6, s7;
	v16 =	vld.idx.msk [tilespmem:v9+s18+$0x0], $0xffff;
	[tilespmem:s13+$0x0] =	vst v5  }
0x166: {  	v18 =	vor.u32 $0x2, v1;
	p0 =	slt.u32 s10, $0x18E;
	s13 =	sor.u32 s3, s15;
	s15 =	sor.u32 s3, s7;
	v8 =	vld [tilespmem:s17+$0x5400];
	[tilespmem:s6+$0x0] =	vst v4  }
.Ltmp3:
0x167: {  	v10 =	vor.u32 $0x3, v1;
	s7 =	smov.u32 s2;
	v7 =	vld.idx.msk [tilespmem:v11+s18+$0x0], $0xffff;
	[tilespmem:s12+$0x0] =	vst v0;
	(pc) =	sbr.rel @p0 .LBB2_8-.Ltmp3, $4  }
0x168: {  	s2 =	smov.u32 s8;
	s3 =	smov.u32 s0;
	s0 =	smov.u32 s14;
	v6 =	vld.idx.msk [tilespmem:v14+s18+$0x0], $0xffff;
	[tilespmem:s13+$0x0] =	vst v2  }
0x169: {  	s6 =	smov.u32 s1;
	s1 =	smov.u32 s16;
	v1 =	vshll.u32 v13, $0x2;
	s13 =	smov.u32 s4;
	v5 =	vld.idx.msk [tilespmem:v15+s18+$0x0], $0xffff;
	[tilespmem:s15+$0x0] =	vst v12  }
0x16a: {  	s4 =	smov.u32 s17;
	v9 =	vor.u32 $0x1, v1;
	v4 =	vld.idx.msk [tilespmem:v17+s18+$0x0], $0xffff  }
0x16b: {  	s11 =	sadd.s32 $0x20, s11;
	s5 =	sadd.s32 $0x20, s5;
	v0 =	vmov v16;
	v2 =	vld.idx.msk [tilespmem:v18+s18+$0x0], $0xffff  }
0x16c: {  	_ =	sdelay $0x3  }
0x16d: {  	v8 =	vshll.u32 v8, $0x2;
	v10 =	vld.idx.msk [tilespmem:v10+s18+$0x0], $0xffff;
	[tilespmem:s5+$0x0] =	vst v3;
	s8 =	sadd.s32 $0x16C00, s7  }
0x16e: {  	[tilespmem:s13+$0x15000] =	vst v7;
	v7 =	vld.idx.msk [tilespmem:v9+s18+$0x0], $0xffff;
	v9 =	vor.u32 $0x2, v1;
	s10 =	sor.u32 s6, s8  }
0x16f: {  	s9 =	sadd.s32 $0x18800, s7;
	v11 =	vor.u32 $0x1, v8;
	s8 =	sor.u32 s3, s8;
	[tilespmem:s10+$0x0] =	vst v6  }
0x170: {  	v3 =	vld.idx.msk [tilespmem:v1+s18+$0x0], $0xffff;
	s13 =	sadd.s32 $0x1A400, s7;
	v1 =	vor.u32 $0x3, v1;
	s14 =	sor.u32 s6, s9;
	[tilespmem:s8+$0x0] =	vst v0  }
0x171: {  	v12 =	vor.u32 $0x2, v8;
	s15 =	sor.u32 s6, s13;
	[tilespmem:s14+$0x0] =	vst v5  }
0x172: {  	v13 =	vor.u32 $0x3, v8;
	s16 =	sor.u32 s3, s9;
	[tilespmem:s15+$0x0] =	vst v4;
	v6 =	vld.idx.msk [tilespmem:v8+s18+$0x0], $0xffff  }
0x173: {  	s17 =	sor.u32 s3, s13;
	[tilespmem:s16+$0x0] =	vst v2;
	v2 =	vld.idx.msk [tilespmem:v9+s18+$0x0], $0xffff  }
0x174: {  	s21 =	sadd.s32 $0x20, s5;
	s22 =	sadd.s32 $0x16C00, s2;
	[tilespmem:s17+$0x0] =	vst v10;
	v5 =	vld.idx.msk [tilespmem:v11+s18+$0x0], $0xffff  }
0x175: {  	s3 =	sor.u32 s0, s22;
	v1 =	vld.idx.msk [tilespmem:v1+s18+$0x0], $0xffff;
	[tilespmem:s21+$0x0] =	vst v3  }
0x176: {  	s23 =	sadd.s32 $0x18800, s2;
	v4 =	vld.idx.msk [tilespmem:v12+s18+$0x0], $0xffff;
	[tilespmem:s3+$0x0] =	vst v7  }
0x177: {  	s7 =	sor.u32 s0, s23;
	v0 =	vld.idx.msk [tilespmem:v13+s18+$0x0], $0xffff;
	[tilespmem:s4+$0x15000] =	vst v6  }
0x178: {  	s26 =	sadd.s32 $0x1A400, s2;
	s25 =	sor.u32 s1, s22;
	[tilespmem:s7+$0x0] =	vst v2  }
0x179: {  	s8 =	sor.u32 s0, s26;
	[tilespmem:s25+$0x0] =	vst v5  }
0x17a: {  	s30 =	sor.u32 s1, s23;
	[tilespmem:s8+$0x0] =	vst v1  }
0x17b: {  	s6 =	sor.u32 s1, s26;
	[tilespmem:s30+$0x0] =	vst v4  }
0x17c: {  	[tilespmem:s6+$0x0] =	vst v0  }
0x17d: {  	s9 =	simm.s32 $0x15000;
	s1 =	rddreg [dreg:$0x1f]  }
0x17e: {  	[hbm4b:s1+s19] =	stream.strided.scatter [tilespmem:s9], [sflag:$0x6], $0x1800, s20, s19, $0x38;
	[tilespmem:$0x1C100] =	vst v63  }
0x17f: {  	s11 =	simm.s32 $0x16C00;
	s10 =	sadd.s32 $0x1C000, s1  }
0x180: {  	[hbm4b:s10+s19] =	stream.strided.scatter [tilespmem:s11], [sflag:$0x6], $0x1800, s20, s19, $0x38;
	[tilespmem:$0x1C100] =	vst v63  }
0x181: {  	s13 =	simm.s32 $0x18800;
	s12 =	sadd.s32 $0x38000, s1  }
0x182: {  	[hbm4b:s12+s19] =	stream.strided.scatter [tilespmem:s13], [sflag:$0x6], $0x1800, s20, s19, $0x38;
	[tilespmem:$0x1C100] =	vst v63  }
0x183: {  	s15 =	simm.s32 $0x1A400;
	s14 =	sadd.s32 $0x54000, s1  }
0x184: {  	[hbm4b:s14+s19] =	stream.strided.scatter [tilespmem:s15], [sflag:$0x6], $0x1800, s20, s19, $0x38;
	[tilespmem:$0x1C100] =	vst v63  }
0x185: {  	s17 =	simm.s32 $0x0;
	s18 =	simm.s32 $0x16800;
	s16 =	sadd.s32 $0x18000, s1  }
0x186: {  	[hbm4b:s16+s17] =	stream.linear.scatter [tilespmem:s18], [sflag:$0x6], $0x100, $0x38;
	[tilespmem:$0x1C100] =	vst v63  }
0x187: {  	s22 =	simm.s32 $0x18400;
	s21 =	sadd.s32 $0x34000, s1  }
0x188: {  	[hbm4b:s21+s17] =	stream.linear.scatter [tilespmem:s22], [sflag:$0x6], $0x100, $0x38;
	[tilespmem:$0x1C100] =	vst v63  }
0x189: {  	s25 =	simm.s32 $0x1A000;
	s23 =	sadd.s32 $0x50000, s1  }
0x18a: {  	[hbm4b:s23+s17] =	stream.linear.scatter [tilespmem:s25], [sflag:$0x6], $0x100, $0x38;
	[tilespmem:$0x1C100] =	vst v63  }
0x18b: {  	s30 =	simm.s32 $0x1BC00;
	s26 =	sadd.s32 $0x6C000, s1;
	s1 =	simm.s32 $0x1  }
0x18c: {  	[hbm4b:s26+s17] =	stream.linear.scatter [tilespmem:s30], [sflag:$0x6], $0x100, $0x38;
	[tilespmem:$0x1C100] =	vst v63  }
0x18d: {  	_ =	swait.ge [sflag:s1], $0x1900  }
0x18e: {  	s3 =	sld [smem:$0x7F7]  }
0x18f: {  	[sflag:s1] =	ssyncset.done $0x0  }
0x190: {  	s4 =	simm.s32 $0x1C00;
	[sflag:s1] =	ssyncadd.s32 $0xFFFFE700  }
0x191: {  	[tilespmem:s4], [sflag:$0x2] =	stream.strided.gather [hbm4b:s3+s19], $0x1800, s20, s19, $0x38;
	[tilespmem:$0x1C100] =	vst v63  }
0x192: {  	s5 =	simm.s32 $0x3400;
	s6 =	simm.s32 $0x5;
	s0 =	sadd.s32 $0x18000, s3  }
0x193: {  	[tilespmem:s5], [sflag:$0x2] =	stream.linear.gather [hbm4b:s0+s17], $0x100, $0x38;
	[tilespmem:$0x1C100] =	vst v63  }
0x194: {  	s7 =	sand.u32 $0x60, s17;
	_ =	swait.ge [sflag:s6], $0xC800  }
0x195: {  	s23 =	sand.u32 $0x1F80, s17;
	s25 =	sor.u32 $0x10, s7;
	[sflag:s6] =	ssyncset.done $0x0  }
0x196: {  	s26 =	sor.u32 s23, s25;
	[sflag:s6] =	ssyncadd.s32 $0xFFFF3800  }
0x197: {  	v0 =	vld [tilespmem:s26+$0x0];
	_ =	sdelay $0x4  }
0x198: {  	s29 =	simm.s32 $0x20;
	v0 =	vshll.u32 v0, $0x3  }
0x199: {  	s21 =	sand.u32 $0x60, s29;
	v4 =	vld [tilespmem:s17+$0x0];
	v1 =	vor.u32 $0x1, v0  }
0x19a: {  	s2 =	sor.u32 $0x10, s21;
	s0 =	sand.u32 $0x1F80, s29;
	v2 =	vor.u32 $0x2, v0  }
0x19b: {  	s4 =	sor.u32 s0, s2;
	v3 =	vor.u32 $0x3, v0  }
0x19c: {  	v14 =	vld [tilespmem:s4+$0x0];
	v5 =	vor.u32 $0x4, v0  }
0x19d: {  	v7 =	vor.u32 $0x5, v0;
	v6 =	vld.idx.msk [tilespmem:v0+s24+$0x0], $0xffff  }
0x19e: {  	v4 =	vshll.u32 v4, $0x3;
	v8 =	vor.u32 $0x6, v0;
	v1 =	vld.idx.msk [tilespmem:v1+s24+$0x0], $0xffff  }
0x19f: {  	v10 =	vor.u32 $0x5, v4;
	v2 =	vld.idx.msk [tilespmem:v2+s24+$0x0], $0xffff  }
0x1a0: {  	v0 =	vor.u32 $0x7, v0;
	v3 =	vld.idx.msk [tilespmem:v3+s24+$0x0], $0xffff  }
0x1a1: {  	v5 =	vld.idx.msk [tilespmem:v5+s24+$0x0], $0xffff  }
0x1a2: {  	v9 =	vor.u32 $0x7, v4;
	v7 =	vld.idx.msk [tilespmem:v7+s24+$0x0], $0xffff  }
0x1a3: {  	v16 =	vor.u32 $0x4, v4;
	v8 =	vld.idx.msk [tilespmem:v8+s24+$0x0], $0xffff  }
0x1a4: {  	s30 =	sadd.s32 $0x8C00, s23;
	v11 =	vor.u32 $0x1, v4;
	v17 =	vld.idx.msk [tilespmem:v10+s24+$0x0], $0xffff  }
0x1a5: {  	s9 =	sadd.s32 $0xA800, s23;
	s13 =	sor.u32 s25, s30;
	v61 =	vor.u32 $0x2, v4;
	v60 =	vld.idx.msk [tilespmem:v0+s24+$0x0], $0xffff;
	[tilespmem:s26+$0x7000] =	vst v6  }
0x1a6: {  	s28 =	simm.s32 $0x2;
	s14 =	sadd.s32 $0xC400, s23;
	s16 =	sor.u32 s25, s9;
	v15 =	vor.u32 $0x3, v4;
	v6 =	vld.idx.msk [tilespmem:v4+s24+$0x0], $0xffff;
	[tilespmem:s13+$0x0] =	vst v1  }
0x1a7: {  	s18 =	sor.u32 $0xE000, s23;
	s12 =	sadd.s32 $0xFC00, s23;
	s11 =	sor.u32 s25, s14;
	v0 =	vld.idx.msk [tilespmem:v9+s24+$0x0], $0xffff;
	v1 =	vor.u32 $0x6, v4;
	[tilespmem:s16+$0x0] =	vst v2  }
0x1a8: {  	s10 =	simm.s32 $0x40;
	s22 =	sor.u32 s25, s12;
	s20 =	sor.u32 s25, s18;
	v9 =	vld.idx.msk [tilespmem:v16+s24+$0x0], $0xffff;
	[tilespmem:s11+$0x0] =	vst v3  }
0x1a9: {  	s8 =	sor.u32 s7, s9;
	s9 =	sor.u32 s7, s14;
	s19 =	sadd.s32 $0x11800, s23;
	v2 =	vld.idx.msk [tilespmem:v11+s24+$0x0], $0xffff;
	v11 =	vshll.u32 v14, $0x3;
	[tilespmem:s20+$0x0] =	vst v5  }
0x1aa: {  	s12 =	sor.u32 s7, s12;
	s3 =	sadd.s32 $0x13400, s23;
	s15 =	sor.u32 s25, s19;
	v3 =	vld.idx.msk [tilespmem:v61+s24+$0x0], $0xffff;
	v14 =	vor.u32 $0x4, v11;
	[tilespmem:s22+$0x0] =	vst v7  }
0x1ab: {  	s1 =	sor.u32 s7, s30;
	s14 =	sor.u32 s7, s3;
	s17 =	simm.s32 $0x7000;
	v5 =	vor.u32 $0x1, v11;
	v7 =	vld.idx.msk [tilespmem:v15+s24+$0x0], $0xffff;
	[tilespmem:s15+$0x0] =	vst v8  }
0x1ac: {  	s5 =	sor.u32 s25, s3;
	s23 =	sadd.s32 $0xA800, s0;
	s25 =	sadd.s32 $0xC400, s0;
	v62 =	vor.u32 $0x3, v11;
	v4 =	vld.idx.msk [tilespmem:v1+s24+$0x0], $0xffff;
	[tilespmem:s17+$0x0] =	vst v6  }
0x1ad: {  	s30 =	sadd.s32 $0x11800, s0;
	s3 =	sor.u32 s21, s23;
	s6 =	sor.u32 s7, s18;
	v63 =	vld [tilespmem:s29+$0x0];
	v8 =	vor.u32 $0x2, v11;
	[tilespmem:s5+$0x0] =	vst v60  }
0x1ae: {  	s18 =	sor.u32 s7, s19;
	s26 =	sadd.s32 $0xFC00, s0;
	s16 =	sor.u32 $0xE000, s0;
	v1 =	vld.idx.msk [tilespmem:v11+s24+$0x0], $0xffff;
	[tilespmem:s1+$0x0] =	vst v2  }
0x1af: {  	s7 =	sor.u32 s21, s26;
	s11 =	sor.u32 s2, s23;
	s13 =	sor.u32 s2, s16;
	[tilespmem:s8+$0x0] =	vst v3;
	v6 =	vld.idx.msk [tilespmem:v14+s24+$0x0], $0xffff  }
0x1b0: {  	s31 =	sor.u32 s21, s16;
	s16 =	sor.u32 s21, s30;
	s22 =	sadd.s32 $0x13400, s0;
	v2 =	vld.idx.msk [tilespmem:v5+s24+$0x0], $0xffff;
	[tilespmem:s9+$0x0] =	vst v7  }
0x1b1: {  	v10 =	vor.u32 $0x5, v11;
	s15 =	sor.u32 s2, s25;
	s23 =	sor.u32 s2, s22;
	s19 =	sor.u32 s21, s22;
	v5 =	vld.idx.msk [tilespmem:v62+s24+$0x0], $0xffff;
	[tilespmem:s6+$0x0] =	vst v9  }
0x1b2: {  	s1 =	sor.u32 s2, s26;
	s8 =	sor.u32 s21, s25;
	s9 =	sor.u32 s2, s30;
	v7 =	vshll.u32 v63, $0x3;
	v3 =	vld.idx.msk [tilespmem:v8+s24+$0x0], $0xffff;
	v9 =	vor.u32 $0x6, v11;
	v8 =	vor.u32 $0x7, v11;
	[tilespmem:s12+$0x0] =	vst v17  }
.LBB2_10:
0x1b3: {  	[dreg:$0x13] =	wrdreg s3  }
0x1b4: {  	[dreg:$0x10] =	wrdreg s19  }
0x1b5: {  	[dreg:$0xf] =	wrdreg s16  }
0x1b6: {  	[dreg:$0x5] =	wrdreg s8;
	s20 =	sand.u32 $0x60, s10;
	v13 =	vor.u32 $0x7, v7;
	v10 =	vld.idx.msk [tilespmem:v10+s24+$0x0], $0xffff  }
0x1b7: {  	s28 =	sadd.s32 $0x2, s28;
	s8 =	sand.u32 $0x1F80, s10;
	v14 =	vor.u32 $0x5, v7;
	v9 =	vld.idx.msk [tilespmem:v9+s24+$0x0], $0xffff;
	s12 =	sor.u32 $0x10, s20  }
0x1b8: {  	v11 =	vor.u32 $0x1, v7;
	[tilespmem:s18+$0x0] =	vst v4;
	s17 =	sadd.s32 $0x20, s17;
	s0 =	sadd.s32 $0x8C00, s0;
	v8 =	vld.idx.msk [tilespmem:v8+s24+$0x0], $0xffff;
	s16 =	sor.u32 s8, s12  }
0x1b9: {  	v15 =	vor.u32 $0x3, v7;
	s3 =	simm.s32 $0x1C000;
	s29 =	sadd.s32 $0x20, s29;
	s10 =	sadd.s32 $0x20, s10;
	[tilespmem:s14+$0x0] =	vst v0;
	v16 =	vld [tilespmem:s16+$0x0]  }
0x1ba: {  	v12 =	vor.u32 $0x4, v7;
	p0 =	slt.u32 s28, $0x18E;
	s18 =	sadd.s32 $0xA800, s8;
	s5 =	sadd.s32 $0xC400, s8;
	[tilespmem:s4+$0x7000] =	vst v1;
	v1 =	vld.idx.msk [tilespmem:v7+s24+$0x0], $0xffff  }
0x1bb: {  	v4 =	vor.u32 $0x2, v7;
	s2 =	sor.u32 s2, s0;
	s6 =	sadd.s32 $0x11800, s8;
	s19 =	sor.u32 s12, s18;
	v0 =	vld.idx.msk [tilespmem:v13+s3+$0x0], $0xffff  }
0x1bc: {  	s22 =	sor.u32 s12, s5;
	s30 =	sor.u32 s12, s6;
	s14 =	sor.u32 s20, s18;
	v7 =	vor.u32 $0x6, v7;
	v61 =	vld.idx.msk [tilespmem:v14+s3+$0x0], $0xffff  }
0x1bd: {  	s5 =	sor.u32 s20, s5;
	s6 =	sor.u32 s20, s6;
	s4 =	sor.u32 $0xE000, s8;
	[tilespmem:s2+$0x0] =	vst v2;
	v2 =	vld.idx.msk [tilespmem:v11+s3+$0x0], $0xffff  }
0x1be: {  	s24 =	sor.u32 s21, s0;
	s21 =	sadd.s32 $0x13400, s8;
	s2 =	sadd.s32 $0xFC00, s8;
	v11 =	vld.idx.msk [tilespmem:v15+s3+$0x0], $0xffff;
	[tilespmem:s11+$0x0] =	vst v3  }
0x1bf: {  	s25 =	sor.u32 s12, s4;
	s18 =	sor.u32 s12, s21;
	s4 =	sor.u32 s20, s4;
	v12 =	vld.idx.msk [tilespmem:v12+s3+$0x0], $0xffff;
	[tilespmem:s15+$0x0] =	vst v5  }
0x1c0: {  	s26 =	sor.u32 s12, s2;
	s0 =	sor.u32 s20, s2;
	v3 =	vld.idx.msk [tilespmem:v4+s3+$0x0], $0xffff;
	s2 =	sor.u32 s20, s21;
	[tilespmem:s13+$0x0] =	vst v6;
	v5 =	vshll.u32 v16, $0x3  }
0x1c1: {  	s21 =	smov.u32 s20;
	s20 =	smov.u32 s8;
	s8 =	smov.u32 s12;
	[tilespmem:s1+$0x0] =	vst v10;
	v6 =	vor.u32 $0x1, v5;
	v4 =	vld.idx.msk [tilespmem:v7+s3+$0x0], $0xffff  }
0x1c2: {  	s12 =	smov.u32 s16;
	s11 =	smov.u32 s19;
	s16 =	smov.u32 s6;
	v62 =	vor.u32 $0x2, v5;
	v7 =	vld [tilespmem:s29+$0x0];
	[tilespmem:s17+$0x0] =	vst v1  }
0x1c3: {  	s15 =	smov.u32 s22;
	s22 =	rddreg [dreg:$0xf];
	s19 =	smov.u32 s2;
	v63 =	vor.u32 $0x3, v5;
	[tilespmem:s9+$0x0] =	vst v9  }
0x1c4: {  	s2 =	smov.u32 s8;
	s8 =	smov.u32 s5;
	s13 =	smov.u32 s25;
	v16 =	vor.u32 $0x4, v5;
	[tilespmem:s23+$0x0] =	vst v8  }
.Ltmp4:
0x1c5: {  	s25 =	rddreg [dreg:$0x13];
	[tilespmem:s24+$0x0] =	vst v2;
	s24 =	simm.s32 $0x1C000;
	v1 =	vld.idx.msk [tilespmem:v5+s3+$0x0], $0xffff;
	(pc) =	sbr.rel @p0 .LBB2_10-.Ltmp4, $4  }
0x1c6: {  	s1 =	smov.u32 s26;
	s9 =	smov.u32 s30;
	s30 =	rddreg [dreg:$0x5];
	[tilespmem:s25+$0x0] =	vst v3;
	v2 =	vld.idx.msk [tilespmem:v6+s24+$0x0], $0xffff  }
0x1c7: {  	s26 =	rddreg [dreg:$0x10];
	s23 =	smov.u32 s18;
	s18 =	smov.u32 s22;
	[tilespmem:s30+$0x0] =	vst v11;
	v3 =	vld.idx.msk [tilespmem:v62+s24+$0x0], $0xffff  }
0x1c8: {  	v10 =	vor.u32 $0x5, v5;
	v9 =	vor.u32 $0x6, v5;
	v8 =	vor.u32 $0x7, v5;
	s3 =	smov.u32 s14;
	s14 =	smov.u32 s26;
	[tilespmem:s31+$0x0] =	vst v12;
	s31 =	smov.u32 s4;
	v5 =	vld.idx.msk [tilespmem:v63+s24+$0x0], $0xffff  }
0x1c9: {  	s4 =	smov.u32 s12;
	v7 =	vshll.u32 v7, $0x3;
	v6 =	vld.idx.msk [tilespmem:v16+s24+$0x0], $0xffff;
	[tilespmem:s7+$0x0] =	vst v61;
	s7 =	smov.u32 s0;
	s0 =	smov.u32 s20  }
0x1ca: {  	_ =	sdelay $0x3  }
0x1cb: {  	v11 =	vor.u32 $0x7, v7;
	v10 =	vld.idx.msk [tilespmem:v10+s24+$0x0], $0xffff  }
0x1cc: {  	v12 =	vor.u32 $0x5, v7;
	[tilespmem:s18+$0x0] =	vst v4;
	v9 =	vld.idx.msk [tilespmem:v9+s24+$0x0], $0xffff  }
0x1cd: {  	v4 =	vor.u32 $0x1, v7;
	s0 =	sadd.s32 $0x8C00, s0;
	v8 =	vld.idx.msk [tilespmem:v8+s24+$0x0], $0xffff;
	[tilespmem:s4+$0x7000] =	vst v1  }
0x1ce: {  	[tilespmem:s14+$0x0] =	vst v0;
	v0 =	vor.u32 $0x2, v7;
	s2 =	sor.u32 s2, s0  }
0x1cf: {  	v1 =	vor.u32 $0x3, v7;
	v13 =	vld.idx.msk [tilespmem:v7+s24+$0x0], $0xffff;
	[tilespmem:s2+$0x0] =	vst v2  }
0x1d0: {  	v2 =	vor.u32 $0x4, v7;
	[tilespmem:s11+$0x0] =	vst v3;
	v11 =	vld.idx.msk [tilespmem:v11+s24+$0x0], $0xffff  }
0x1d1: {  	v3 =	vor.u32 $0x6, v7;
	[tilespmem:s15+$0x0] =	vst v5;
	v7 =	vld.idx.msk [tilespmem:v12+s24+$0x0], $0xffff  }
0x1d2: {  	v4 =	vld.idx.msk [tilespmem:v4+s24+$0x0], $0xffff;
	[tilespmem:s13+$0x0] =	vst v6  }
0x1d3: {  	v0 =	vld.idx.msk [tilespmem:v0+s24+$0x0], $0xffff;
	[tilespmem:s1+$0x0] =	vst v10  }
0x1d4: {  	v1 =	vld.idx.msk [tilespmem:v1+s24+$0x0], $0xffff;
	[tilespmem:s9+$0x0] =	vst v9  }
0x1d5: {  	s14 =	sadd.s32 $0x20, s17;
	v2 =	vld.idx.msk [tilespmem:v2+s24+$0x0], $0xffff;
	[tilespmem:s23+$0x0] =	vst v8  }
0x1d6: {  	s0 =	sor.u32 s21, s0;
	v3 =	vld.idx.msk [tilespmem:v3+s24+$0x0], $0xffff;
	[tilespmem:s14+$0x0] =	vst v13  }
0x1d7: {  	[tilespmem:s0+$0x0] =	vst v4  }
0x1d8: {  	[tilespmem:s3+$0x0] =	vst v0  }
0x1d9: {  	[tilespmem:s8+$0x0] =	vst v1  }
0x1da: {  	[tilespmem:s31+$0x0] =	vst v2  }
0x1db: {  	[tilespmem:s7+$0x0] =	vst v7  }
0x1dc: {  	[tilespmem:s16+$0x0] =	vst v3  }
0x1dd: {  	[tilespmem:s19+$0x0] =	vst v11  }
0x1de: {  	s2 =	sld [smem:$0x7F8];
	_ =	sdelay $0x1  }
0x1df: {  	s20 =	simm.s32 $0x20000;
	s15 =	simm.s32 $0x7000;
	s19 =	simm.s32 $0x400  }
0x1e0: {  	[hbm4b:s2+s19] =	stream.strided.scatter [tilespmem:s15], [sflag:$0x5], $0x1800, s20, s19, $0x38;
	[tilespmem:$0x1C100] =	vst v63  }
0x1e1: {  	s17 =	simm.s32 $0x8C00;
	s16 =	sadd.s32 $0x1C000, s2  }
0x1e2: {  	[hbm4b:s16+s19] =	stream.strided.scatter [tilespmem:s17], [sflag:$0x5], $0x1800, s20, s19, $0x38;
	[tilespmem:$0x1C100] =	vst v63  }
0x1e3: {  	s21 =	simm.s32 $0xA800;
	s18 =	sadd.s32 $0x38000, s2  }
0x1e4: {  	[hbm4b:s18+s19] =	stream.strided.scatter [tilespmem:s21], [sflag:$0x5], $0x1800, s20, s19, $0x38;
	[tilespmem:$0x1C100] =	vst v63  }
0x1e5: {  	s23 =	simm.s32 $0xC400;
	s22 =	sadd.s32 $0x54000, s2  }
0x1e6: {  	[hbm4b:s22+s19] =	stream.strided.scatter [tilespmem:s23], [sflag:$0x5], $0x1800, s20, s19, $0x38;
	[tilespmem:$0x1C100] =	vst v63  }
0x1e7: {  	s26 =	simm.s32 $0xE000;
	s25 =	sadd.s32 $0x70000, s2  }
0x1e8: {  	[hbm4b:s25+s19] =	stream.strided.scatter [tilespmem:s26], [sflag:$0x5], $0x1800, s20, s19, $0x38;
	[tilespmem:$0x1C100] =	vst v63  }
0x1e9: {  	s29 =	simm.s32 $0xFC00;
	s28 =	sadd.s32 $0x8C000, s2  }
0x1ea: {  	[hbm4b:s28+s19] =	stream.strided.scatter [tilespmem:s29], [sflag:$0x5], $0x1800, s20, s19, $0x38;
	[tilespmem:$0x1C100] =	vst v63  }
0x1eb: {  	s31 =	simm.s32 $0x11800;
	s30 =	sadd.s32 $0xA8000, s2  }
0x1ec: {  	[hbm4b:s30+s19] =	stream.strided.scatter [tilespmem:s31], [sflag:$0x5], $0x1800, s20, s19, $0x38;
	[tilespmem:$0x1C100] =	vst v63  }
0x1ed: {  	s3 =	simm.s32 $0x13400;
	s1 =	sadd.s32 $0xC4000, s2  }
0x1ee: {  	[hbm4b:s1+s19] =	stream.strided.scatter [tilespmem:s3], [sflag:$0x5], $0x1800, s20, s19, $0x38;
	[tilespmem:$0x1C100] =	vst v63  }
0x1ef: {  	s5 =	simm.s32 $0x0;
	s6 =	simm.s32 $0x8800;
	s4 =	sadd.s32 $0x18000, s2  }
0x1f0: {  	[hbm4b:s4+s5] =	stream.linear.scatter [tilespmem:s6], [sflag:$0x5], $0x100, $0x38;
	[tilespmem:$0x1C100] =	vst v63  }
0x1f1: {  	s8 =	simm.s32 $0xA400;
	s7 =	sadd.s32 $0x34000, s2  }
0x1f2: {  	[hbm4b:s7+s5] =	stream.linear.scatter [tilespmem:s8], [sflag:$0x5], $0x100, $0x38;
	[tilespmem:$0x1C100] =	vst v63  }
0x1f3: {  	s10 =	simm.s32 $0xC000;
	s9 =	sadd.s32 $0x50000, s2  }
0x1f4: {  	[hbm4b:s9+s5] =	stream.linear.scatter [tilespmem:s10], [sflag:$0x5], $0x100, $0x38;
	[tilespmem:$0x1C100] =	vst v63  }
0x1f5: {  	s12 =	simm.s32 $0xDC00;
	s11 =	sadd.s32 $0x6C000, s2  }
0x1f6: {  	[hbm4b:s11+s5] =	stream.linear.scatter [tilespmem:s12], [sflag:$0x5], $0x100, $0x38;
	[tilespmem:$0x1C100] =	vst v63  }
0x1f7: {  	s14 =	simm.s32 $0xF800;
	s13 =	sadd.s32 $0x88000, s2  }
0x1f8: {  	[hbm4b:s13+s5] =	stream.linear.scatter [tilespmem:s14], [sflag:$0x5], $0x100, $0x38;
	[tilespmem:$0x1C100] =	vst v63  }
0x1f9: {  	s15 =	sadd.s32 $0xA4000, s2;
	s16 =	simm.s32 $0x11400  }
0x1fa: {  	[hbm4b:s15+s5] =	stream.linear.scatter [tilespmem:s16], [sflag:$0x5], $0x100, $0x38;
	[tilespmem:$0x1C100] =	vst v63  }
0x1fb: {  	s17 =	sadd.s32 $0xC0000, s2;
	s18 =	simm.s32 $0x13000  }
0x1fc: {  	[hbm4b:s17+s5] =	stream.linear.scatter [tilespmem:s18], [sflag:$0x5], $0x100, $0x38;
	[tilespmem:$0x1C100] =	vst v63  }
0x1fd: {  	s21 =	sadd.s32 $0xDC000, s2;
	s22 =	simm.s32 $0x14C00;
	s23 =	simm.s32 $0x3  }
0x1fe: {  	[hbm4b:s21+s5] =	stream.linear.scatter [tilespmem:s22], [sflag:$0x5], $0x100, $0x38;
	[tilespmem:$0x1C100] =	vst v63  }
0x1ff: {  	_ =	swait.ge [sflag:s23], $0x1900  }
0x200: {  	s25 =	sld [smem:$0x7F9]  }
0x201: {  	[sflag:s23] =	ssyncset.done $0x0  }
0x202: {  	s26 =	simm.s32 $0x5400;
	[sflag:s23] =	ssyncadd.s32 $0xFFFFE700  }
0x203: {  	[tilespmem:s26], [sflag:$0x4] =	stream.strided.gather [hbm4b:s25+s19], $0x1800, s20, s19, $0x38;
	[tilespmem:$0x1C100] =	vst v63  }
0x204: {  	s28 =	simm.s32 $0x6C00;
	s29 =	simm.s32 $0x6;
	s0 =	sadd.s32 $0x18000, s25  }
0x205: {  	[tilespmem:s28], [sflag:$0x4] =	stream.linear.gather [hbm4b:s0+s5], $0x100, $0x38;
	[tilespmem:$0x1C100] =	vst v63  }
0x206: {  	_ =	swait.ge [sflag:s29], $0x6400  }
0x207: {  	s30 =	simm.s32 $0x3800;
	s3 =	sand.u32 $0x60, s5;
	[sflag:s29] =	ssyncset.done $0x0  }
0x208: {  	s6 =	sor.u32 $0x10, s3;
	s7 =	sand.u32 $0x1F80, s5;
	[sflag:s29] =	ssyncadd.s32 $0xFFFF9C00  }
0x209: {  	s13 =	sor.u32 s7, s6;
	v0 =	vld [tilespmem:s30+$0x0]  }
0x20a: {  	v1 =	vld [tilespmem:s13+$0x3800];
	_ =	sdelay $0x3  }
0x20b: {  	s31 =	simm.s32 $0x20;
	v2 =	vshll.u32 v0, $0x2  }
0x20c: {  	s0 =	sand.u32 $0x60, s31;
	v1 =	vshll.u32 v1, $0x2  }
0x20d: {  	s2 =	sand.u32 $0x1F80, s31;
	s9 =	simm.s32 $0x3820;
	s1 =	sor.u32 $0x10, s0;
	v0 =	vor.u32 $0x1, v2  }
0x20e: {  	s4 =	sor.u32 s2, s1;
	v4 =	vld [tilespmem:s9+$0x0];
	v10 =	vor.u32 $0x3, v1  }
0x20f: {  	s18 =	simm.s32 $0x1C080;
	v8 =	vld [tilespmem:s4+$0x3800];
	v5 =	vor.u32 $0x1, v1  }
0x210: {  	v9 =	vor.u32 $0x2, v1;
	v3 =	vld.idx.msk [tilespmem:v2+s18+$0x0], $0xffff  }
0x211: {  	v11 =	vor.u32 $0x2, v2;
	v7 =	vld.idx.msk [tilespmem:v1+s18+$0x0], $0xffff  }
0x212: {  	v0 =	vld.idx.msk [tilespmem:v0+s18+$0x0], $0xffff  }
0x213: {  	v1 =	vshll.u32 v4, $0x2;
	v4 =	vld.idx.msk [tilespmem:v10+s18+$0x0], $0xffff;
	v10 =	vor.u32 $0x3, v2  }
0x214: {  	v6 =	vld.idx.msk [tilespmem:v5+s18+$0x0], $0xffff  }
0x215: {  	v5 =	vld.idx.msk [tilespmem:v9+s18+$0x0], $0xffff  }
0x216: {  	s10 =	simm.s32 $0x2;
	s11 =	simm.s32 $0x40;
	s5 =	simm.s32 $0x15000;
	v9 =	vor.u32 $0x1, v1;
	v2 =	vld.idx.msk [tilespmem:v11+s18+$0x0], $0xffff  }
.LBB2_12:
0x217: {  	s8 =	sand.u32 $0x1F80, s11  }
0x218: {  	v11 =	vshll.u32 v8, $0x2;
	s9 =	sadd.s32 $0x20, s9;
	v12 =	vld.idx.msk [tilespmem:v10+s18+$0x0], $0xffff;
	[tilespmem:s5+$0x0] =	vst v3;
	s12 =	sadd.s32 $0x16C00, s7;
	s14 =	sand.u32 $0x60, s11  }
0x219: {  	s15 =	sadd.s32 $0x18800, s7;
	s7 =	sadd.s32 $0x1A400, s7;
	v13 =	vld [tilespmem:s9+$0x0];
	v14 =	vor.u32 $0x1, v11;
	[tilespmem:s13+$0x15000] =	vst v7;
	s13 =	sor.u32 s6, s12  }
0x21a: {  	s10 =	sadd.s32 $0x2, s10;
	s16 =	sor.u32 $0x10, s14;
	v15 =	vor.u32 $0x2, v11;
	v3 =	vld.idx.msk [tilespmem:v1+s18+$0x0], $0xffff;
	[tilespmem:s13+$0x0] =	vst v6;
	s13 =	sor.u32 s6, s15  }
0x21b: {  	v17 =	vor.u32 $0x3, v11;
	s12 =	sor.u32 s3, s12;
	s17 =	sor.u32 s8, s16;
	s6 =	sor.u32 s6, s7;
	v16 =	vld.idx.msk [tilespmem:v9+s18+$0x0], $0xffff;
	[tilespmem:s13+$0x0] =	vst v5  }
0x21c: {  	v18 =	vor.u32 $0x2, v1;
	p0 =	slt.u32 s10, $0x18E;
	s13 =	sor.u32 s3, s15;
	s15 =	sor.u32 s3, s7;
	v8 =	vld [tilespmem:s17+$0x3800];
	[tilespmem:s6+$0x0] =	vst v4  }
.Ltmp5:
0x21d: {  	v10 =	vor.u32 $0x3, v1;
	s7 =	smov.u32 s2;
	v7 =	vld.idx.msk [tilespmem:v11+s18+$0x0], $0xffff;
	[tilespmem:s12+$0x0] =	vst v0;
	(pc) =	sbr.rel @p0 .LBB2_12-.Ltmp5, $4  }
0x21e: {  	s2 =	smov.u32 s8;
	s3 =	smov.u32 s0;
	s0 =	smov.u32 s14;
	v6 =	vld.idx.msk [tilespmem:v14+s18+$0x0], $0xffff;
	[tilespmem:s13+$0x0] =	vst v2  }
0x21f: {  	s6 =	smov.u32 s1;
	s1 =	smov.u32 s16;
	v1 =	vshll.u32 v13, $0x2;
	s13 =	smov.u32 s4;
	v5 =	vld.idx.msk [tilespmem:v15+s18+$0x0], $0xffff;
	[tilespmem:s15+$0x0] =	vst v12  }
0x220: {  	s4 =	smov.u32 s17;
	v9 =	vor.u32 $0x1, v1;
	v4 =	vld.idx.msk [tilespmem:v17+s18+$0x0], $0xffff  }
0x221: {  	s11 =	sadd.s32 $0x20, s11;
	s5 =	sadd.s32 $0x20, s5;
	v0 =	vmov v16;
	v2 =	vld.idx.msk [tilespmem:v18+s18+$0x0], $0xffff  }
0x222: {  	_ =	sdelay $0x3  }
0x223: {  	v8 =	vshll.u32 v8, $0x2;
	v10 =	vld.idx.msk [tilespmem:v10+s18+$0x0], $0xffff;
	[tilespmem:s5+$0x0] =	vst v3;
	s8 =	sadd.s32 $0x16C00, s7  }
0x224: {  	[tilespmem:s13+$0x15000] =	vst v7;
	v7 =	vld.idx.msk [tilespmem:v9+s18+$0x0], $0xffff;
	v9 =	vor.u32 $0x2, v1;
	s10 =	sor.u32 s6, s8  }
0x225: {  	s9 =	sadd.s32 $0x18800, s7;
	v11 =	vor.u32 $0x1, v8;
	s8 =	sor.u32 s3, s8;
	[tilespmem:s10+$0x0] =	vst v6  }
0x226: {  	v3 =	vld.idx.msk [tilespmem:v1+s18+$0x0], $0xffff;
	s17 =	sadd.s32 $0x1A400, s7;
	v1 =	vor.u32 $0x3, v1;
	s21 =	sor.u32 s6, s9;
	[tilespmem:s8+$0x0] =	vst v0  }
0x227: {  	v12 =	vor.u32 $0x2, v8;
	s22 =	sor.u32 s6, s17;
	[tilespmem:s21+$0x0] =	vst v5  }
0x228: {  	v13 =	vor.u32 $0x3, v8;
	s23 =	sor.u32 s3, s9;
	[tilespmem:s22+$0x0] =	vst v4;
	v6 =	vld.idx.msk [tilespmem:v8+s18+$0x0], $0xffff  }
0x229: {  	s25 =	sor.u32 s3, s17;
	[tilespmem:s23+$0x0] =	vst v2;
	v2 =	vld.idx.msk [tilespmem:v9+s18+$0x0], $0xffff  }
0x22a: {  	s26 =	sadd.s32 $0x20, s5;
	s29 =	sadd.s32 $0x16C00, s2;
	[tilespmem:s25+$0x0] =	vst v10;
	v5 =	vld.idx.msk [tilespmem:v11+s18+$0x0], $0xffff  }
0x22b: {  	s3 =	sor.u32 s0, s29;
	v1 =	vld.idx.msk [tilespmem:v1+s18+$0x0], $0xffff;
	[tilespmem:s26+$0x0] =	vst v3  }
0x22c: {  	s30 =	sadd.s32 $0x18800, s2;
	v4 =	vld.idx.msk [tilespmem:v12+s18+$0x0], $0xffff;
	[tilespmem:s3+$0x0] =	vst v7  }
0x22d: {  	s10 =	sor.u32 s0, s30;
	v0 =	vld.idx.msk [tilespmem:v13+s18+$0x0], $0xffff;
	[tilespmem:s4+$0x15000] =	vst v6  }
0x22e: {  	s7 =	sadd.s32 $0x1A400, s2;
	s6 =	sor.u32 s1, s29;
	[tilespmem:s10+$0x0] =	vst v2  }
0x22f: {  	s11 =	sor.u32 s0, s7;
	[tilespmem:s6+$0x0] =	vst v5  }
0x230: {  	s8 =	sor.u32 s1, s30;
	[tilespmem:s11+$0x0] =	vst v1  }
0x231: {  	s9 =	sor.u32 s1, s7;
	[tilespmem:s8+$0x0] =	vst v4  }
0x232: {  	[tilespmem:s9+$0x0] =	vst v0  }
0x233: {  	s1 =	sld [smem:$0x7FA];
	_ =	sdelay $0x1  }
0x234: {  	s12 =	simm.s32 $0x15000  }
0x235: {  	[hbm4b:s1+s19] =	stream.strided.scatter [tilespmem:s12], [sflag:$0x6], $0x1800, s20, s19, $0x38;
	[tilespmem:$0x1C100] =	vst v63  }
0x236: {  	s14 =	simm.s32 $0x16C00;
	s13 =	sadd.s32 $0x1C000, s1  }
0x237: {  	[hbm4b:s13+s19] =	stream.strided.scatter [tilespmem:s14], [sflag:$0x6], $0x1800, s20, s19, $0x38;
	[tilespmem:$0x1C100] =	vst v63  }
0x238: {  	s16 =	simm.s32 $0x18800;
	s15 =	sadd.s32 $0x38000, s1  }
0x239: {  	[hbm4b:s15+s19] =	stream.strided.scatter [tilespmem:s16], [sflag:$0x6], $0x1800, s20, s19, $0x38;
	[tilespmem:$0x1C100] =	vst v63  }
0x23a: {  	s18 =	simm.s32 $0x1A400;
	s17 =	sadd.s32 $0x54000, s1  }
0x23b: {  	[hbm4b:s17+s19] =	stream.strided.scatter [tilespmem:s18], [sflag:$0x6], $0x1800, s20, s19, $0x38;
	[tilespmem:$0x1C100] =	vst v63  }
0x23c: {  	s22 =	simm.s32 $0x0;
	s23 =	simm.s32 $0x16800;
	s21 =	sadd.s32 $0x18000, s1  }
0x23d: {  	[hbm4b:s21+s22] =	stream.linear.scatter [tilespmem:s23], [sflag:$0x6], $0x100, $0x38;
	[tilespmem:$0x1C100] =	vst v63  }
0x23e: {  	s26 =	simm.s32 $0x18400;
	s25 =	sadd.s32 $0x34000, s1  }
0x23f: {  	[hbm4b:s25+s22] =	stream.linear.scatter [tilespmem:s26], [sflag:$0x6], $0x100, $0x38;
	[tilespmem:$0x1C100] =	vst v63  }
0x240: {  	s30 =	simm.s32 $0x1A000;
	s29 =	sadd.s32 $0x50000, s1  }
0x241: {  	[hbm4b:s29+s22] =	stream.linear.scatter [tilespmem:s30], [sflag:$0x6], $0x100, $0x38;
	[tilespmem:$0x1C100] =	vst v63  }
0x242: {  	s3 =	simm.s32 $0x1BC00;
	s4 =	simm.s32 $0x2;
	s1 =	sadd.s32 $0x6C000, s1  }
0x243: {  	[hbm4b:s1+s22] =	stream.linear.scatter [tilespmem:s3], [sflag:$0x6], $0x100, $0x38;
	[tilespmem:$0x1C100] =	vst v63  }
0x244: {  	_ =	swait.ge [sflag:s4], $0x1900  }
0x245: {  	[sflag:s4] =	ssyncset.done $0x0  }
0x246: {  	s5 =	simm.s32 $0x5;
	[sflag:s4] =	ssyncadd.s32 $0xFFFFE700  }
0x247: {  	s6 =	sand.u32 $0x60, s22;
	_ =	swait.ge [sflag:s5], $0xC800  }
0x248: {  	s8 =	sand.u32 $0x1F80, s22;
	s10 =	sor.u32 $0x10, s6;
	[sflag:s5] =	ssyncset.done $0x0  }
0x249: {  	s12 =	sor.u32 s8, s10;
	[sflag:s5] =	ssyncadd.s32 $0xFFFF3800  }
0x24a: {  	v0 =	vld [tilespmem:s12+$0x1C00];
	_ =	sdelay $0x4  }
0x24b: {  	s13 =	simm.s32 $0x1C00;
	s14 =	simm.s32 $0x20;
	v0 =	vshll.u32 v0, $0x3  }
0x24c: {  	s25 =	sand.u32 $0x60, s14;
	v4 =	vld [tilespmem:s13+$0x0];
	v1 =	vor.u32 $0x1, v0  }
0x24d: {  	s0 =	sand.u32 $0x1F80, s14;
	s22 =	sor.u32 $0x10, s25;
	v2 =	vor.u32 $0x2, v0  }
0x24e: {  	s26 =	sor.u32 s0, s22;
	v3 =	vor.u32 $0x3, v0  }
0x24f: {  	v14 =	vld [tilespmem:s26+$0x1C00];
	v5 =	vor.u32 $0x4, v0  }
0x250: {  	v7 =	vor.u32 $0x5, v0;
	v6 =	vld.idx.msk [tilespmem:v0+s24+$0x0], $0xffff  }
0x251: {  	v4 =	vshll.u32 v4, $0x3;
	v8 =	vor.u32 $0x6, v0;
	v1 =	vld.idx.msk [tilespmem:v1+s24+$0x0], $0xffff  }
0x252: {  	v10 =	vor.u32 $0x5, v4;
	v2 =	vld.idx.msk [tilespmem:v2+s24+$0x0], $0xffff  }
0x253: {  	v0 =	vor.u32 $0x7, v0;
	v3 =	vld.idx.msk [tilespmem:v3+s24+$0x0], $0xffff  }
0x254: {  	v5 =	vld.idx.msk [tilespmem:v5+s24+$0x0], $0xffff  }
0x255: {  	v9 =	vor.u32 $0x7, v4;
	v7 =	vld.idx.msk [tilespmem:v7+s24+$0x0], $0xffff  }
0x256: {  	v16 =	vor.u32 $0x4, v4;
	v8 =	vld.idx.msk [tilespmem:v8+s24+$0x0], $0xffff  }
0x257: {  	s15 =	sadd.s32 $0x8C00, s8;
	v11 =	vor.u32 $0x1, v4;
	v17 =	vld.idx.msk [tilespmem:v10+s24+$0x0], $0xffff  }
0x258: {  	s31 =	simm.s32 $0x2;
	s16 =	sadd.s32 $0xA800, s8;
	s18 =	sor.u32 s10, s15;
	v61 =	vor.u32 $0x2, v4;
	v60 =	vld.idx.msk [tilespmem:v0+s24+$0x0], $0xffff;
	[tilespmem:s12+$0x7000] =	vst v6  }
0x259: {  	s28 =	simm.s32 $0x1C20;
	s19 =	sadd.s32 $0xC400, s8;
	s20 =	sor.u32 s10, s16;
	v15 =	vor.u32 $0x3, v4;
	v6 =	vld.idx.msk [tilespmem:v4+s24+$0x0], $0xffff;
	[tilespmem:s18+$0x0] =	vst v1  }
0x25a: {  	s11 =	sadd.s32 $0xFC00, s8;
	s21 =	sor.u32 $0xE000, s8;
	s23 =	sor.u32 s10, s19;
	v0 =	vld.idx.msk [tilespmem:v9+s24+$0x0], $0xffff;
	v1 =	vor.u32 $0x6, v4;
	[tilespmem:s20+$0x0] =	vst v2  }
0x25b: {  	s7 =	sor.u32 s6, s16;
	s17 =	simm.s32 $0x7000;
	s29 =	sor.u32 s10, s21;
	v9 =	vld.idx.msk [tilespmem:v16+s24+$0x0], $0xffff;
	[tilespmem:s23+$0x0] =	vst v3  }
0x25c: {  	s16 =	sor.u32 s6, s11;
	s30 =	sor.u32 s10, s11;
	s12 =	sadd.s32 $0x11800, s8;
	v2 =	vld.idx.msk [tilespmem:v11+s24+$0x0], $0xffff;
	v11 =	vshll.u32 v14, $0x3;
	[tilespmem:s29+$0x0] =	vst v5  }
0x25d: {  	s3 =	sadd.s32 $0x13400, s8;
	s1 =	sor.u32 s6, s15;
	s4 =	sor.u32 s10, s12;
	v3 =	vld.idx.msk [tilespmem:v61+s24+$0x0], $0xffff;
	v14 =	vor.u32 $0x4, v11;
	[tilespmem:s30+$0x0] =	vst v7  }
0x25e: {  	s2 =	sor.u32 s10, s3;
	s14 =	sor.u32 s6, s3;
	s5 =	sadd.s32 $0xA800, s0;
	v5 =	vor.u32 $0x1, v11;
	v7 =	vld.idx.msk [tilespmem:v15+s24+$0x0], $0xffff;
	[tilespmem:s4+$0x0] =	vst v8  }
0x25f: {  	s11 =	sor.u32 s22, s5;
	s8 =	sor.u32 s6, s19;
	s19 =	sor.u32 $0xE000, s0;
	v62 =	vor.u32 $0x3, v11;
	v4 =	vld.idx.msk [tilespmem:v1+s24+$0x0], $0xffff;
	[tilespmem:s17+$0x0] =	vst v6  }
0x260: {  	v63 =	vld [tilespmem:s28+$0x0];
	s10 =	sor.u32 s6, s21;
	s18 =	sor.u32 s6, s12;
	s12 =	sadd.s32 $0xC400, s0;
	v8 =	vor.u32 $0x2, v11;
	[tilespmem:s2+$0x0] =	vst v60  }
0x261: {  	s13 =	sor.u32 s22, s19;
	s21 =	sor.u32 s25, s5;
	s15 =	sor.u32 s22, s12;
	v1 =	vld.idx.msk [tilespmem:v11+s24+$0x0], $0xffff;
	[tilespmem:s1+$0x0] =	vst v2  }
0x262: {  	s20 =	sadd.s32 $0xFC00, s0;
	s23 =	sor.u32 s25, s19;
	s29 =	sadd.s32 $0x11800, s0;
	[tilespmem:s7+$0x0] =	vst v3;
	v6 =	vld.idx.msk [tilespmem:v14+s24+$0x0], $0xffff  }
0x263: {  	s6 =	sor.u32 s25, s20;
	s30 =	sadd.s32 $0x13400, s0;
	s9 =	sor.u32 s22, s29;
	v2 =	vld.idx.msk [tilespmem:v5+s24+$0x0], $0xffff;
	[tilespmem:s8+$0x0] =	vst v7  }
0x264: {  	v10 =	vor.u32 $0x5, v11;
	s4 =	sor.u32 s25, s12;
	s12 =	sor.u32 s25, s29;
	s19 =	sor.u32 s25, s30;
	v5 =	vld.idx.msk [tilespmem:v62+s24+$0x0], $0xffff;
	[tilespmem:s10+$0x0] =	vst v9  }
0x265: {  	s1 =	sor.u32 s22, s20;
	s7 =	sor.u32 s22, s30;
	v7 =	vshll.u32 v63, $0x3;
	v3 =	vld.idx.msk [tilespmem:v8+s24+$0x0], $0xffff;
	v9 =	vor.u32 $0x6, v11;
	v8 =	vor.u32 $0x7, v11;
	s10 =	simm.s32 $0x40;
	[tilespmem:s16+$0x0] =	vst v17  }
.LBB2_14:
0x266: {  	[dreg:$0x11] =	wrdreg s19  }
0x267: {  	[dreg:$0xc] =	wrdreg s6  }
0x268: {  	[dreg:$0xb] =	wrdreg s12  }
0x269: {  	[dreg:$0x7] =	wrdreg s4;
	s20 =	sand.u32 $0x60, s10;
	v13 =	vor.u32 $0x7, v7;
	v10 =	vld.idx.msk [tilespmem:v10+s24+$0x0], $0xffff  }
0x26a: {  	s31 =	sadd.s32 $0x2, s31;
	s8 =	sand.u32 $0x1F80, s10;
	v14 =	vor.u32 $0x5, v7;
	v9 =	vld.idx.msk [tilespmem:v9+s24+$0x0], $0xffff;
	s12 =	sor.u32 $0x10, s20  }
0x26b: {  	v11 =	vor.u32 $0x1, v7;
	[tilespmem:s18+$0x0] =	vst v4;
	s17 =	sadd.s32 $0x20, s17;
	s30 =	sadd.s32 $0x8C00, s0;
	v8 =	vld.idx.msk [tilespmem:v8+s24+$0x0], $0xffff;
	s16 =	sor.u32 s8, s12  }
0x26c: {  	v15 =	vor.u32 $0x3, v7;
	s3 =	simm.s32 $0x1C000;
	s28 =	sadd.s32 $0x20, s28;
	s10 =	sadd.s32 $0x20, s10;
	[tilespmem:s14+$0x0] =	vst v0;
	v16 =	vld [tilespmem:s16+$0x1C00]  }
0x26d: {  	v12 =	vor.u32 $0x4, v7;
	p0 =	slt.u32 s31, $0x18E;
	s18 =	sadd.s32 $0xA800, s8;
	s2 =	sadd.s32 $0xC400, s8;
	[tilespmem:s26+$0x7000] =	vst v1;
	v1 =	vld.idx.msk [tilespmem:v7+s3+$0x0], $0xffff  }
0x26e: {  	v4 =	vor.u32 $0x2, v7;
	s0 =	sor.u32 s22, s30;
	s22 =	sor.u32 $0xE000, s8;
	s6 =	sor.u32 s25, s30;
	v0 =	vld.idx.msk [tilespmem:v13+s3+$0x0], $0xffff  }
0x26f: {  	s4 =	sadd.s32 $0xFC00, s8;
	s25 =	sadd.s32 $0x11800, s8;
	s5 =	sadd.s32 $0x13400, s8;
	v7 =	vor.u32 $0x6, v7;
	v61 =	vld.idx.msk [tilespmem:v14+s3+$0x0], $0xffff  }
0x270: {  	s19 =	sor.u32 s12, s18;
	s24 =	sor.u32 s12, s2;
	s29 =	sor.u32 s12, s4;
	[tilespmem:s0+$0x0] =	vst v2;
	v2 =	vld.idx.msk [tilespmem:v11+s3+$0x0], $0xffff  }
0x271: {  	s30 =	sor.u32 s12, s25;
	s14 =	sor.u32 s20, s18;
	s2 =	sor.u32 s20, s2;
	v11 =	vld.idx.msk [tilespmem:v15+s3+$0x0], $0xffff;
	[tilespmem:s11+$0x0] =	vst v3  }
0x272: {  	s18 =	sor.u32 s12, s5;
	s5 =	sor.u32 s20, s5;
	s26 =	sor.u32 s12, s22;
	v12 =	vld.idx.msk [tilespmem:v12+s3+$0x0], $0xffff;
	[tilespmem:s15+$0x0] =	vst v5  }
0x273: {  	s22 =	sor.u32 s20, s22;
	s0 =	sor.u32 s20, s4;
	s4 =	sor.u32 s20, s25;
	v3 =	vld.idx.msk [tilespmem:v4+s3+$0x0], $0xffff;
	[tilespmem:s13+$0x0] =	vst v6;
	v5 =	vshll.u32 v16, $0x3  }
0x274: {  	s25 =	smov.u32 s20;
	s20 =	smov.u32 s8;
	s8 =	smov.u32 s12;
	[tilespmem:s1+$0x0] =	vst v10;
	v6 =	vor.u32 $0x1, v5;
	v4 =	vld.idx.msk [tilespmem:v7+s3+$0x0], $0xffff  }
0x275: {  	s12 =	smov.u32 s16;
	s16 =	rddreg [dreg:$0xb];
	s11 =	smov.u32 s19;
	v62 =	vor.u32 $0x2, v5;
	v7 =	vld [tilespmem:s28+$0x0];
	[tilespmem:s17+$0x0] =	vst v1  }
0x276: {  	s19 =	rddreg [dreg:$0x11];
	s15 =	smov.u32 s24;
	s24 =	simm.s32 $0x1C000;
	v63 =	vor.u32 $0x3, v5;
	[tilespmem:s9+$0x0] =	vst v9  }
0x277: {  	s13 =	smov.u32 s26;
	s26 =	smov.u32 s12;
	s12 =	smov.u32 s4;
	v16 =	vor.u32 $0x4, v5;
	[tilespmem:s7+$0x0] =	vst v8  }
.Ltmp6:
0x278: {  	s1 =	smov.u32 s29;
	s29 =	rddreg [dreg:$0x7];
	[tilespmem:s6+$0x0] =	vst v2;
	v1 =	vld.idx.msk [tilespmem:v5+s24+$0x0], $0xffff;
	(pc) =	sbr.rel @p0 .LBB2_14-.Ltmp6, $4  }
0x279: {  	s4 =	smov.u32 s2;
	s9 =	smov.u32 s30;
	s30 =	rddreg [dreg:$0xc];
	[tilespmem:s21+$0x0] =	vst v3;
	v2 =	vld.idx.msk [tilespmem:v6+s24+$0x0], $0xffff  }
0x27a: {  	s6 =	smov.u32 s0;
	s0 =	smov.u32 s20;
	s7 =	smov.u32 s18;
	[tilespmem:s29+$0x0] =	vst v11;
	v3 =	vld.idx.msk [tilespmem:v62+s24+$0x0], $0xffff  }
0x27b: {  	v10 =	vor.u32 $0x5, v5;
	v9 =	vor.u32 $0x6, v5;
	s18 =	smov.u32 s16;
	s21 =	smov.u32 s14;
	s14 =	smov.u32 s19;
	v8 =	vor.u32 $0x7, v5;
	[tilespmem:s23+$0x0] =	vst v12;
	v5 =	vld.idx.msk [tilespmem:v63+s24+$0x0], $0xffff  }
0x27c: {  	s19 =	smov.u32 s5;
	s23 =	smov.u32 s22;
	s22 =	smov.u32 s8;
	v7 =	vshll.u32 v7, $0x3;
	v6 =	vld.idx.msk [tilespmem:v16+s24+$0x0], $0xffff;
	[tilespmem:s30+$0x0] =	vst v61  }
0x27d: {  	_ =	sdelay $0x3  }
0x27e: {  	v11 =	vor.u32 $0x7, v7;
	v10 =	vld.idx.msk [tilespmem:v10+s24+$0x0], $0xffff  }
0x27f: {  	v12 =	vor.u32 $0x5, v7;
	[tilespmem:s18+$0x0] =	vst v4;
	v9 =	vld.idx.msk [tilespmem:v9+s24+$0x0], $0xffff  }
0x280: {  	v4 =	vor.u32 $0x1, v7;
	s0 =	sadd.s32 $0x8C00, s0;
	v8 =	vld.idx.msk [tilespmem:v8+s24+$0x0], $0xffff;
	[tilespmem:s26+$0x7000] =	vst v1  }
0x281: {  	[tilespmem:s14+$0x0] =	vst v0;
	v0 =	vor.u32 $0x2, v7;
	s2 =	sor.u32 s22, s0  }
0x282: {  	v1 =	vor.u32 $0x3, v7;
	v13 =	vld.idx.msk [tilespmem:v7+s24+$0x0], $0xffff;
	[tilespmem:s2+$0x0] =	vst v2  }
0x283: {  	v2 =	vor.u32 $0x4, v7;
	[tilespmem:s11+$0x0] =	vst v3;
	v11 =	vld.idx.msk [tilespmem:v11+s24+$0x0], $0xffff  }
0x284: {  	v3 =	vor.u32 $0x6, v7;
	[tilespmem:s15+$0x0] =	vst v5;
	v7 =	vld.idx.msk [tilespmem:v12+s24+$0x0], $0xffff  }
0x285: {  	v4 =	vld.idx.msk [tilespmem:v4+s24+$0x0], $0xffff;
	[tilespmem:s13+$0x0] =	vst v6  }
0x286: {  	v0 =	vld.idx.msk [tilespmem:v0+s24+$0x0], $0xffff;
	[tilespmem:s1+$0x0] =	vst v10  }
0x287: {  	v1 =	vld.idx.msk [tilespmem:v1+s24+$0x0], $0xffff;
	[tilespmem:s9+$0x0] =	vst v9  }
0x288: {  	s20 =	sadd.s32 $0x20, s17;
	v2 =	vld.idx.msk [tilespmem:v2+s24+$0x0], $0xffff;
	[tilespmem:s7+$0x0] =	vst v8  }
0x289: {  	s0 =	sor.u32 s25, s0;
	v3 =	vld.idx.msk [tilespmem:v3+s24+$0x0], $0xffff;
	[tilespmem:s20+$0x0] =	vst v13  }
0x28a: {  	[tilespmem:s0+$0x0] =	vst v4  }
0x28b: {  	[tilespmem:s21+$0x0] =	vst v0  }
0x28c: {  	[tilespmem:s4+$0x0] =	vst v1  }
0x28d: {  	[tilespmem:s23+$0x0] =	vst v2  }
0x28e: {  	[tilespmem:s6+$0x0] =	vst v7  }
0x28f: {  	[tilespmem:s12+$0x0] =	vst v3  }
0x290: {  	[tilespmem:s19+$0x0] =	vst v11  }
0x291: {  	s2 =	sld [smem:$0x7FB];
	_ =	sdelay $0x1  }
0x292: {  	s20 =	simm.s32 $0x20000;
	s21 =	simm.s32 $0x7000;
	s19 =	simm.s32 $0x400  }
0x293: {  	[hbm4b:s2+s19] =	stream.strided.scatter [tilespmem:s21], [sflag:$0x5], $0x1800, s20, s19, $0x38;
	[tilespmem:$0x1C100] =	vst v63  }
0x294: {  	s23 =	simm.s32 $0x8C00;
	s22 =	sadd.s32 $0x1C000, s2  }
0x295: {  	[hbm4b:s22+s19] =	stream.strided.scatter [tilespmem:s23], [sflag:$0x5], $0x1800, s20, s19, $0x38;
	[tilespmem:$0x1C100] =	vst v63  }
0x296: {  	s26 =	simm.s32 $0xA800;
	s25 =	sadd.s32 $0x38000, s2  }
0x297: {  	[hbm4b:s25+s19] =	stream.strided.scatter [tilespmem:s26], [sflag:$0x5], $0x1800, s20, s19, $0x38;
	[tilespmem:$0x1C100] =	vst v63  }
0x298: {  	s29 =	simm.s32 $0xC400;
	s28 =	sadd.s32 $0x54000, s2  }
0x299: {  	[hbm4b:s28+s19] =	stream.strided.scatter [tilespmem:s29], [sflag:$0x5], $0x1800, s20, s19, $0x38;
	[tilespmem:$0x1C100] =	vst v63  }
0x29a: {  	s31 =	simm.s32 $0xE000;
	s30 =	sadd.s32 $0x70000, s2  }
0x29b: {  	[hbm4b:s30+s19] =	stream.strided.scatter [tilespmem:s31], [sflag:$0x5], $0x1800, s20, s19, $0x38;
	[tilespmem:$0x1C100] =	vst v63  }
0x29c: {  	s3 =	simm.s32 $0xFC00;
	s1 =	sadd.s32 $0x8C000, s2  }
0x29d: {  	[hbm4b:s1+s19] =	stream.strided.scatter [tilespmem:s3], [sflag:$0x5], $0x1800, s20, s19, $0x38;
	[tilespmem:$0x1C100] =	vst v63  }
0x29e: {  	s5 =	simm.s32 $0x11800;
	s4 =	sadd.s32 $0xA8000, s2  }
0x29f: {  	[hbm4b:s4+s19] =	stream.strided.scatter [tilespmem:s5], [sflag:$0x5], $0x1800, s20, s19, $0x38;
	[tilespmem:$0x1C100] =	vst v63  }
0x2a0: {  	s7 =	simm.s32 $0x13400;
	s6 =	sadd.s32 $0xC4000, s2  }
0x2a1: {  	[hbm4b:s6+s19] =	stream.strided.scatter [tilespmem:s7], [sflag:$0x5], $0x1800, s20, s19, $0x38;
	[tilespmem:$0x1C100] =	vst v63  }
0x2a2: {  	s9 =	simm.s32 $0x0;
	s8 =	sadd.s32 $0x18000, s2;
	s3 =	simm.s32 $0x8800  }
0x2a3: {  	[hbm4b:s8+s9] =	stream.linear.scatter [tilespmem:s3], [sflag:$0x5], $0x100, $0x38;
	[tilespmem:$0x1C100] =	vst v63  }
0x2a4: {  	s11 =	simm.s32 $0xA400;
	s10 =	sadd.s32 $0x34000, s2  }
0x2a5: {  	[hbm4b:s10+s9] =	stream.linear.scatter [tilespmem:s11], [sflag:$0x5], $0x100, $0x38;
	[tilespmem:$0x1C100] =	vst v63  }
0x2a6: {  	s13 =	simm.s32 $0xC000;
	s12 =	sadd.s32 $0x50000, s2  }
0x2a7: {  	[hbm4b:s12+s9] =	stream.linear.scatter [tilespmem:s13], [sflag:$0x5], $0x100, $0x38;
	[tilespmem:$0x1C100] =	vst v63  }
0x2a8: {  	s15 =	simm.s32 $0xDC00;
	s14 =	sadd.s32 $0x6C000, s2  }
0x2a9: {  	[hbm4b:s14+s9] =	stream.linear.scatter [tilespmem:s15], [sflag:$0x5], $0x100, $0x38;
	[tilespmem:$0x1C100] =	vst v63  }
0x2aa: {  	s17 =	simm.s32 $0xF800;
	s16 =	sadd.s32 $0x88000, s2  }
0x2ab: {  	[hbm4b:s16+s9] =	stream.linear.scatter [tilespmem:s17], [sflag:$0x5], $0x100, $0x38;
	[tilespmem:$0x1C100] =	vst v63  }
0x2ac: {  	s18 =	sadd.s32 $0xA4000, s2;
	s21 =	simm.s32 $0x11400  }
0x2ad: {  	[hbm4b:s18+s9] =	stream.linear.scatter [tilespmem:s21], [sflag:$0x5], $0x100, $0x38;
	[tilespmem:$0x1C100] =	vst v63  }
0x2ae: {  	s22 =	sadd.s32 $0xC0000, s2;
	s23 =	simm.s32 $0x13000  }
0x2af: {  	[hbm4b:s22+s9] =	stream.linear.scatter [tilespmem:s23], [sflag:$0x5], $0x100, $0x38;
	[tilespmem:$0x1C100] =	vst v63  }
0x2b0: {  	s25 =	sadd.s32 $0xDC000, s2;
	s26 =	simm.s32 $0x14C00;
	s28 =	simm.s32 $0x4  }
0x2b1: {  	[hbm4b:s25+s9] =	stream.linear.scatter [tilespmem:s26], [sflag:$0x5], $0x100, $0x38;
	[tilespmem:$0x1C100] =	vst v63  }
0x2b2: {  	_ =	swait.ge [sflag:s28], $0x1900  }
0x2b3: {  	[sflag:s28] =	ssyncset.done $0x0  }
0x2b4: {  	s29 =	simm.s32 $0x6;
	[sflag:s28] =	ssyncadd.s32 $0xFFFFE700  }
0x2b5: {  	_ =	swait.ge [sflag:s29], $0x6400  }
0x2b6: {  	s30 =	simm.s32 $0x5400;
	s3 =	sand.u32 $0x60, s9;
	[sflag:s29] =	ssyncset.done $0x0  }
0x2b7: {  	s6 =	sor.u32 $0x10, s3;
	s9 =	sand.u32 $0x1F80, s9;
	[sflag:s29] =	ssyncadd.s32 $0xFFFF9C00  }
0x2b8: {  	s13 =	sor.u32 s9, s6;
	v0 =	vld [tilespmem:s30+$0x0]  }
0x2b9: {  	v1 =	vld [tilespmem:s13+$0x5400];
	_ =	sdelay $0x3  }
0x2ba: {  	s31 =	simm.s32 $0x20;
	v3 =	vshll.u32 v0, $0x2  }
0x2bb: {  	s0 =	sand.u32 $0x60, s31;
	v4 =	vshll.u32 v1, $0x2  }
0x2bc: {  	s2 =	sand.u32 $0x1F80, s31;
	s1 =	sor.u32 $0x10, s0;
	s7 =	simm.s32 $0x5420;
	v5 =	vor.u32 $0x1, v4  }
0x2bd: {  	s4 =	sor.u32 s2, s1;
	v9 =	vld [tilespmem:s7+$0x0];
	v10 =	vor.u32 $0x2, v4  }
0x2be: {  	s18 =	simm.s32 $0x1C080;
	v8 =	vld [tilespmem:s4+$0x5400];
	v2 =	vor.u32 $0x1, v3  }
0x2bf: {  	v11 =	vor.u32 $0x3, v4;
	v0 =	vld.idx.msk [tilespmem:v3+s18+$0x0], $0xffff  }
0x2c0: {  	v63 =	vor.u32 $0x2, v3;
	v7 =	vld.idx.msk [tilespmem:v4+s18+$0x0], $0xffff  }
0x2c1: {  	v6 =	vld.idx.msk [tilespmem:v5+s18+$0x0], $0xffff  }
0x2c2: {  	v5 =	vld.idx.msk [tilespmem:v10+s18+$0x0], $0xffff;
	v10 =	vor.u32 $0x3, v3  }
0x2c3: {  	v1 =	vld.idx.msk [tilespmem:v2+s18+$0x0], $0xffff  }
0x2c4: {  	v2 =	vshll.u32 v9, $0x2;
	v4 =	vld.idx.msk [tilespmem:v11+s18+$0x0], $0xffff  }
0x2c5: {  	s5 =	simm.s32 $0x15000;
	s10 =	simm.s32 $0x2;
	s11 =	simm.s32 $0x40;
	v3 =	vld.idx.msk [tilespmem:v63+s18+$0x0], $0xffff;
	v9 =	vor.u32 $0x1, v2  }
.LBB2_16:
0x2c6: {  	s8 =	sand.u32 $0x1F80, s11  }
0x2c7: {  	v11 =	vshll.u32 v8, $0x2;
	s7 =	sadd.s32 $0x20, s7;
	v12 =	vld.idx.msk [tilespmem:v10+s18+$0x0], $0xffff;
	[tilespmem:s5+$0x0] =	vst v0;
	s12 =	sadd.s32 $0x16C00, s9;
	s14 =	sand.u32 $0x60, s11  }
0x2c8: {  	s15 =	sadd.s32 $0x18800, s9;
	s9 =	sadd.s32 $0x1A400, s9;
	v13 =	vld [tilespmem:s7+$0x0];
	v14 =	vor.u32 $0x1, v11;
	[tilespmem:s13+$0x15000] =	vst v7;
	s13 =	sor.u32 s6, s12  }
0x2c9: {  	s10 =	sadd.s32 $0x2, s10;
	s16 =	sor.u32 $0x10, s14;
	v15 =	vor.u32 $0x2, v11;
	v0 =	vld.idx.msk [tilespmem:v2+s18+$0x0], $0xffff;
	[tilespmem:s13+$0x0] =	vst v6;
	s13 =	sor.u32 s6, s15  }
0x2ca: {  	v17 =	vor.u32 $0x3, v11;
	s12 =	sor.u32 s3, s12;
	s17 =	sor.u32 s8, s16;
	s6 =	sor.u32 s6, s9;
	v16 =	vld.idx.msk [tilespmem:v9+s18+$0x0], $0xffff;
	[tilespmem:s13+$0x0] =	vst v5  }
0x2cb: {  	v18 =	vor.u32 $0x2, v2;
	p0 =	slt.u32 s10, $0x18E;
	s13 =	sor.u32 s3, s15;
	s15 =	sor.u32 s3, s9;
	v8 =	vld [tilespmem:s17+$0x5400];
	[tilespmem:s6+$0x0] =	vst v4  }
.Ltmp7:
0x2cc: {  	v10 =	vor.u32 $0x3, v2;
	s9 =	smov.u32 s2;
	v7 =	vld.idx.msk [tilespmem:v11+s18+$0x0], $0xffff;
	[tilespmem:s12+$0x0] =	vst v1;
	(pc) =	sbr.rel @p0 .LBB2_16-.Ltmp7, $4  }
0x2cd: {  	s2 =	smov.u32 s8;
	s3 =	smov.u32 s0;
	s0 =	smov.u32 s14;
	v6 =	vld.idx.msk [tilespmem:v14+s18+$0x0], $0xffff;
	[tilespmem:s13+$0x0] =	vst v3  }
0x2ce: {  	s6 =	smov.u32 s1;
	s1 =	smov.u32 s16;
	v2 =	vshll.u32 v13, $0x2;
	s13 =	smov.u32 s4;
	v5 =	vld.idx.msk [tilespmem:v15+s18+$0x0], $0xffff;
	[tilespmem:s15+$0x0] =	vst v12  }
0x2cf: {  	s4 =	smov.u32 s17;
	v9 =	vor.u32 $0x1, v2;
	v4 =	vld.idx.msk [tilespmem:v17+s18+$0x0], $0xffff  }
0x2d0: {  	s11 =	sadd.s32 $0x20, s11;
	s5 =	sadd.s32 $0x20, s5;
	v1 =	vmov v16;
	v3 =	vld.idx.msk [tilespmem:v18+s18+$0x0], $0xffff  }
0x2d1: {  	_ =	sdelay $0x1  }
0x2d2: {  	v8 =	vshll.u32 v8, $0x2  }
0x2d3: {  	s7 =	sadd.s32 $0x16C00, s9;
	[tilespmem:s13+$0x15000] =	vst v7;
	v11 =	vor.u32 $0x1, v8  }
0x2d4: {  	v10 =	vld.idx.msk [tilespmem:v10+s18+$0x0], $0xffff;
	v57 =	vor.u32 $0x2, v2;
	[tilespmem:s5+$0x0] =	vst v0;
	s10 =	sor.u32 s6, s7  }
0x2d5: {  	s8 =	sadd.s32 $0x18800, s9;
	v55 =	vld.idx.msk [tilespmem:v2+s18+$0x0], $0xffff;
	v12 =	vor.u32 $0x2, v8;
	s17 =	sor.u32 s3, s7;
	[tilespmem:s10+$0x0] =	vst v6  }
0x2d6: {  	s14 =	sadd.s32 $0x1A400, s9;
	v56 =	vld.idx.msk [tilespmem:v9+s18+$0x0], $0xffff;
	v58 =	vor.u32 $0x3, v2;
	s15 =	sor.u32 s6, s8;
	[tilespmem:s17+$0x0] =	vst v1  }
0x2d7: {  	v13 =	vor.u32 $0x3, v8;
	s16 =	sor.u32 s6, s14;
	[tilespmem:s15+$0x0] =	vst v5;
	v59 =	vld.idx.msk [tilespmem:v8+s18+$0x0], $0xffff  }
0x2d8: {  	s21 =	sor.u32 s3, s8;
	[tilespmem:s16+$0x0] =	vst v4;
	v60 =	vld.idx.msk [tilespmem:v11+s18+$0x0], $0xffff  }
0x2d9: {  	s22 =	sor.u32 s3, s14;
	[tilespmem:s21+$0x0] =	vst v3;
	v63 =	vld.idx.msk [tilespmem:v57+s18+$0x0], $0xffff  }
0x2da: {  	s23 =	sadd.s32 $0x20, s5;
	[tilespmem:s22+$0x0] =	vst v10;
	v61 =	vld.idx.msk [tilespmem:v12+s18+$0x0], $0xffff  }
0x2db: {  	s25 =	sadd.s32 $0x16C00, s2;
	v2 =	vld.idx.msk [tilespmem:v58+s18+$0x0], $0xffff;
	[tilespmem:s23+$0x0] =	vst v55  }
0x2dc: {  	s28 =	sor.u32 s1, s25;
	v62 =	vld.idx.msk [tilespmem:v13+s18+$0x0], $0xffff;
	[tilespmem:s4+$0x15000] =	vst v59  }
0x2dd: {  	s26 =	sadd.s32 $0x18800, s2;
	s4 =	sor.u32 s0, s25;
	[tilespmem:s28+$0x0] =	vst v60  }
0x2de: {  	s30 =	sor.u32 s1, s26;
	[tilespmem:s4+$0x0] =	vst v56  }
0x2df: {  	s29 =	sadd.s32 $0x1A400, s2;
	s6 =	sor.u32 s0, s26;
	[tilespmem:s30+$0x0] =	vst v61  }
0x2e0: {  	s31 =	sor.u32 s1, s29;
	[tilespmem:s6+$0x0] =	vst v63  }
0x2e1: {  	s7 =	sor.u32 s0, s29;
	[tilespmem:s31+$0x0] =	vst v62  }
0x2e2: {  	[tilespmem:s7+$0x0] =	vst v2  }
0x2e3: {  	s1 =	sld [smem:$0x7FC];
	_ =	sdelay $0x1  }
0x2e4: {  	s8 =	simm.s32 $0x15000  }
0x2e5: {  	[hbm4b:s1+s19] =	stream.strided.scatter [tilespmem:s8], [sflag:$0x6], $0x1800, s20, s19, $0x38;
	[tilespmem:$0x1C100] =	vst v63  }
0x2e6: {  	s10 =	simm.s32 $0x16C00;
	s9 =	sadd.s32 $0x1C000, s1  }
0x2e7: {  	[hbm4b:s9+s19] =	stream.strided.scatter [tilespmem:s10], [sflag:$0x6], $0x1800, s20, s19, $0x38;
	[tilespmem:$0x1C100] =	vst v63  }
0x2e8: {  	s12 =	simm.s32 $0x18800;
	s11 =	sadd.s32 $0x38000, s1  }
0x2e9: {  	[hbm4b:s11+s19] =	stream.strided.scatter [tilespmem:s12], [sflag:$0x6], $0x1800, s20, s19, $0x38;
	[tilespmem:$0x1C100] =	vst v63  }
0x2ea: {  	s14 =	simm.s32 $0x1A400;
	s13 =	sadd.s32 $0x54000, s1  }
0x2eb: {  	[hbm4b:s13+s19] =	stream.strided.scatter [tilespmem:s14], [sflag:$0x6], $0x1800, s20, s19, $0x38;
	[tilespmem:$0x1C100] =	vst v63  }
0x2ec: {  	s16 =	simm.s32 $0x16800;
	s15 =	sadd.s32 $0x18000, s1;
	s8 =	simm.s32 $0x0  }
0x2ed: {  	[hbm4b:s15+s8] =	stream.linear.scatter [tilespmem:s16], [sflag:$0x6], $0x100, $0x38;
	[tilespmem:$0x1C100] =	vst v63  }
0x2ee: {  	s21 =	simm.s32 $0x18400;
	s17 =	sadd.s32 $0x34000, s1  }
0x2ef: {  	[hbm4b:s17+s8] =	stream.linear.scatter [tilespmem:s21], [sflag:$0x6], $0x100, $0x38;
	[tilespmem:$0x1C100] =	vst v63  }
0x2f0: {  	s23 =	simm.s32 $0x1A000;
	s22 =	sadd.s32 $0x50000, s1  }
0x2f1: {  	[hbm4b:s22+s8] =	stream.linear.scatter [tilespmem:s23], [sflag:$0x6], $0x100, $0x38;
	[tilespmem:$0x1C100] =	vst v63  }
0x2f2: {  	s26 =	simm.s32 $0x1BC00;
	s28 =	simm.s32 $0x5;
	s25 =	sadd.s32 $0x6C000, s1  }
0x2f3: {  	[hbm4b:s25+s8] =	stream.linear.scatter [tilespmem:s26], [sflag:$0x6], $0x100, $0x38;
	[tilespmem:$0x1C100] =	vst v63  }
0x2f4: {  	_ =	swait.ge [sflag:s28], $0xC800  }
0x2f5: {  	[sflag:s28] =	ssyncset.done $0x0  }
0x2f6: {  	s29 =	simm.s32 $0x6;
	[sflag:s28] =	ssyncadd.s32 $0xFFFF3800  }
0x2f7: {  	_ =	swait.ge [sflag:s29], $0x6400  }
0x2f8: {  	s30 =	sld [smem:$0x7F6]  }
0x2f9: {  	s31 =	sld [smem:$0x7FD];
	_ =	sdelay $0x1  }
0x2fa: {  	s2 =	sadd.s32 $0x1, s30  }
0x2fb: {  	p0 =	sne.s32 s2, s31  }
.Ltmp8:
0x2fc: {  	_ = 	snop;
	(pc) =	sbr.rel @p0 .LBB2_1-.Ltmp8, $3  }
0x2fd: {  	_ =	sdelay $0x1  }
0x2fe: {  	[sflag:s29] =	ssyncset.done $0x0  }
0x2ff: {  	[sflag:s29] =	ssyncadd.s32 $0xFFFF9C00  }
0x300: {  	_ =	sfence.sel $0x180000  }
0x301: {  	[bflag:$0x0] =	sbarrier.arrive $0xFFFF  }
0x302: {  	_ =	strace $0x90000047  }
0x303: {  	s0 =	stileid.u32;
	[bflag:$0x2] =	sbarrier.arrive $0xFFFF  }
0x304: {  	p0 =	sne.s32 s0, $0x0;
	s0 =	rddreg [dreg:$0x4]  }
0x305: {  	s0 =	sadd.s32 @!p0 $0x100000, s0  }
0x306: {  	[sflag:s0] =	ssyncadd.tile.s32 @!p0 $0x1;
	_ =	shalt  }
.Lfunc_end2:
_tile_overlayer_lowered:
.L_overlay_start_2:
0x307: {  	(tag) =	ssettag $0x2  }
0x308: {  	s0 =	rddreg [dreg:$0x0];
	s2 =	stileid.u32  }
0x309: {  	s1 =	rddreg [dreg:$0x1];
	p0 =	sne.s32 s2, $0x0  }
0x30a: {  	s3 =	rddreg [dreg:$0x2];
	[bflag:$0x3] =	sbarrier.arrive $0xFFFF;
	s2 =	simm.s32 @!p0 $0x1C07  }
0x30b: {  	[timem:s3], [sflag:s2] =	dma.local @!p0 [hbm:s0], s1  }
0x30c: {  	s0 =	simm.s32 @!p0 $0x7  }
0x30d: {  	_ =	swait.ge @!p0 [sflag:s0], s1  }
0x30e: {  	s1 =	ssub.s32 @!p0 $0x0, s1;
	[sflag:s0] =	ssyncset.done @!p0 $0x0  }
0x30f: {  	[sflag:s0] =	ssyncadd.s32 @!p0 s1  }
0x310: {  	[bflag:$0x3] =	sbarrier.arrive $0xFFFF  }
0x311: {  	_ =	shalt  }

</sc_bundles>
